<compile_context>
chip_gen: v7x
topology: tpu7x:2x2x1
jax: 0.10.2.dev20260603
libtpu: 0.0.44.dev20260713+nightly
codegen_flags: <defaults>
</compile_context>

<pallas_src>
import functools

import jax
import jax.numpy as jnp
from jax import lax
from jax.experimental import pallas as pl
from jax.experimental.pallas import tpu as pltpu
from jax.experimental.pallas import tpu_sc as plsc

N = 10000
D = 128

NC = 2
NS = 16
NW = NC * NS
CHUNK = 128
RING = 2
NCHE = 80
K0 = 80
K1 = 80
TOT_CH = NS * (K0 + K1)
E_PAD = TOT_CH * CHUNK
N_PAD = 10240
ROWS_SUB = N_PAD // NS
ROW_CH = ROWS_SUB // CHUNK

_MESH = plsc.VectorSubcoreMesh(
    core_axis_name="c", subcore_axis_name="s", num_cores=NC, num_subcores=NS
)


WCH = 128


def _sc_agg_body(h_hbm, src_hbm, dst_hbm, zeros_hbm, agg_out,
                 agg_s, rows_v, *rest):
    srcc = list(rest[0:RING])
    dstc = list(rest[RING:2 * RING])
    gsem = list(rest[2 * RING:3 * RING])
    ssem = list(rest[3 * RING:4 * RING])
    c = lax.axis_index("c")
    s = lax.axis_index("s")
    q0 = jnp.where(c == 0, s * K0, NS * K0 + s * K1)
    kc = jnp.where(c == 0, K0, K1)

    base = s * ROWS_SUB
    for t in range(ROW_CH):
        pltpu.async_copy(zeros_hbm, agg_s.at[pl.ds(base + t * WCH, WCH)],
                         ssem[0])
    for r in range(RING - 1):
        pltpu.sync_copy(src_hbm.at[q0 + r], srcc[r])
        pltpu.sync_copy(dst_hbm.at[q0 + r], dstc[r])
    for r in range(RING - 1):
        pltpu.async_copy(h_hbm.at[srcc[r]], rows_v.at[r, pl.ds(0, CHUNK)],
                         gsem[r])
    for t in range(ROW_CH):
        pltpu.make_async_copy(zeros_hbm,
                              agg_s.at[pl.ds(base + t * WCH, WCH)],
                              ssem[0]).wait()
    plsc.subcore_barrier()

    def ring_body(i, carry):
        for b in range(RING):
            j = RING * i + b
            nb = (b + RING - 1) % RING

            @pl.when(j >= 1)
            def _():
                pltpu.make_async_copy(zeros_hbm,
                                      rows_v.at[nb, pl.ds(0, CHUNK)],
                                      ssem[nb]).wait()

            @pl.when(j + RING - 1 < kc)
            def _():
                pltpu.sync_copy(src_hbm.at[q0 + j + RING - 1], srcc[nb])
                pltpu.sync_copy(dst_hbm.at[q0 + j + RING - 1], dstc[nb])
                pltpu.async_copy(h_hbm.at[srcc[nb]],
                                 rows_v.at[nb, pl.ds(0, CHUNK)], gsem[nb])

            pltpu.make_async_copy(zeros_hbm, rows_v.at[b, pl.ds(0, CHUNK)],
                                  gsem[b]).wait()
            pltpu.async_copy(rows_v.at[b, pl.ds(0, CHUNK)],
                             agg_s.at[dstc[b]], ssem[b], add=True)
        return carry

    lax.fori_loop(0, kc // RING, ring_body, 0)
    pltpu.make_async_copy(zeros_hbm, rows_v.at[(RING - 1) % RING,
                                               pl.ds(0, CHUNK)],
                          ssem[(RING - 1) % RING]).wait()
    plsc.subcore_barrier()

    for t in range(ROW_CH):
        r = base + t * WCH
        pltpu.async_copy(agg_s.at[pl.ds(r, WCH)],
                         agg_out.at[c, pl.ds(r, WCH)], gsem[0])
    for t in range(ROW_CH):
        r = base + t * WCH
        pltpu.make_async_copy(zeros_hbm, agg_out.at[c, pl.ds(r, WCH)],
                              gsem[0]).wait()


_sc_agg = pl.kernel(
    _sc_agg_body,
    out_type=jax.ShapeDtypeStruct((NC, N_PAD, D), jnp.float32),
    mesh=_MESH,
    scratch_types=[
        pltpu.VMEM_SHARED((N_PAD, D), jnp.float32),
        pltpu.VMEM((RING, CHUNK, D), jnp.float32),
    ] + [pltpu.VMEM((CHUNK,), jnp.int32)] * (2 * RING)
      + [pltpu.SemaphoreType.DMA] * (2 * RING),
    name="sage_sc_agg",
)


COLS_SUB = N_PAD // NS


def _sc_deg_body(dst_hbm, deg_out, hists_s, hist_v, dstv_v, stage_v, comb_v):
    c = lax.axis_index("c")
    s = lax.axis_index("s")
    wid = s * NC + c

    zero16 = jnp.zeros((16,), jnp.float32)

    def zbody(i, carry):
        hist_v[pl.ds(i * 16, 16)] = zero16
        return carry

    lax.fori_loop(0, N_PAD // 16, zbody, 0)
    pltpu.sync_copy(dst_hbm.at[pl.ds(wid * NCHE, NCHE)], dstv_v)

    ones = jnp.ones((16,), jnp.float32)

    gpr = CHUNK // 16

    def hbody(e, carry):
        idx = dstv_v[e // gpr, pl.ds((e % gpr) * 16, 16)]
        plsc.addupdate_scatter(hist_v, [idx], ones)
        return carry

    lax.fori_loop(0, (NCHE * CHUNK) // 16, hbody, 0)

    pltpu.sync_copy(hist_v, hists_s.at[s])
    plsc.subcore_barrier()

    cols = s * COLS_SUB
    pltpu.sync_copy(hists_s.at[:, pl.ds(cols, COLS_SUB)], stage_v)

    def cbody(k, carry):
        o = k * 16
        acc = stage_v[0, pl.ds(o, 16)]
        for r in range(1, NS):
            acc = acc + stage_v[r, pl.ds(o, 16)]
        comb_v[pl.ds(o, 16)] = acc
        return carry

    lax.fori_loop(0, COLS_SUB // 16, cbody, 0)
    pltpu.sync_copy(comb_v, deg_out.at[c, pl.ds(cols, COLS_SUB)])


_sc_deg = pl.kernel(
    _sc_deg_body,
    out_type=jax.ShapeDtypeStruct((NC, N_PAD), jnp.float32),
    mesh=_MESH,
    scratch_types=[
        pltpu.VMEM_SHARED((NS, N_PAD), jnp.float32),
        pltpu.VMEM((N_PAD,), jnp.float32),
        pltpu.VMEM((NCHE, CHUNK), jnp.int32),
        pltpu.VMEM((NS, COLS_SUB), jnp.float32),
        pltpu.VMEM((COLS_SUB,), jnp.float32),
    ],
    compiler_params=pltpu.CompilerParams(needs_layout_passes=False),
    name="sage_sc_deg",
)


R = 1024


def _tc_body(relu, x_ref, a0_ref, a1_ref, d0_ref, d1_ref, ws_ref, wn_ref,
             b_ref, o_ref):
    deg = jnp.maximum(d0_ref[...] + d1_ref[...], 1.0)
    hn = (a0_ref[...] + a1_ref[...]) / deg
    y = (
        jnp.dot(x_ref[...], ws_ref[...], preferred_element_type=jnp.float32)
        + jnp.dot(hn, wn_ref[...], preferred_element_type=jnp.float32)
        + b_ref[...]
    )
    o_ref[...] = jnp.maximum(y, 0.0) if relu else y


def _tc_layer(x_pad, a0, a1, d0, d1, WsT, WnT, b, relu):
    body = functools.partial(_tc_body, relu)
    grid = N_PAD // R
    row_spec = pl.BlockSpec((R, D), lambda i: (i, 0))
    deg_spec = pl.BlockSpec((R, 1), lambda i: (i, 0))
    w_spec = pl.BlockSpec((D, D), lambda i: (0, 0))
    b_spec = pl.BlockSpec((1, D), lambda i: (0, 0))
    return pl.pallas_call(
        body,
        grid=(grid,),
        in_specs=[row_spec, row_spec, row_spec, deg_spec, deg_spec,
                  w_spec, w_spec, b_spec],
        out_specs=row_spec,
        out_shape=jax.ShapeDtypeStruct((N_PAD, D), jnp.float32),
    )(x_pad, a0, a1, d0, d1, WsT, WnT, b.reshape(1, D))


def kernel(x, edge_index, Ws1, Wn1, b1, Ws2, Wn2, b2):
    src = edge_index[0]
    dst = edge_index[1]
    E = src.shape[0]
    pad = E_PAD - E
    src_p = jnp.concatenate([src, jnp.zeros((pad,), jnp.int32)])
    dst_p = jnp.concatenate([dst, jnp.full((pad,), N, jnp.int32)])
    src3 = src_p.reshape(TOT_CH, CHUNK)
    dst3 = dst_p.reshape(TOT_CH, CHUNK)

    x_pad = jnp.zeros((N_PAD, D), jnp.float32).at[:N].set(x)
    zeros_rows = jnp.zeros((CHUNK, D), jnp.float32)

    deg = _sc_deg(dst3)
    d0 = deg[0].reshape(N_PAD, 1)
    d1 = deg[1].reshape(N_PAD, 1)
    agg1 = _sc_agg(x_pad, src3, dst3, zeros_rows)
    h1 = _tc_layer(x_pad, agg1[0], agg1[1], d0, d1,
                   Ws1.T, Wn1.T, b1, relu=True)
    agg2 = _sc_agg(h1, src3, dst3, zeros_rows)
    out = _tc_layer(h1, agg2[0], agg2[1], d0, d1,
                    Ws2.T, Wn2.T, b2, relu=False)
    return out[:N]

# --- scband reference (transcript-rebuilt; emitter-appended) ---
"""Pipeline reference for scband-sage-54391465836676 (READ-ONLY COPY).

The authoritative reference and input builder live on the scoring server;
editing this copy changes nothing except your own understanding.
"""

import jax, jax.numpy as jnp
import numpy as np

N = 10000
E = 320000
D_IN = 128
D_HID = 128
D_OUT = 128


def setup_inputs(seed: int = 0) -> dict:
    key = jax.random.key(seed)
    ks = jax.random.split(key, 9)
    x = jax.random.normal(ks[0], (N, D_IN), dtype=jnp.float32)
    edge_index = jax.random.randint(ks[1], (2, E), 0, N, dtype=jnp.int32)
    s_in = 1.0 / np.sqrt(D_IN)
    s_hid = 1.0 / np.sqrt(D_HID)
    Ws1 = jax.random.normal(ks[2], (D_HID, D_IN), dtype=jnp.float32) * s_in
    Wn1 = jax.random.normal(ks[3], (D_HID, D_IN), dtype=jnp.float32) * s_in
    b1 = jax.random.normal(ks[4], (D_HID,), dtype=jnp.float32) * 0.01
    Ws2 = jax.random.normal(ks[5], (D_OUT, D_HID), dtype=jnp.float32) * s_hid
    Wn2 = jax.random.normal(ks[6], (D_OUT, D_HID), dtype=jnp.float32) * s_hid
    b2 = jax.random.normal(ks[7], (D_OUT,), dtype=jnp.float32) * 0.01
    return {"x": x, "edge_index": edge_index, "Ws1": Ws1, "Wn1": Wn1, "b1": b1,
            "Ws2": Ws2, "Wn2": Wn2, "b2": b2}


def _sage_layer(h, src, dst, Ws, Wn, b):
    # DGL SAGEConv 'mean': rst = fc_self(h_self) + fc_neigh(mean_{u in N(v)} h_u) + bias
    msg = jnp.take(h, src, axis=0)                              # gather over edges
    agg = jax.ops.segment_sum(msg, dst, num_segments=N)         # scatter-add by dst
    deg = jax.ops.segment_sum(jnp.ones((src.shape[0],), jnp.float32), dst, num_segments=N)
    deg = jnp.maximum(deg, 1.0)
    h_neigh = agg / deg[:, None]
    return h @ Ws.T + h_neigh @ Wn.T + b


def reference(x, edge_index, Ws1, Wn1, b1, Ws2, Wn2, b2):
    src = edge_index[0]
    dst = edge_index[1]
    h = _sage_layer(x, src, dst, Ws1, Wn1, b1)
    h = jax.nn.relu(h)
    # dropout is identity in eval/inference mode
    h = _sage_layer(h, src, dst, Ws2, Wn2, b2)
    return h

if __name__ == "__main__":
    import jax
    _d = setup_inputs()
    print(jax.jit(kernel)(*tuple(_d.values())))

</pallas_src>

<mosaic_0001>
#map = affine_map<(d0, d1) -> (0, 0)>
#map1 = affine_map<(d0, d1) -> (0, 0, 0)>
module attributes {stable_mosaic.version = 14 : i64} {
  func.func @sage_sc_agg(%arg0: i32, %arg1: i32, %arg2: memref<10240x128xf32, #tpu.memory_space<hbm>>, %arg3: memref<2560x128xi32, #tpu.memory_space<hbm>>, %arg4: memref<2560x128xi32, #tpu.memory_space<hbm>>, %arg5: memref<128x128xf32, #tpu.memory_space<hbm>>, %arg6: memref<2x10240x128xf32, #tpu.memory_space<hbm>>, %arg7: memref<10240x128xf32, #tpu.memory_space<vmem_shared>>, %arg8: memref<2x128x128xf32, #tpu.memory_space<vmem>>, %arg9: memref<128xi32, #tpu.memory_space<vmem>>, %arg10: memref<128xi32, #tpu.memory_space<vmem>>, %arg11: memref<128xi32, #tpu.memory_space<vmem>>, %arg12: memref<128xi32, #tpu.memory_space<vmem>>, %arg13: memref<!tpu.dma_semaphore, #tpu.memory_space<semaphore_mem>>, %arg14: memref<!tpu.dma_semaphore, #tpu.memory_space<semaphore_mem>>, %arg15: memref<!tpu.dma_semaphore, #tpu.memory_space<semaphore_mem>>, %arg16: memref<!tpu.dma_semaphore, #tpu.memory_space<semaphore_mem>>) attributes {dimension_semantics = [#tpu.dimension_semantics<core_parallel>, #tpu.dimension_semantics<subcore_parallel>], iteration_bounds = array<i64: 2, 16>, scalar_prefetch = 0 : i64, scratch_operands = 10 : i64, tpu.core_type = #tpu.core_type<sc_vector_subcore>, window_params = [{transform_indices = #map}, {transform_indices = #map}, {transform_indices = #map}, {transform_indices = #map}, {transform_indices = #map1}]} {
    %eq3A = arith.constant 0 : i32
    %eq3A_0 = arith.cmpi eq, %arg0, %eq3A : i32
    %mul3A = arith.constant 80 : i32
    %mul3A_1 = arith.muli %arg1, %mul3A : i32
    %mul3A_2 = arith.constant 80 : i32
    %mul3A_3 = arith.muli %arg1, %mul3A_2 : i32
    %add3A = arith.constant 1280 : i32
    %add3A_4 = arith.addi %add3A, %mul3A_3 : i32
    %select_n3A = arith.select %eq3A_0, %mul3A_1, %add3A_4 : i32
    %eq3A_5 = arith.constant 0 : i32
    %eq3A_6 = arith.cmpi eq, %arg0, %eq3A_5 : i32
    %jit3A = arith.constant 80 : i32
    %jit3A_7 = arith.constant 80 : i32
    %select_n3A_8 = arith.select %eq3A_6, %jit3A, %jit3A_7 : i32
    %mul3A_9 = arith.constant 640 : i32
    %mul3A_10 = arith.muli %arg1, %mul3A_9 : i32
    %add3A_11 = arith.constant 0 : i32
    %add3A_12 = arith.addi %mul3A_10, %add3A_11 : i32
    %dma_start3A = arith.constant 0 : i32
    %dma_start3A_13 = tpu.memref_slice %arg7[%add3A_12, %dma_start3A] : memref<10240x128xf32, #tpu.memory_space<vmem_shared>> -> memref<128x128xf32, #tpu.memory_space<vmem_shared>>
    tpu.enqueue_dma source(%arg5 : memref<128x128xf32, #tpu.memory_space<hbm>>) target(%dma_start3A_13 : memref<128x128xf32, #tpu.memory_space<vmem_shared>>) target_semaphore(%arg15 : memref<!tpu.dma_semaphore, #tpu.memory_space<semaphore_mem>>)
    %add3A_14 = arith.constant 128 : i32
    %add3A_15 = arith.addi %mul3A_10, %add3A_14 : i32
    %dma_start3A_16 = arith.constant 0 : i32
    %dma_start3A_17 = tpu.memref_slice %arg7[%add3A_15, %dma_start3A_16] : memref<10240x128xf32, #tpu.memory_space<vmem_shared>> -> memref<128x128xf32, #tpu.memory_space<vmem_shared>>
    tpu.enqueue_dma source(%arg5 : memref<128x128xf32, #tpu.memory_space<hbm>>) target(%dma_start3A_17 : memref<128x128xf32, #tpu.memory_space<vmem_shared>>) target_semaphore(%arg15 : memref<!tpu.dma_semaphore, #tpu.memory_space<semaphore_mem>>)
    %add3A_18 = arith.constant 256 : i32
    %add3A_19 = arith.addi %mul3A_10, %add3A_18 : i32
    %dma_start3A_20 = arith.constant 0 : i32
    %dma_start3A_21 = tpu.memref_slice %arg7[%add3A_19, %dma_start3A_20] : memref<10240x128xf32, #tpu.memory_space<vmem_shared>> -> memref<128x128xf32, #tpu.memory_space<vmem_shared>>
    tpu.enqueue_dma source(%arg5 : memref<128x128xf32, #tpu.memory_space<hbm>>) target(%dma_start3A_21 : memref<128x128xf32, #tpu.memory_space<vmem_shared>>) target_semaphore(%arg15 : memref<!tpu.dma_semaphore, #tpu.memory_space<semaphore_mem>>)
    %add3A_22 = arith.constant 384 : i32
    %add3A_23 = arith.addi %mul3A_10, %add3A_22 : i32
    %dma_start3A_24 = arith.constant 0 : i32
    %dma_start3A_25 = tpu.memref_slice %arg7[%add3A_23, %dma_start3A_24] : memref<10240x128xf32, #tpu.memory_space<vmem_shared>> -> memref<128x128xf32, #tpu.memory_space<vmem_shared>>
    tpu.enqueue_dma source(%arg5 : memref<128x128xf32, #tpu.memory_space<hbm>>) target(%dma_start3A_25 : memref<128x128xf32, #tpu.memory_space<vmem_shared>>) target_semaphore(%arg15 : memref<!tpu.dma_semaphore, #tpu.memory_space<semaphore_mem>>)
    %add3A_26 = arith.constant 512 : i32
    %add3A_27 = arith.addi %mul3A_10, %add3A_26 : i32
    %dma_start3A_28 = arith.constant 0 : i32
    %dma_start3A_29 = tpu.memref_slice %arg7[%add3A_27, %dma_start3A_28] : memref<10240x128xf32, #tpu.memory_space<vmem_shared>> -> memref<128x128xf32, #tpu.memory_space<vmem_shared>>
    tpu.enqueue_dma source(%arg5 : memref<128x128xf32, #tpu.memory_space<hbm>>) target(%dma_start3A_29 : memref<128x128xf32, #tpu.memory_space<vmem_shared>>) target_semaphore(%arg15 : memref<!tpu.dma_semaphore, #tpu.memory_space<semaphore_mem>>)
    %add3A_30 = arith.constant 0 : i32
    %add3A_31 = arith.addi %select_n3A, %add3A_30 : i32
    "tpu.region"() ({
      %run_scoped3A = tpu.sem_alloc : memref<!tpu.dma_semaphore, #tpu.memory_space<semaphore_mem>>
      %dma_start3A_158 = arith.constant 0 : i32
      %dma_start3A_159 = tpu.memref_slice %arg3[%add3A_31, %dma_start3A_158] : memref<2560x128xi32, #tpu.memory_space<hbm>> -> memref<1x128xi32, #tpu.memory_space<hbm>>
      %dma_start3A_160 = tpu.memref_squeeze %dma_start3A_159 : memref<1x128xi32, #tpu.memory_space<hbm>> -> memref<128xi32, #tpu.memory_space<hbm>>
      %dma_start3A_161 = arith.constant 0 : i32
      %dma_start3A_162 = tpu.memref_slice %arg3[%add3A_31, %dma_start3A_161] : memref<2560x128xi32, #tpu.memory_space<hbm>> -> memref<1x128xi32, #tpu.memory_space<hbm>>
      %dma_start3A_163 = tpu.memref_squeeze %dma_start3A_162 : memref<1x128xi32, #tpu.memory_space<hbm>> -> memref<128xi32, #tpu.memory_space<hbm>>
      tpu.enqueue_dma source(%dma_start3A_163 : memref<128xi32, #tpu.memory_space<hbm>>) target(%arg9 : memref<128xi32, #tpu.memory_space<vmem>>) target_semaphore(%run_scoped3A : memref<!tpu.dma_semaphore, #tpu.memory_space<semaphore_mem>>)
      %dma_wait3A_164 = arith.constant 0 : i32
      %dma_wait3A_165 = tpu.memref_slice %arg3[%add3A_31, %dma_wait3A_164] : memref<2560x128xi32, #tpu.memory_space<hbm>> -> memref<1x128xi32, #tpu.memory_space<hbm>>
      %dma_wait3A_166 = tpu.memref_squeeze %dma_wait3A_165 : memref<1x128xi32, #tpu.memory_space<hbm>> -> memref<128xi32, #tpu.memory_space<hbm>>
      %dma_wait3A_167 = arith.constant 0 : i32
      %dma_wait3A_168 = tpu.memref_slice %arg3[%add3A_31, %dma_wait3A_167] : memref<2560x128xi32, #tpu.memory_space<hbm>> -> memref<1x128xi32, #tpu.memory_space<hbm>>
      %dma_wait3A_169 = tpu.memref_squeeze %dma_wait3A_168 : memref<1x128xi32, #tpu.memory_space<hbm>> -> memref<128xi32, #tpu.memory_space<hbm>>
      tpu.wait_dma2 semaphore(%run_scoped3A : memref<!tpu.dma_semaphore, #tpu.memory_space<semaphore_mem>>) src(%dma_wait3A_169 : memref<128xi32, #tpu.memory_space<hbm>>) dst(%arg9 : memref<128xi32, #tpu.memory_space<vmem>>)
      tpu.yield
    }) : () -> ()
    %add3A_32 = arith.constant 0 : i32
    %add3A_33 = arith.addi %select_n3A, %add3A_32 : i32
    "tpu.region"() ({
      %run_scoped3A = tpu.sem_alloc : memref<!tpu.dma_semaphore, #tpu.memory_space<semaphore_mem>>
      %dma_start3A_158 = arith.constant 0 : i32
      %dma_start3A_159 = tpu.memref_slice %arg4[%add3A_33, %dma_start3A_158] : memref<2560x128xi32, #tpu.memory_space<hbm>> -> memref<1x128xi32, #tpu.memory_space<hbm>>
      %dma_start3A_160 = tpu.memref_squeeze %dma_start3A_159 : memref<1x128xi32, #tpu.memory_space<hbm>> -> memref<128xi32, #tpu.memory_space<hbm>>
      %dma_start3A_161 = arith.constant 0 : i32
      %dma_start3A_162 = tpu.memref_slice %arg4[%add3A_33, %dma_start3A_161] : memref<2560x128xi32, #tpu.memory_space<hbm>> -> memref<1x128xi32, #tpu.memory_space<hbm>>
      %dma_start3A_163 = tpu.memref_squeeze %dma_start3A_162 : memref<1x128xi32, #tpu.memory_space<hbm>> -> memref<128xi32, #tpu.memory_space<hbm>>
      tpu.enqueue_dma source(%dma_start3A_163 : memref<128xi32, #tpu.memory_space<hbm>>) target(%arg11 : memref<128xi32, #tpu.memory_space<vmem>>) target_semaphore(%run_scoped3A : memref<!tpu.dma_semaphore, #tpu.memory_space<semaphore_mem>>)
      %dma_wait3A_164 = arith.constant 0 : i32
      %dma_wait3A_165 = tpu.memref_slice %arg4[%add3A_33, %dma_wait3A_164] : memref<2560x128xi32, #tpu.memory_space<hbm>> -> memref<1x128xi32, #tpu.memory_space<hbm>>
      %dma_wait3A_166 = tpu.memref_squeeze %dma_wait3A_165 : memref<1x128xi32, #tpu.memory_space<hbm>> -> memref<128xi32, #tpu.memory_space<hbm>>
      %dma_wait3A_167 = arith.constant 0 : i32
      %dma_wait3A_168 = tpu.memref_slice %arg4[%add3A_33, %dma_wait3A_167] : memref<2560x128xi32, #tpu.memory_space<hbm>> -> memref<1x128xi32, #tpu.memory_space<hbm>>
      %dma_wait3A_169 = tpu.memref_squeeze %dma_wait3A_168 : memref<1x128xi32, #tpu.memory_space<hbm>> -> memref<128xi32, #tpu.memory_space<hbm>>
      tpu.wait_dma2 semaphore(%run_scoped3A : memref<!tpu.dma_semaphore, #tpu.memory_space<semaphore_mem>>) src(%dma_wait3A_169 : memref<128xi32, #tpu.memory_space<hbm>>) dst(%arg11 : memref<128xi32, #tpu.memory_space<vmem>>)
      tpu.yield
    }) : () -> ()
    %dma_start3A_34 = arith.constant 0 : i32
    %dma_start3A_35 = arith.constant 0 : i32
    %dma_start3A_36 = arith.constant 0 : i32
    %dma_start3A_37 = tpu.memref_slice %arg8[%dma_start3A_34, %dma_start3A_35, %dma_start3A_36] : memref<2x128x128xf32, #tpu.memory_space<vmem>> -> memref<1x128x128xf32, #tpu.memory_space<vmem>>
    %dma_start3A_38 = tpu.memref_squeeze %dma_start3A_37 : memref<1x128x128xf32, #tpu.memory_space<vmem>> -> memref<128x128xf32, #tpu.memory_space<vmem>>
    %dma_start3A_39 = arith.constant 0 : i32
    %dma_start3A_40 = arith.constant 0 : i32
    %dma_start3A_41 = tpu.memref_slice %arg2[%dma_start3A_39, %dma_start3A_40] : memref<10240x128xf32, #tpu.memory_space<hbm>> -> memref<10240x128xf32, #tpu.memory_space<hbm>>
    tpu.enqueue_indirect_dma source(%dma_start3A_41 : memref<10240x128xf32, #tpu.memory_space<hbm>>) target(%dma_start3A_38 : memref<128x128xf32, #tpu.memory_space<vmem>>) offsets(%arg9 : memref<128xi32, #tpu.memory_space<vmem>>) semaphore(%arg13 : memref<!tpu.dma_semaphore, #tpu.memory_space<semaphore_mem>>)
    %add3A_42 = arith.constant 0 : i32
    %add3A_43 = arith.addi %mul3A_10, %add3A_42 : i32
    %dma_wait3A = arith.constant 0 : i32
    %dma_wait3A_44 = tpu.memref_slice %arg7[%add3A_43, %dma_wait3A] : memref<10240x128xf32, #tpu.memory_space<vmem_shared>> -> memref<128x128xf32, #tpu.memory_space<vmem_shared>>
    tpu.wait_dma2 semaphore(%arg15 : memref<!tpu.dma_semaphore, #tpu.memory_space<semaphore_mem>>) src(%arg5 : memref<128x128xf32, #tpu.memory_space<hbm>>) dst(%dma_wait3A_44 : memref<128x128xf32, #tpu.memory_space<vmem_shared>>)
    %add3A_45 = arith.constant 128 : i32
    %add3A_46 = arith.addi %mul3A_10, %add3A_45 : i32
    %dma_wait3A_47 = arith.constant 0 : i32
    %dma_wait3A_48 = tpu.memref_slice %arg7[%add3A_46, %dma_wait3A_47] : memref<10240x128xf32, #tpu.memory_space<vmem_shared>> -> memref<128x128xf32, #tpu.memory_space<vmem_shared>>
    tpu.wait_dma2 semaphore(%arg15 : memref<!tpu.dma_semaphore, #tpu.memory_space<semaphore_mem>>) src(%arg5 : memref<128x128xf32, #tpu.memory_space<hbm>>) dst(%dma_wait3A_48 : memref<128x128xf32, #tpu.memory_space<vmem_shared>>)
    %add3A_49 = arith.constant 256 : i32
    %add3A_50 = arith.addi %mul3A_10, %add3A_49 : i32
    %dma_wait3A_51 = arith.constant 0 : i32
    %dma_wait3A_52 = tpu.memref_slice %arg7[%add3A_50, %dma_wait3A_51] : memref<10240x128xf32, #tpu.memory_space<vmem_shared>> -> memref<128x128xf32, #tpu.memory_space<vmem_shared>>
    tpu.wait_dma2 semaphore(%arg15 : memref<!tpu.dma_semaphore, #tpu.memory_space<semaphore_mem>>) src(%arg5 : memref<128x128xf32, #tpu.memory_space<hbm>>) dst(%dma_wait3A_52 : memref<128x128xf32, #tpu.memory_space<vmem_shared>>)
    %add3A_53 = arith.constant 384 : i32
    %add3A_54 = arith.addi %mul3A_10, %add3A_53 : i32
    %dma_wait3A_55 = arith.constant 0 : i32
    %dma_wait3A_56 = tpu.memref_slice %arg7[%add3A_54, %dma_wait3A_55] : memref<10240x128xf32, #tpu.memory_space<vmem_shared>> -> memref<128x128xf32, #tpu.memory_space<vmem_shared>>
    tpu.wait_dma2 semaphore(%arg15 : memref<!tpu.dma_semaphore, #tpu.memory_space<semaphore_mem>>) src(%arg5 : memref<128x128xf32, #tpu.memory_space<hbm>>) dst(%dma_wait3A_56 : memref<128x128xf32, #tpu.memory_space<vmem_shared>>)
    %add3A_57 = arith.constant 512 : i32
    %add3A_58 = arith.addi %mul3A_10, %add3A_57 : i32
    %dma_wait3A_59 = arith.constant 0 : i32
    %dma_wait3A_60 = tpu.memref_slice %arg7[%add3A_58, %dma_wait3A_59] : memref<10240x128xf32, #tpu.memory_space<vmem_shared>> -> memref<128x128xf32, #tpu.memory_space<vmem_shared>>
    tpu.wait_dma2 semaphore(%arg15 : memref<!tpu.dma_semaphore, #tpu.memory_space<semaphore_mem>>) src(%arg5 : memref<128x128xf32, #tpu.memory_space<hbm>>) dst(%dma_wait3A_60 : memref<128x128xf32, #tpu.memory_space<vmem_shared>>)
    %barrier3A = arith.constant 0 : index
    tpu.barrier barrier_id(%barrier3A)
    %jit3A_61 = arith.constant 2 : i32
    %div3A = arith.divsi %select_n3A_8, %jit3A_61 : i32
    %sign3A = arith.constant 0 : i32
    %sign3A_62 = arith.cmpi sgt, %select_n3A_8, %sign3A : i32
    %sign3A_63 = arith.extui %sign3A_62 : i1 to i32
    %sign3A_64 = arith.constant 0 : i32
    %sign3A_65 = arith.cmpi slt, %select_n3A_8, %sign3A_64 : i32
    %sign3A_66 = arith.extui %sign3A_65 : i1 to i32
    %sign3A_67 = arith.subi %sign3A_63, %sign3A_66 : i32
    %sign3A_68 = arith.constant 0 : i32
    %sign3A_69 = arith.cmpi sgt, %jit3A_61, %sign3A_68 : i32
    %sign3A_70 = arith.extui %sign3A_69 : i1 to i32
    %sign3A_71 = arith.constant 0 : i32
    %sign3A_72 = arith.cmpi slt, %jit3A_61, %sign3A_71 : i32
    %sign3A_73 = arith.extui %sign3A_72 : i1 to i32
    %sign3A_74 = arith.subi %sign3A_70, %sign3A_73 : i32
    %ne3A = arith.cmpi ne, %sign3A_67, %sign3A_74 : i32
    %rem3A = arith.remsi %select_n3A_8, %jit3A_61 : i32
    %ne3A_75 = arith.constant 0 : i32
    %ne3A_76 = arith.cmpi ne, %rem3A, %ne3A_75 : i32
    %and3A = arith.andi %ne3A, %ne3A_76 : i1
    %sub3A = arith.constant 1 : i32
    %sub3A_77 = arith.subi %div3A, %sub3A : i32
    %select_n3A_78 = arith.select %and3A, %sub3A_77, %div3A : i32
    %while3A = arith.constant 0 : i32
    %while3A_79 = arith.constant 0 : i32
    %while3A_80 = arith.subi %select_n3A_78, %while3A_79 : i32
    %while3A_81 = arith.addi %while3A_79, %while3A_80 : i32
    %while3A_82 = arith.constant 1 : i32
    %while3A_83 = arith.divsi %while3A_80, %while3A_82 : i32
    %while3A_84 = arith.muli %while3A_83, %while3A_82 : i32
    %while3A_85 = arith.addi %while3A_79, %while3A_84 : i32
    %while3A_86 = arith.constant 1 : i32
    scf.for %while3A_158 = %while3A_79 to %while3A_85 step %while3A_86  : i32 {
      %mul3A_159 = arith.constant 2 : i32
      %mul3A_160 = arith.muli %mul3A_159, %while3A_158 : i32
      %add3A_161 = arith.constant 0 : i32
      %add3A_162 = arith.addi %mul3A_160, %add3A_161 : i32
      %ge3A = arith.constant 1 : i32
      %ge3A_163 = arith.cmpi sge, %add3A_162, %ge3A : i32
      %convert_element_type3A = arith.extui %ge3A_163 : i1 to i32
      %cond3A = arith.constant 0 : i32
      %cond3A_164 = arith.cmpi ne, %convert_element_type3A, %cond3A : i32
      scf.if %cond3A_164 {
        %dma_wait3A_223 = arith.constant 1 : i32
        %dma_wait3A_224 = arith.constant 0 : i32
        %dma_wait3A_225 = arith.constant 0 : i32
        %dma_wait3A_226 = tpu.memref_slice %arg8[%dma_wait3A_223, %dma_wait3A_224, %dma_wait3A_225] : memref<2x128x128xf32, #tpu.memory_space<vmem>> -> memref<1x128x128xf32, #tpu.memory_space<vmem>>
        %dma_wait3A_227 = tpu.memref_squeeze %dma_wait3A_226 : memref<1x128x128xf32, #tpu.memory_space<vmem>> -> memref<128x128xf32, #tpu.memory_space<vmem>>
        %dma_wait3A_228 = arith.constant 0 : i32
        %dma_wait3A_229 = arith.constant 0 : i32
        %dma_wait3A_230 = tpu.memref_slice %arg8[%dma_wait3A_223, %dma_wait3A_228, %dma_wait3A_229] : memref<2x128x128xf32, #tpu.memory_space<vmem>> -> memref<1x128x128xf32, #tpu.memory_space<vmem>>
        %dma_wait3A_231 = tpu.memref_squeeze %dma_wait3A_230 : memref<1x128x128xf32, #tpu.memory_space<vmem>> -> memref<128x128xf32, #tpu.memory_space<vmem>>
        tpu.wait_dma2 semaphore(%arg16 : memref<!tpu.dma_semaphore, #tpu.memory_space<semaphore_mem>>) src(%arg5 : memref<128x128xf32, #tpu.memory_space<hbm>>) dst(%dma_wait3A_231 : memref<128x128xf32, #tpu.memory_space<vmem>>)
      } else {
      }
      %add3A_165 = arith.constant 2 : i32
      %add3A_166 = arith.addi %add3A_162, %add3A_165 : i32
      %sub3A_167 = arith.constant 1 : i32
      %sub3A_168 = arith.subi %add3A_166, %sub3A_167 : i32
      %lt3A = arith.cmpi slt, %sub3A_168, %select_n3A_8 : i32
      %convert_element_type3A_169 = arith.extui %lt3A : i1 to i32
      %cond3A_170 = arith.constant 0 : i32
      %cond3A_171 = arith.cmpi ne, %convert_element_type3A_169, %cond3A_170 : i32
      scf.if %cond3A_171 {
        %add3A_223 = arith.addi %select_n3A, %add3A_162 : i32
        %add3A_224 = arith.constant 2 : i32
        %add3A_225 = arith.addi %add3A_223, %add3A_224 : i32
        %sub3A_226 = arith.constant 1 : i32
        %sub3A_227 = arith.subi %add3A_225, %sub3A_226 : i32
        "tpu.region"() ({
          %run_scoped3A = tpu.sem_alloc : memref<!tpu.dma_semaphore, #tpu.memory_space<semaphore_mem>>
          %dma_start3A_241 = arith.constant 0 : i32
          %dma_start3A_242 = tpu.memref_slice %arg3[%sub3A_227, %dma_start3A_241] : memref<2560x128xi32, #tpu.memory_space<hbm>> -> memref<1x128xi32, #tpu.memory_space<hbm>>
          %dma_start3A_243 = tpu.memref_squeeze %dma_start3A_242 : memref<1x128xi32, #tpu.memory_space<hbm>> -> memref<128xi32, #tpu.memory_space<hbm>>
          %dma_start3A_244 = arith.constant 0 : i32
          %dma_start3A_245 = tpu.memref_slice %arg3[%sub3A_227, %dma_start3A_244] : memref<2560x128xi32, #tpu.memory_space<hbm>> -> memref<1x128xi32, #tpu.memory_space<hbm>>
          %dma_start3A_246 = tpu.memref_squeeze %dma_start3A_245 : memref<1x128xi32, #tpu.memory_space<hbm>> -> memref<128xi32, #tpu.memory_space<hbm>>
          tpu.enqueue_dma source(%dma_start3A_246 : memref<128xi32, #tpu.memory_space<hbm>>) target(%arg10 : memref<128xi32, #tpu.memory_space<vmem>>) target_semaphore(%run_scoped3A : memref<!tpu.dma_semaphore, #tpu.memory_space<semaphore_mem>>)
          %dma_wait3A_247 = arith.constant 0 : i32
          %dma_wait3A_248 = tpu.memref_slice %arg3[%sub3A_227, %dma_wait3A_247] : memref<2560x128xi32, #tpu.memory_space<hbm>> -> memref<1x128xi32, #tpu.memory_space<hbm>>
          %dma_wait3A_249 = tpu.memref_squeeze %dma_wait3A_248 : memref<1x128xi32, #tpu.memory_space<hbm>> -> memref<128xi32, #tpu.memory_space<hbm>>
          %dma_wait3A_250 = arith.constant 0 : i32
          %dma_wait3A_251 = tpu.memref_slice %arg3[%sub3A_227, %dma_wait3A_250] : memref<2560x128xi32, #tpu.memory_space<hbm>> -> memref<1x128xi32, #tpu.memory_space<hbm>>
          %dma_wait3A_252 = tpu.memref_squeeze %dma_wait3A_251 : memref<1x128xi32, #tpu.memory_space<hbm>> -> memref<128xi32, #tpu.memory_space<hbm>>
          tpu.wait_dma2 semaphore(%run_scoped3A : memref<!tpu.dma_semaphore, #tpu.memory_space<semaphore_mem>>) src(%dma_wait3A_252 : memref<128xi32, #tpu.memory_space<hbm>>) dst(%arg10 : memref<128xi32, #tpu.memory_space<vmem>>)
          tpu.yield
        }) : () -> ()
        %add3A_228 = arith.addi %select_n3A, %add3A_162 : i32
        %add3A_229 = arith.constant 2 : i32
        %add3A_230 = arith.addi %add3A_228, %add3A_229 : i32
        %sub3A_231 = arith.constant 1 : i32
        %sub3A_232 = arith.subi %add3A_230, %sub3A_231 : i32
        "tpu.region"() ({
          %run_scoped3A = tpu.sem_alloc : memref<!tpu.dma_semaphore, #tpu.memory_space<semaphore_mem>>
          %dma_start3A_241 = arith.constant 0 : i32
          %dma_start3A_242 = tpu.memref_slice %arg4[%sub3A_232, %dma_start3A_241] : memref<2560x128xi32, #tpu.memory_space<hbm>> -> memref<1x128xi32, #tpu.memory_space<hbm>>
          %dma_start3A_243 = tpu.memref_squeeze %dma_start3A_242 : memref<1x128xi32, #tpu.memory_space<hbm>> -> memref<128xi32, #tpu.memory_space<hbm>>
          %dma_start3A_244 = arith.constant 0 : i32
          %dma_start3A_245 = tpu.memref_slice %arg4[%sub3A_232, %dma_start3A_244] : memref<2560x128xi32, #tpu.memory_space<hbm>> -> memref<1x128xi32, #tpu.memory_space<hbm>>
          %dma_start3A_246 = tpu.memref_squeeze %dma_start3A_245 : memref<1x128xi32, #tpu.memory_space<hbm>> -> memref<128xi32, #tpu.memory_space<hbm>>
          tpu.enqueue_dma source(%dma_start3A_246 : memref<128xi32, #tpu.memory_space<hbm>>) target(%arg12 : memref<128xi32, #tpu.memory_space<vmem>>) target_semaphore(%run_scoped3A : memref<!tpu.dma_semaphore, #tpu.memory_space<semaphore_mem>>)
          %dma_wait3A_247 = arith.constant 0 : i32
          %dma_wait3A_248 = tpu.memref_slice %arg4[%sub3A_232, %dma_wait3A_247] : memref<2560x128xi32, #tpu.memory_space<hbm>> -> memref<1x128xi32, #tpu.memory_space<hbm>>
          %dma_wait3A_249 = tpu.memref_squeeze %dma_wait3A_248 : memref<1x128xi32, #tpu.memory_space<hbm>> -> memref<128xi32, #tpu.memory_space<hbm>>
          %dma_wait3A_250 = arith.constant 0 : i32
          %dma_wait3A_251 = tpu.memref_slice %arg4[%sub3A_232, %dma_wait3A_250] : memref<2560x128xi32, #tpu.memory_space<hbm>> -> memref<1x128xi32, #tpu.memory_space<hbm>>
          %dma_wait3A_252 = tpu.memref_squeeze %dma_wait3A_251 : memref<1x128xi32, #tpu.memory_space<hbm>> -> memref<128xi32, #tpu.memory_space<hbm>>
          tpu.wait_dma2 semaphore(%run_scoped3A : memref<!tpu.dma_semaphore, #tpu.memory_space<semaphore_mem>>) src(%dma_wait3A_252 : memref<128xi32, #tpu.memory_space<hbm>>) dst(%arg12 : memref<128xi32, #tpu.memory_space<vmem>>)
          tpu.yield
        }) : () -> ()
        %dma_start3A_233 = arith.constant 1 : i32
        %dma_start3A_234 = arith.constant 0 : i32
        %dma_start3A_235 = arith.constant 0 : i32
        %dma_start3A_236 = tpu.memref_slice %arg8[%dma_start3A_233, %dma_start3A_234, %dma_start3A_235] : memref<2x128x128xf32, #tpu.memory_space<vmem>> -> memref<1x128x128xf32, #tpu.memory_space<vmem>>
        %dma_start3A_237 = tpu.memref_squeeze %dma_start3A_236 : memref<1x128x128xf32, #tpu.memory_space<vmem>> -> memref<128x128xf32, #tpu.memory_space<vmem>>
        %dma_start3A_238 = arith.constant 0 : i32
        %dma_start3A_239 = arith.constant 0 : i32
        %dma_start3A_240 = tpu.memref_slice %arg2[%dma_start3A_238, %dma_start3A_239] : memref<10240x128xf32, #tpu.memory_space<hbm>> -> memref<10240x128xf32, #tpu.memory_space<hbm>>
        tpu.enqueue_indirect_dma source(%dma_start3A_240 : memref<10240x128xf32, #tpu.memory_space<hbm>>) target(%dma_start3A_237 : memref<128x128xf32, #tpu.memory_space<vmem>>) offsets(%arg10 : memref<128xi32, #tpu.memory_space<vmem>>) semaphore(%arg14 : memref<!tpu.dma_semaphore, #tpu.memory_space<semaphore_mem>>)
      } else {
      }
      %dma_wait3A_172 = arith.constant 0 : i32
      %dma_wait3A_173 = arith.constant 0 : i32
      %dma_wait3A_174 = arith.constant 0 : i32
      %dma_wait3A_175 = tpu.memref_slice %arg8[%dma_wait3A_172, %dma_wait3A_173, %dma_wait3A_174] : memref<2x128x128xf32, #tpu.memory_space<vmem>> -> memref<1x128x128xf32, #tpu.memory_space<vmem>>
      %dma_wait3A_176 = tpu.memref_squeeze %dma_wait3A_175 : memref<1x128x128xf32, #tpu.memory_space<vmem>> -> memref<128x128xf32, #tpu.memory_space<vmem>>
      %dma_wait3A_177 = arith.constant 0 : i32
      %dma_wait3A_178 = arith.constant 0 : i32
      %dma_wait3A_179 = tpu.memref_slice %arg8[%dma_wait3A_172, %dma_wait3A_177, %dma_wait3A_178] : memref<2x128x128xf32, #tpu.memory_space<vmem>> -> memref<1x128x128xf32, #tpu.memory_space<vmem>>
      %dma_wait3A_180 = tpu.memref_squeeze %dma_wait3A_179 : memref<1x128x128xf32, #tpu.memory_space<vmem>> -> memref<128x128xf32, #tpu.memory_space<vmem>>
      tpu.wait_dma2 semaphore(%arg13 : memref<!tpu.dma_semaphore, #tpu.memory_space<semaphore_mem>>) src(%arg5 : memref<128x128xf32, #tpu.memory_space<hbm>>) dst(%dma_wait3A_180 : memref<128x128xf32, #tpu.memory_space<vmem>>)
      %dma_start3A_181 = arith.constant 0 : i32
      %dma_start3A_182 = arith.constant 0 : i32
      %dma_start3A_183 = arith.constant 0 : i32
      %dma_start3A_184 = tpu.memref_slice %arg8[%dma_start3A_181, %dma_start3A_182, %dma_start3A_183] : memref<2x128x128xf32, #tpu.memory_space<vmem>> -> memref<1x128x128xf32, #tpu.memory_space<vmem>>
      %dma_start3A_185 = tpu.memref_squeeze %dma_start3A_184 : memref<1x128x128xf32, #tpu.memory_space<vmem>> -> memref<128x128xf32, #tpu.memory_space<vmem>>
      %dma_start3A_186 = arith.constant 0 : i32
      %dma_start3A_187 = arith.constant 0 : i32
      %dma_start3A_188 = tpu.memref_slice %arg7[%dma_start3A_186, %dma_start3A_187] : memref<10240x128xf32, #tpu.memory_space<vmem_shared>> -> memref<10240x128xf32, #tpu.memory_space<vmem_shared>>
      tpu.enqueue_indirect_dma source(%dma_start3A_185 : memref<128x128xf32, #tpu.memory_space<vmem>>) target(%dma_start3A_188 : memref<10240x128xf32, #tpu.memory_space<vmem_shared>>) offsets(%arg11 : memref<128xi32, #tpu.memory_space<vmem>>) semaphore(%arg15 : memref<!tpu.dma_semaphore, #tpu.memory_space<semaphore_mem>>) {add = true}
      %mul3A_189 = arith.constant 2 : i32
      %mul3A_190 = arith.muli %mul3A_189, %while3A_158 : i32
      %add3A_191 = arith.constant 1 : i32
      %add3A_192 = arith.addi %mul3A_190, %add3A_191 : i32
      %ge3A_193 = arith.constant 1 : i32
      %ge3A_194 = arith.cmpi sge, %add3A_192, %ge3A_193 : i32
      %convert_element_type3A_195 = arith.extui %ge3A_194 : i1 to i32
      %cond3A_196 = arith.constant 0 : i32
      %cond3A_197 = arith.cmpi ne, %convert_element_type3A_195, %cond3A_196 : i32
      scf.if %cond3A_197 {
        %dma_wait3A_223 = arith.constant 0 : i32
        %dma_wait3A_224 = arith.constant 0 : i32
        %dma_wait3A_225 = arith.constant 0 : i32
        %dma_wait3A_226 = tpu.memref_slice %arg8[%dma_wait3A_223, %dma_wait3A_224, %dma_wait3A_225] : memref<2x128x128xf32, #tpu.memory_space<vmem>> -> memref<1x128x128xf32, #tpu.memory_space<vmem>>
        %dma_wait3A_227 = tpu.memref_squeeze %dma_wait3A_226 : memref<1x128x128xf32, #tpu.memory_space<vmem>> -> memref<128x128xf32, #tpu.memory_space<vmem>>
        %dma_wait3A_228 = arith.constant 0 : i32
        %dma_wait3A_229 = arith.constant 0 : i32
        %dma_wait3A_230 = tpu.memref_slice %arg8[%dma_wait3A_223, %dma_wait3A_228, %dma_wait3A_229] : memref<2x128x128xf32, #tpu.memory_space<vmem>> -> memref<1x128x128xf32, #tpu.memory_space<vmem>>
        %dma_wait3A_231 = tpu.memref_squeeze %dma_wait3A_230 : memref<1x128x128xf32, #tpu.memory_space<vmem>> -> memref<128x128xf32, #tpu.memory_space<vmem>>
        tpu.wait_dma2 semaphore(%arg15 : memref<!tpu.dma_semaphore, #tpu.memory_space<semaphore_mem>>) src(%arg5 : memref<128x128xf32, #tpu.memory_space<hbm>>) dst(%dma_wait3A_231 : memref<128x128xf32, #tpu.memory_space<vmem>>)
      } else {
      }
      %add3A_198 = arith.constant 2 : i32
      %add3A_199 = arith.addi %add3A_192, %add3A_198 : i32
      %sub3A_200 = arith.constant 1 : i32
      %sub3A_201 = arith.subi %add3A_199, %sub3A_200 : i32
      %lt3A_202 = arith.cmpi slt, %sub3A_201, %select_n3A_8 : i32
      %convert_element_type3A_203 = arith.extui %lt3A_202 : i1 to i32
      %cond3A_204 = arith.constant 0 : i32
      %cond3A_205 = arith.cmpi ne, %convert_element_type3A_203, %cond3A_204 : i32
      scf.if %cond3A_205 {
        %add3A_223 = arith.addi %select_n3A, %add3A_192 : i32
        %add3A_224 = arith.constant 2 : i32
        %add3A_225 = arith.addi %add3A_223, %add3A_224 : i32
        %sub3A_226 = arith.constant 1 : i32
        %sub3A_227 = arith.subi %add3A_225, %sub3A_226 : i32
        "tpu.region"() ({
          %run_scoped3A = tpu.sem_alloc : memref<!tpu.dma_semaphore, #tpu.memory_space<semaphore_mem>>
          %dma_start3A_241 = arith.constant 0 : i32
          %dma_start3A_242 = tpu.memref_slice %arg3[%sub3A_227, %dma_start3A_241] : memref<2560x128xi32, #tpu.memory_space<hbm>> -> memref<1x128xi32, #tpu.memory_space<hbm>>
          %dma_start3A_243 = tpu.memref_squeeze %dma_start3A_242 : memref<1x128xi32, #tpu.memory_space<hbm>> -> memref<128xi32, #tpu.memory_space<hbm>>
          %dma_start3A_244 = arith.constant 0 : i32
          %dma_start3A_245 = tpu.memref_slice %arg3[%sub3A_227, %dma_start3A_244] : memref<2560x128xi32, #tpu.memory_space<hbm>> -> memref<1x128xi32, #tpu.memory_space<hbm>>
          %dma_start3A_246 = tpu.memref_squeeze %dma_start3A_245 : memref<1x128xi32, #tpu.memory_space<hbm>> -> memref<128xi32, #tpu.memory_space<hbm>>
          tpu.enqueue_dma source(%dma_start3A_246 : memref<128xi32, #tpu.memory_space<hbm>>) target(%arg9 : memref<128xi32, #tpu.memory_space<vmem>>) target_semaphore(%run_scoped3A : memref<!tpu.dma_semaphore, #tpu.memory_space<semaphore_mem>>)
          %dma_wait3A_247 = arith.constant 0 : i32
          %dma_wait3A_248 = tpu.memref_slice %arg3[%sub3A_227, %dma_wait3A_247] : memref<2560x128xi32, #tpu.memory_space<hbm>> -> memref<1x128xi32, #tpu.memory_space<hbm>>
          %dma_wait3A_249 = tpu.memref_squeeze %dma_wait3A_248 : memref<1x128xi32, #tpu.memory_space<hbm>> -> memref<128xi32, #tpu.memory_space<hbm>>
          %dma_wait3A_250 = arith.constant 0 : i32
          %dma_wait3A_251 = tpu.memref_slice %arg3[%sub3A_227, %dma_wait3A_250] : memref<2560x128xi32, #tpu.memory_space<hbm>> -> memref<1x128xi32, #tpu.memory_space<hbm>>
          %dma_wait3A_252 = tpu.memref_squeeze %dma_wait3A_251 : memref<1x128xi32, #tpu.memory_space<hbm>> -> memref<128xi32, #tpu.memory_space<hbm>>
          tpu.wait_dma2 semaphore(%run_scoped3A : memref<!tpu.dma_semaphore, #tpu.memory_space<semaphore_mem>>) src(%dma_wait3A_252 : memref<128xi32, #tpu.memory_space<hbm>>) dst(%arg9 : memref<128xi32, #tpu.memory_space<vmem>>)
          tpu.yield
        }) : () -> ()
        %add3A_228 = arith.addi %select_n3A, %add3A_192 : i32
        %add3A_229 = arith.constant 2 : i32
        %add3A_230 = arith.addi %add3A_228, %add3A_229 : i32
        %sub3A_231 = arith.constant 1 : i32
        %sub3A_232 = arith.subi %add3A_230, %sub3A_231 : i32
        "tpu.region"() ({
          %run_scoped3A = tpu.sem_alloc : memref<!tpu.dma_semaphore, #tpu.memory_space<semaphore_mem>>
          %dma_start3A_241 = arith.constant 0 : i32
          %dma_start3A_242 = tpu.memref_slice %arg4[%sub3A_232, %dma_start3A_241] : memref<2560x128xi32, #tpu.memory_space<hbm>> -> memref<1x128xi32, #tpu.memory_space<hbm>>
          %dma_start3A_243 = tpu.memref_squeeze %dma_start3A_242 : memref<1x128xi32, #tpu.memory_space<hbm>> -> memref<128xi32, #tpu.memory_space<hbm>>
          %dma_start3A_244 = arith.constant 0 : i32
          %dma_start3A_245 = tpu.memref_slice %arg4[%sub3A_232, %dma_start3A_244] : memref<2560x128xi32, #tpu.memory_space<hbm>> -> memref<1x128xi32, #tpu.memory_space<hbm>>
          %dma_start3A_246 = tpu.memref_squeeze %dma_start3A_245 : memref<1x128xi32, #tpu.memory_space<hbm>> -> memref<128xi32, #tpu.memory_space<hbm>>
          tpu.enqueue_dma source(%dma_start3A_246 : memref<128xi32, #tpu.memory_space<hbm>>) target(%arg11 : memref<128xi32, #tpu.memory_space<vmem>>) target_semaphore(%run_scoped3A : memref<!tpu.dma_semaphore, #tpu.memory_space<semaphore_mem>>)
          %dma_wait3A_247 = arith.constant 0 : i32
          %dma_wait3A_248 = tpu.memref_slice %arg4[%sub3A_232, %dma_wait3A_247] : memref<2560x128xi32, #tpu.memory_space<hbm>> -> memref<1x128xi32, #tpu.memory_space<hbm>>
          %dma_wait3A_249 = tpu.memref_squeeze %dma_wait3A_248 : memref<1x128xi32, #tpu.memory_space<hbm>> -> memref<128xi32, #tpu.memory_space<hbm>>
          %dma_wait3A_250 = arith.constant 0 : i32
          %dma_wait3A_251 = tpu.memref_slice %arg4[%sub3A_232, %dma_wait3A_250] : memref<2560x128xi32, #tpu.memory_space<hbm>> -> memref<1x128xi32, #tpu.memory_space<hbm>>
          %dma_wait3A_252 = tpu.memref_squeeze %dma_wait3A_251 : memref<1x128xi32, #tpu.memory_space<hbm>> -> memref<128xi32, #tpu.memory_space<hbm>>
          tpu.wait_dma2 semaphore(%run_scoped3A : memref<!tpu.dma_semaphore, #tpu.memory_space<semaphore_mem>>) src(%dma_wait3A_252 : memref<128xi32, #tpu.memory_space<hbm>>) dst(%arg11 : memref<128xi32, #tpu.memory_space<vmem>>)
          tpu.yield
        }) : () -> ()
        %dma_start3A_233 = arith.constant 0 : i32
        %dma_start3A_234 = arith.constant 0 : i32
        %dma_start3A_235 = arith.constant 0 : i32
        %dma_start3A_236 = tpu.memref_slice %arg8[%dma_start3A_233, %dma_start3A_234, %dma_start3A_235] : memref<2x128x128xf32, #tpu.memory_space<vmem>> -> memref<1x128x128xf32, #tpu.memory_space<vmem>>
        %dma_start3A_237 = tpu.memref_squeeze %dma_start3A_236 : memref<1x128x128xf32, #tpu.memory_space<vmem>> -> memref<128x128xf32, #tpu.memory_space<vmem>>
        %dma_start3A_238 = arith.constant 0 : i32
        %dma_start3A_239 = arith.constant 0 : i32
        %dma_start3A_240 = tpu.memref_slice %arg2[%dma_start3A_238, %dma_start3A_239] : memref<10240x128xf32, #tpu.memory_space<hbm>> -> memref<10240x128xf32, #tpu.memory_space<hbm>>
        tpu.enqueue_indirect_dma source(%dma_start3A_240 : memref<10240x128xf32, #tpu.memory_space<hbm>>) target(%dma_start3A_237 : memref<128x128xf32, #tpu.memory_space<vmem>>) offsets(%arg9 : memref<128xi32, #tpu.memory_space<vmem>>) semaphore(%arg13 : memref<!tpu.dma_semaphore, #tpu.memory_space<semaphore_mem>>)
      } else {
      }
      %dma_wait3A_206 = arith.constant 1 : i32
      %dma_wait3A_207 = arith.constant 0 : i32
      %dma_wait3A_208 = arith.constant 0 : i32
      %dma_wait3A_209 = tpu.memref_slice %arg8[%dma_wait3A_206, %dma_wait3A_207, %dma_wait3A_208] : memref<2x128x128xf32, #tpu.memory_space<vmem>> -> memref<1x128x128xf32, #tpu.memory_space<vmem>>
      %dma_wait3A_210 = tpu.memref_squeeze %dma_wait3A_209 : memref<1x128x128xf32, #tpu.memory_space<vmem>> -> memref<128x128xf32, #tpu.memory_space<vmem>>
      %dma_wait3A_211 = arith.constant 0 : i32
      %dma_wait3A_212 = arith.constant 0 : i32
      %dma_wait3A_213 = tpu.memref_slice %arg8[%dma_wait3A_206, %dma_wait3A_211, %dma_wait3A_212] : memref<2x128x128xf32, #tpu.memory_space<vmem>> -> memref<1x128x128xf32, #tpu.memory_space<vmem>>
      %dma_wait3A_214 = tpu.memref_squeeze %dma_wait3A_213 : memref<1x128x128xf32, #tpu.memory_space<vmem>> -> memref<128x128xf32, #tpu.memory_space<vmem>>
      tpu.wait_dma2 semaphore(%arg14 : memref<!tpu.dma_semaphore, #tpu.memory_space<semaphore_mem>>) src(%arg5 : memref<128x128xf32, #tpu.memory_space<hbm>>) dst(%dma_wait3A_214 : memref<128x128xf32, #tpu.memory_space<vmem>>)
      %dma_start3A_215 = arith.constant 1 : i32
      %dma_start3A_216 = arith.constant 0 : i32
      %dma_start3A_217 = arith.constant 0 : i32
      %dma_start3A_218 = tpu.memref_slice %arg8[%dma_start3A_215, %dma_start3A_216, %dma_start3A_217] : memref<2x128x128xf32, #tpu.memory_space<vmem>> -> memref<1x128x128xf32, #tpu.memory_space<vmem>>
      %dma_start3A_219 = tpu.memref_squeeze %dma_start3A_218 : memref<1x128x128xf32, #tpu.memory_space<vmem>> -> memref<128x128xf32, #tpu.memory_space<vmem>>
      %dma_start3A_220 = arith.constant 0 : i32
      %dma_start3A_221 = arith.constant 0 : i32
      %dma_start3A_222 = tpu.memref_slice %arg7[%dma_start3A_220, %dma_start3A_221] : memref<10240x128xf32, #tpu.memory_space<vmem_shared>> -> memref<10240x128xf32, #tpu.memory_space<vmem_shared>>
      tpu.enqueue_indirect_dma source(%dma_start3A_219 : memref<128x128xf32, #tpu.memory_space<vmem>>) target(%dma_start3A_222 : memref<10240x128xf32, #tpu.memory_space<vmem_shared>>) offsets(%arg12 : memref<128xi32, #tpu.memory_space<vmem>>) semaphore(%arg16 : memref<!tpu.dma_semaphore, #tpu.memory_space<semaphore_mem>>) {add = true}
    }
    %while3A_87 = arith.constant 1 : i32
    scf.for %while3A_158 = %while3A_85 to %while3A_81 step %while3A_87  : i32 {
      %mul3A_159 = arith.constant 2 : i32
      %mul3A_160 = arith.muli %mul3A_159, %while3A_158 : i32
      %add3A_161 = arith.constant 0 : i32
      %add3A_162 = arith.addi %mul3A_160, %add3A_161 : i32
      %ge3A = arith.constant 1 : i32
      %ge3A_163 = arith.cmpi sge, %add3A_162, %ge3A : i32
      %convert_element_type3A = arith.extui %ge3A_163 : i1 to i32
      %cond3A = arith.constant 0 : i32
      %cond3A_164 = arith.cmpi ne, %convert_element_type3A, %cond3A : i32
      scf.if %cond3A_164 {
        %dma_wait3A_223 = arith.constant 1 : i32
        %dma_wait3A_224 = arith.constant 0 : i32
        %dma_wait3A_225 = arith.constant 0 : i32
        %dma_wait3A_226 = tpu.memref_slice %arg8[%dma_wait3A_223, %dma_wait3A_224, %dma_wait3A_225] : memref<2x128x128xf32, #tpu.memory_space<vmem>> -> memref<1x128x128xf32, #tpu.memory_space<vmem>>
        %dma_wait3A_227 = tpu.memref_squeeze %dma_wait3A_226 : memref<1x128x128xf32, #tpu.memory_space<vmem>> -> memref<128x128xf32, #tpu.memory_space<vmem>>
        %dma_wait3A_228 = arith.constant 0 : i32
        %dma_wait3A_229 = arith.constant 0 : i32
        %dma_wait3A_230 = tpu.memref_slice %arg8[%dma_wait3A_223, %dma_wait3A_228, %dma_wait3A_229] : memref<2x128x128xf32, #tpu.memory_space<vmem>> -> memref<1x128x128xf32, #tpu.memory_space<vmem>>
        %dma_wait3A_231 = tpu.memref_squeeze %dma_wait3A_230 : memref<1x128x128xf32, #tpu.memory_space<vmem>> -> memref<128x128xf32, #tpu.memory_space<vmem>>
        tpu.wait_dma2 semaphore(%arg16 : memref<!tpu.dma_semaphore, #tpu.memory_space<semaphore_mem>>) src(%arg5 : memref<128x128xf32, #tpu.memory_space<hbm>>) dst(%dma_wait3A_231 : memref<128x128xf32, #tpu.memory_space<vmem>>)
      } else {
      }
      %add3A_165 = arith.constant 2 : i32
      %add3A_166 = arith.addi %add3A_162, %add3A_165 : i32
      %sub3A_167 = arith.constant 1 : i32
      %sub3A_168 = arith.subi %add3A_166, %sub3A_167 : i32
      %lt3A = arith.cmpi slt, %sub3A_168, %select_n3A_8 : i32
      %convert_element_type3A_169 = arith.extui %lt3A : i1 to i32
      %cond3A_170 = arith.constant 0 : i32
      %cond3A_171 = arith.cmpi ne, %convert_element_type3A_169, %cond3A_170 : i32
      scf.if %cond3A_171 {
        %add3A_223 = arith.addi %select_n3A, %add3A_162 : i32
        %add3A_224 = arith.constant 2 : i32
        %add3A_225 = arith.addi %add3A_223, %add3A_224 : i32
        %sub3A_226 = arith.constant 1 : i32
        %sub3A_227 = arith.subi %add3A_225, %sub3A_226 : i32
        "tpu.region"() ({
          %run_scoped3A = tpu.sem_alloc : memref<!tpu.dma_semaphore, #tpu.memory_space<semaphore_mem>>
          %dma_start3A_241 = arith.constant 0 : i32
          %dma_start3A_242 = tpu.memref_slice %arg3[%sub3A_227, %dma_start3A_241] : memref<2560x128xi32, #tpu.memory_space<hbm>> -> memref<1x128xi32, #tpu.memory_space<hbm>>
          %dma_start3A_243 = tpu.memref_squeeze %dma_start3A_242 : memref<1x128xi32, #tpu.memory_space<hbm>> -> memref<128xi32, #tpu.memory_space<hbm>>
          %dma_start3A_244 = arith.constant 0 : i32
          %dma_start3A_245 = tpu.memref_slice %arg3[%sub3A_227, %dma_start3A_244] : memref<2560x128xi32, #tpu.memory_space<hbm>> -> memref<1x128xi32, #tpu.memory_space<hbm>>
          %dma_start3A_246 = tpu.memref_squeeze %dma_start3A_245 : memref<1x128xi32, #tpu.memory_space<hbm>> -> memref<128xi32, #tpu.memory_space<hbm>>
          tpu.enqueue_dma source(%dma_start3A_246 : memref<128xi32, #tpu.memory_space<hbm>>) target(%arg10 : memref<128xi32, #tpu.memory_space<vmem>>) target_semaphore(%run_scoped3A : memref<!tpu.dma_semaphore, #tpu.memory_space<semaphore_mem>>)
          %dma_wait3A_247 = arith.constant 0 : i32
          %dma_wait3A_248 = tpu.memref_slice %arg3[%sub3A_227, %dma_wait3A_247] : memref<2560x128xi32, #tpu.memory_space<hbm>> -> memref<1x128xi32, #tpu.memory_space<hbm>>
          %dma_wait3A_249 = tpu.memref_squeeze %dma_wait3A_248 : memref<1x128xi32, #tpu.memory_space<hbm>> -> memref<128xi32, #tpu.memory_space<hbm>>
          %dma_wait3A_250 = arith.constant 0 : i32
          %dma_wait3A_251 = tpu.memref_slice %arg3[%sub3A_227, %dma_wait3A_250] : memref<2560x128xi32, #tpu.memory_space<hbm>> -> memref<1x128xi32, #tpu.memory_space<hbm>>
          %dma_wait3A_252 = tpu.memref_squeeze %dma_wait3A_251 : memref<1x128xi32, #tpu.memory_space<hbm>> -> memref<128xi32, #tpu.memory_space<hbm>>
          tpu.wait_dma2 semaphore(%run_scoped3A : memref<!tpu.dma_semaphore, #tpu.memory_space<semaphore_mem>>) src(%dma_wait3A_252 : memref<128xi32, #tpu.memory_space<hbm>>) dst(%arg10 : memref<128xi32, #tpu.memory_space<vmem>>)
          tpu.yield
        }) : () -> ()
        %add3A_228 = arith.addi %select_n3A, %add3A_162 : i32
        %add3A_229 = arith.constant 2 : i32
        %add3A_230 = arith.addi %add3A_228, %add3A_229 : i32
        %sub3A_231 = arith.constant 1 : i32
        %sub3A_232 = arith.subi %add3A_230, %sub3A_231 : i32
        "tpu.region"() ({
          %run_scoped3A = tpu.sem_alloc : memref<!tpu.dma_semaphore, #tpu.memory_space<semaphore_mem>>
          %dma_start3A_241 = arith.constant 0 : i32
          %dma_start3A_242 = tpu.memref_slice %arg4[%sub3A_232, %dma_start3A_241] : memref<2560x128xi32, #tpu.memory_space<hbm>> -> memref<1x128xi32, #tpu.memory_space<hbm>>
          %dma_start3A_243 = tpu.memref_squeeze %dma_start3A_242 : memref<1x128xi32, #tpu.memory_space<hbm>> -> memref<128xi32, #tpu.memory_space<hbm>>
          %dma_start3A_244 = arith.constant 0 : i32
          %dma_start3A_245 = tpu.memref_slice %arg4[%sub3A_232, %dma_start3A_244] : memref<2560x128xi32, #tpu.memory_space<hbm>> -> memref<1x128xi32, #tpu.memory_space<hbm>>
          %dma_start3A_246 = tpu.memref_squeeze %dma_start3A_245 : memref<1x128xi32, #tpu.memory_space<hbm>> -> memref<128xi32, #tpu.memory_space<hbm>>
          tpu.enqueue_dma source(%dma_start3A_246 : memref<128xi32, #tpu.memory_space<hbm>>) target(%arg12 : memref<128xi32, #tpu.memory_space<vmem>>) target_semaphore(%run_scoped3A : memref<!tpu.dma_semaphore, #tpu.memory_space<semaphore_mem>>)
          %dma_wait3A_247 = arith.constant 0 : i32
          %dma_wait3A_248 = tpu.memref_slice %arg4[%sub3A_232, %dma_wait3A_247] : memref<2560x128xi32, #tpu.memory_space<hbm>> -> memref<1x128xi32, #tpu.memory_space<hbm>>
          %dma_wait3A_249 = tpu.memref_squeeze %dma_wait3A_248 : memref<1x128xi32, #tpu.memory_space<hbm>> -> memref<128xi32, #tpu.memory_space<hbm>>
          %dma_wait3A_250 = arith.constant 0 : i32
          %dma_wait3A_251 = tpu.memref_slice %arg4[%sub3A_232, %dma_wait3A_250] : memref<2560x128xi32, #tpu.memory_space<hbm>> -> memref<1x128xi32, #tpu.memory_space<hbm>>
          %dma_wait3A_252 = tpu.memref_squeeze %dma_wait3A_251 : memref<1x128xi32, #tpu.memory_space<hbm>> -> memref<128xi32, #tpu.memory_space<hbm>>
          tpu.wait_dma2 semaphore(%run_scoped3A : memref<!tpu.dma_semaphore, #tpu.memory_space<semaphore_mem>>) src(%dma_wait3A_252 : memref<128xi32, #tpu.memory_space<hbm>>) dst(%arg12 : memref<128xi32, #tpu.memory_space<vmem>>)
          tpu.yield
        }) : () -> ()
        %dma_start3A_233 = arith.constant 1 : i32
        %dma_start3A_234 = arith.constant 0 : i32
        %dma_start3A_235 = arith.constant 0 : i32
        %dma_start3A_236 = tpu.memref_slice %arg8[%dma_start3A_233, %dma_start3A_234, %dma_start3A_235] : memref<2x128x128xf32, #tpu.memory_space<vmem>> -> memref<1x128x128xf32, #tpu.memory_space<vmem>>
        %dma_start3A_237 = tpu.memref_squeeze %dma_start3A_236 : memref<1x128x128xf32, #tpu.memory_space<vmem>> -> memref<128x128xf32, #tpu.memory_space<vmem>>
        %dma_start3A_238 = arith.constant 0 : i32
        %dma_start3A_239 = arith.constant 0 : i32
        %dma_start3A_240 = tpu.memref_slice %arg2[%dma_start3A_238, %dma_start3A_239] : memref<10240x128xf32, #tpu.memory_space<hbm>> -> memref<10240x128xf32, #tpu.memory_space<hbm>>
        tpu.enqueue_indirect_dma source(%dma_start3A_240 : memref<10240x128xf32, #tpu.memory_space<hbm>>) target(%dma_start3A_237 : memref<128x128xf32, #tpu.memory_space<vmem>>) offsets(%arg10 : memref<128xi32, #tpu.memory_space<vmem>>) semaphore(%arg14 : memref<!tpu.dma_semaphore, #tpu.memory_space<semaphore_mem>>)
      } else {
      }
      %dma_wait3A_172 = arith.constant 0 : i32
      %dma_wait3A_173 = arith.constant 0 : i32
      %dma_wait3A_174 = arith.constant 0 : i32
      %dma_wait3A_175 = tpu.memref_slice %arg8[%dma_wait3A_172, %dma_wait3A_173, %dma_wait3A_174] : memref<2x128x128xf32, #tpu.memory_space<vmem>> -> memref<1x128x128xf32, #tpu.memory_space<vmem>>
      %dma_wait3A_176 = tpu.memref_squeeze %dma_wait3A_175 : memref<1x128x128xf32, #tpu.memory_space<vmem>> -> memref<128x128xf32, #tpu.memory_space<vmem>>
      %dma_wait3A_177 = arith.constant 0 : i32
      %dma_wait3A_178 = arith.constant 0 : i32
      %dma_wait3A_179 = tpu.memref_slice %arg8[%dma_wait3A_172, %dma_wait3A_177, %dma_wait3A_178] : memref<2x128x128xf32, #tpu.memory_space<vmem>> -> memref<1x128x128xf32, #tpu.memory_space<vmem>>
      %dma_wait3A_180 = tpu.memref_squeeze %dma_wait3A_179 : memref<1x128x128xf32, #tpu.memory_space<vmem>> -> memref<128x128xf32, #tpu.memory_space<vmem>>
      tpu.wait_dma2 semaphore(%arg13 : memref<!tpu.dma_semaphore, #tpu.memory_space<semaphore_mem>>) src(%arg5 : memref<128x128xf32, #tpu.memory_space<hbm>>) dst(%dma_wait3A_180 : memref<128x128xf32, #tpu.memory_space<vmem>>)
      %dma_start3A_181 = arith.constant 0 : i32
      %dma_start3A_182 = arith.constant 0 : i32
      %dma_start3A_183 = arith.constant 0 : i32
      %dma_start3A_184 = tpu.memref_slice %arg8[%dma_start3A_181, %dma_start3A_182, %dma_start3A_183] : memref<2x128x128xf32, #tpu.memory_space<vmem>> -> memref<1x128x128xf32, #tpu.memory_space<vmem>>
      %dma_start3A_185 = tpu.memref_squeeze %dma_start3A_184 : memref<1x128x128xf32, #tpu.memory_space<vmem>> -> memref<128x128xf32, #tpu.memory_space<vmem>>
      %dma_start3A_186 = arith.constant 0 : i32
      %dma_start3A_187 = arith.constant 0 : i32
      %dma_start3A_188 = tpu.memref_slice %arg7[%dma_start3A_186, %dma_start3A_187] : memref<10240x128xf32, #tpu.memory_space<vmem_shared>> -> memref<10240x128xf32, #tpu.memory_space<vmem_shared>>
      tpu.enqueue_indirect_dma source(%dma_start3A_185 : memref<128x128xf32, #tpu.memory_space<vmem>>) target(%dma_start3A_188 : memref<10240x128xf32, #tpu.memory_space<vmem_shared>>) offsets(%arg11 : memref<128xi32, #tpu.memory_space<vmem>>) semaphore(%arg15 : memref<!tpu.dma_semaphore, #tpu.memory_space<semaphore_mem>>) {add = true}
      %mul3A_189 = arith.constant 2 : i32
      %mul3A_190 = arith.muli %mul3A_189, %while3A_158 : i32
      %add3A_191 = arith.constant 1 : i32
      %add3A_192 = arith.addi %mul3A_190, %add3A_191 : i32
      %ge3A_193 = arith.constant 1 : i32
      %ge3A_194 = arith.cmpi sge, %add3A_192, %ge3A_193 : i32
      %convert_element_type3A_195 = arith.extui %ge3A_194 : i1 to i32
      %cond3A_196 = arith.constant 0 : i32
      %cond3A_197 = arith.cmpi ne, %convert_element_type3A_195, %cond3A_196 : i32
      scf.if %cond3A_197 {
        %dma_wait3A_223 = arith.constant 0 : i32
        %dma_wait3A_224 = arith.constant 0 : i32
        %dma_wait3A_225 = arith.constant 0 : i32
        %dma_wait3A_226 = tpu.memref_slice %arg8[%dma_wait3A_223, %dma_wait3A_224, %dma_wait3A_225] : memref<2x128x128xf32, #tpu.memory_space<vmem>> -> memref<1x128x128xf32, #tpu.memory_space<vmem>>
        %dma_wait3A_227 = tpu.memref_squeeze %dma_wait3A_226 : memref<1x128x128xf32, #tpu.memory_space<vmem>> -> memref<128x128xf32, #tpu.memory_space<vmem>>
        %dma_wait3A_228 = arith.constant 0 : i32
        %dma_wait3A_229 = arith.constant 0 : i32
        %dma_wait3A_230 = tpu.memref_slice %arg8[%dma_wait3A_223, %dma_wait3A_228, %dma_wait3A_229] : memref<2x128x128xf32, #tpu.memory_space<vmem>> -> memref<1x128x128xf32, #tpu.memory_space<vmem>>
        %dma_wait3A_231 = tpu.memref_squeeze %dma_wait3A_230 : memref<1x128x128xf32, #tpu.memory_space<vmem>> -> memref<128x128xf32, #tpu.memory_space<vmem>>
        tpu.wait_dma2 semaphore(%arg15 : memref<!tpu.dma_semaphore, #tpu.memory_space<semaphore_mem>>) src(%arg5 : memref<128x128xf32, #tpu.memory_space<hbm>>) dst(%dma_wait3A_231 : memref<128x128xf32, #tpu.memory_space<vmem>>)
      } else {
      }
      %add3A_198 = arith.constant 2 : i32
      %add3A_199 = arith.addi %add3A_192, %add3A_198 : i32
      %sub3A_200 = arith.constant 1 : i32
      %sub3A_201 = arith.subi %add3A_199, %sub3A_200 : i32
      %lt3A_202 = arith.cmpi slt, %sub3A_201, %select_n3A_8 : i32
      %convert_element_type3A_203 = arith.extui %lt3A_202 : i1 to i32
      %cond3A_204 = arith.constant 0 : i32
      %cond3A_205 = arith.cmpi ne, %convert_element_type3A_203, %cond3A_204 : i32
      scf.if %cond3A_205 {
        %add3A_223 = arith.addi %select_n3A, %add3A_192 : i32
        %add3A_224 = arith.constant 2 : i32
        %add3A_225 = arith.addi %add3A_223, %add3A_224 : i32
        %sub3A_226 = arith.constant 1 : i32
        %sub3A_227 = arith.subi %add3A_225, %sub3A_226 : i32
        "tpu.region"() ({
          %run_scoped3A = tpu.sem_alloc : memref<!tpu.dma_semaphore, #tpu.memory_space<semaphore_mem>>
          %dma_start3A_241 = arith.constant 0 : i32
          %dma_start3A_242 = tpu.memref_slice %arg3[%sub3A_227, %dma_start3A_241] : memref<2560x128xi32, #tpu.memory_space<hbm>> -> memref<1x128xi32, #tpu.memory_space<hbm>>
          %dma_start3A_243 = tpu.memref_squeeze %dma_start3A_242 : memref<1x128xi32, #tpu.memory_space<hbm>> -> memref<128xi32, #tpu.memory_space<hbm>>
          %dma_start3A_244 = arith.constant 0 : i32
          %dma_start3A_245 = tpu.memref_slice %arg3[%sub3A_227, %dma_start3A_244] : memref<2560x128xi32, #tpu.memory_space<hbm>> -> memref<1x128xi32, #tpu.memory_space<hbm>>
          %dma_start3A_246 = tpu.memref_squeeze %dma_start3A_245 : memref<1x128xi32, #tpu.memory_space<hbm>> -> memref<128xi32, #tpu.memory_space<hbm>>
          tpu.enqueue_dma source(%dma_start3A_246 : memref<128xi32, #tpu.memory_space<hbm>>) target(%arg9 : memref<128xi32, #tpu.memory_space<vmem>>) target_semaphore(%run_scoped3A : memref<!tpu.dma_semaphore, #tpu.memory_space<semaphore_mem>>)
          %dma_wait3A_247 = arith.constant 0 : i32
          %dma_wait3A_248 = tpu.memref_slice %arg3[%sub3A_227, %dma_wait3A_247] : memref<2560x128xi32, #tpu.memory_space<hbm>> -> memref<1x128xi32, #tpu.memory_space<hbm>>
          %dma_wait3A_249 = tpu.memref_squeeze %dma_wait3A_248 : memref<1x128xi32, #tpu.memory_space<hbm>> -> memref<128xi32, #tpu.memory_space<hbm>>
          %dma_wait3A_250 = arith.constant 0 : i32
          %dma_wait3A_251 = tpu.memref_slice %arg3[%sub3A_227, %dma_wait3A_250] : memref<2560x128xi32, #tpu.memory_space<hbm>> -> memref<1x128xi32, #tpu.memory_space<hbm>>
          %dma_wait3A_252 = tpu.memref_squeeze %dma_wait3A_251 : memref<1x128xi32, #tpu.memory_space<hbm>> -> memref<128xi32, #tpu.memory_space<hbm>>
          tpu.wait_dma2 semaphore(%run_scoped3A : memref<!tpu.dma_semaphore, #tpu.memory_space<semaphore_mem>>) src(%dma_wait3A_252 : memref<128xi32, #tpu.memory_space<hbm>>) dst(%arg9 : memref<128xi32, #tpu.memory_space<vmem>>)
          tpu.yield
        }) : () -> ()
        %add3A_228 = arith.addi %select_n3A, %add3A_192 : i32
        %add3A_229 = arith.constant 2 : i32
        %add3A_230 = arith.addi %add3A_228, %add3A_229 : i32
        %sub3A_231 = arith.constant 1 : i32
        %sub3A_232 = arith.subi %add3A_230, %sub3A_231 : i32
        "tpu.region"() ({
          %run_scoped3A = tpu.sem_alloc : memref<!tpu.dma_semaphore, #tpu.memory_space<semaphore_mem>>
          %dma_start3A_241 = arith.constant 0 : i32
          %dma_start3A_242 = tpu.memref_slice %arg4[%sub3A_232, %dma_start3A_241] : memref<2560x128xi32, #tpu.memory_space<hbm>> -> memref<1x128xi32, #tpu.memory_space<hbm>>
          %dma_start3A_243 = tpu.memref_squeeze %dma_start3A_242 : memref<1x128xi32, #tpu.memory_space<hbm>> -> memref<128xi32, #tpu.memory_space<hbm>>
          %dma_start3A_244 = arith.constant 0 : i32
          %dma_start3A_245 = tpu.memref_slice %arg4[%sub3A_232, %dma_start3A_244] : memref<2560x128xi32, #tpu.memory_space<hbm>> -> memref<1x128xi32, #tpu.memory_space<hbm>>
          %dma_start3A_246 = tpu.memref_squeeze %dma_start3A_245 : memref<1x128xi32, #tpu.memory_space<hbm>> -> memref<128xi32, #tpu.memory_space<hbm>>
          tpu.enqueue_dma source(%dma_start3A_246 : memref<128xi32, #tpu.memory_space<hbm>>) target(%arg11 : memref<128xi32, #tpu.memory_space<vmem>>) target_semaphore(%run_scoped3A : memref<!tpu.dma_semaphore, #tpu.memory_space<semaphore_mem>>)
          %dma_wait3A_247 = arith.constant 0 : i32
          %dma_wait3A_248 = tpu.memref_slice %arg4[%sub3A_232, %dma_wait3A_247] : memref<2560x128xi32, #tpu.memory_space<hbm>> -> memref<1x128xi32, #tpu.memory_space<hbm>>
          %dma_wait3A_249 = tpu.memref_squeeze %dma_wait3A_248 : memref<1x128xi32, #tpu.memory_space<hbm>> -> memref<128xi32, #tpu.memory_space<hbm>>
          %dma_wait3A_250 = arith.constant 0 : i32
          %dma_wait3A_251 = tpu.memref_slice %arg4[%sub3A_232, %dma_wait3A_250] : memref<2560x128xi32, #tpu.memory_space<hbm>> -> memref<1x128xi32, #tpu.memory_space<hbm>>
          %dma_wait3A_252 = tpu.memref_squeeze %dma_wait3A_251 : memref<1x128xi32, #tpu.memory_space<hbm>> -> memref<128xi32, #tpu.memory_space<hbm>>
          tpu.wait_dma2 semaphore(%run_scoped3A : memref<!tpu.dma_semaphore, #tpu.memory_space<semaphore_mem>>) src(%dma_wait3A_252 : memref<128xi32, #tpu.memory_space<hbm>>) dst(%arg11 : memref<128xi32, #tpu.memory_space<vmem>>)
          tpu.yield
        }) : () -> ()
        %dma_start3A_233 = arith.constant 0 : i32
        %dma_start3A_234 = arith.constant 0 : i32
        %dma_start3A_235 = arith.constant 0 : i32
        %dma_start3A_236 = tpu.memref_slice %arg8[%dma_start3A_233, %dma_start3A_234, %dma_start3A_235] : memref<2x128x128xf32, #tpu.memory_space<vmem>> -> memref<1x128x128xf32, #tpu.memory_space<vmem>>
        %dma_start3A_237 = tpu.memref_squeeze %dma_start3A_236 : memref<1x128x128xf32, #tpu.memory_space<vmem>> -> memref<128x128xf32, #tpu.memory_space<vmem>>
        %dma_start3A_238 = arith.constant 0 : i32
        %dma_start3A_239 = arith.constant 0 : i32
        %dma_start3A_240 = tpu.memref_slice %arg2[%dma_start3A_238, %dma_start3A_239] : memref<10240x128xf32, #tpu.memory_space<hbm>> -> memref<10240x128xf32, #tpu.memory_space<hbm>>
        tpu.enqueue_indirect_dma source(%dma_start3A_240 : memref<10240x128xf32, #tpu.memory_space<hbm>>) target(%dma_start3A_237 : memref<128x128xf32, #tpu.memory_space<vmem>>) offsets(%arg9 : memref<128xi32, #tpu.memory_space<vmem>>) semaphore(%arg13 : memref<!tpu.dma_semaphore, #tpu.memory_space<semaphore_mem>>)
      } else {
      }
      %dma_wait3A_206 = arith.constant 1 : i32
      %dma_wait3A_207 = arith.constant 0 : i32
      %dma_wait3A_208 = arith.constant 0 : i32
      %dma_wait3A_209 = tpu.memref_slice %arg8[%dma_wait3A_206, %dma_wait3A_207, %dma_wait3A_208] : memref<2x128x128xf32, #tpu.memory_space<vmem>> -> memref<1x128x128xf32, #tpu.memory_space<vmem>>
      %dma_wait3A_210 = tpu.memref_squeeze %dma_wait3A_209 : memref<1x128x128xf32, #tpu.memory_space<vmem>> -> memref<128x128xf32, #tpu.memory_space<vmem>>
      %dma_wait3A_211 = arith.constant 0 : i32
      %dma_wait3A_212 = arith.constant 0 : i32
      %dma_wait3A_213 = tpu.memref_slice %arg8[%dma_wait3A_206, %dma_wait3A_211, %dma_wait3A_212] : memref<2x128x128xf32, #tpu.memory_space<vmem>> -> memref<1x128x128xf32, #tpu.memory_space<vmem>>
      %dma_wait3A_214 = tpu.memref_squeeze %dma_wait3A_213 : memref<1x128x128xf32, #tpu.memory_space<vmem>> -> memref<128x128xf32, #tpu.memory_space<vmem>>
      tpu.wait_dma2 semaphore(%arg14 : memref<!tpu.dma_semaphore, #tpu.memory_space<semaphore_mem>>) src(%arg5 : memref<128x128xf32, #tpu.memory_space<hbm>>) dst(%dma_wait3A_214 : memref<128x128xf32, #tpu.memory_space<vmem>>)
      %dma_start3A_215 = arith.constant 1 : i32
      %dma_start3A_216 = arith.constant 0 : i32
      %dma_start3A_217 = arith.constant 0 : i32
      %dma_start3A_218 = tpu.memref_slice %arg8[%dma_start3A_215, %dma_start3A_216, %dma_start3A_217] : memref<2x128x128xf32, #tpu.memory_space<vmem>> -> memref<1x128x128xf32, #tpu.memory_space<vmem>>
      %dma_start3A_219 = tpu.memref_squeeze %dma_start3A_218 : memref<1x128x128xf32, #tpu.memory_space<vmem>> -> memref<128x128xf32, #tpu.memory_space<vmem>>
      %dma_start3A_220 = arith.constant 0 : i32
      %dma_start3A_221 = arith.constant 0 : i32
      %dma_start3A_222 = tpu.memref_slice %arg7[%dma_start3A_220, %dma_start3A_221] : memref<10240x128xf32, #tpu.memory_space<vmem_shared>> -> memref<10240x128xf32, #tpu.memory_space<vmem_shared>>
      tpu.enqueue_indirect_dma source(%dma_start3A_219 : memref<128x128xf32, #tpu.memory_space<vmem>>) target(%dma_start3A_222 : memref<10240x128xf32, #tpu.memory_space<vmem_shared>>) offsets(%arg12 : memref<128xi32, #tpu.memory_space<vmem>>) semaphore(%arg16 : memref<!tpu.dma_semaphore, #tpu.memory_space<semaphore_mem>>) {add = true}
    }
    %dma_wait3A_88 = arith.constant 1 : i32
    %dma_wait3A_89 = arith.constant 0 : i32
    %dma_wait3A_90 = arith.constant 0 : i32
    %dma_wait3A_91 = tpu.memref_slice %arg8[%dma_wait3A_88, %dma_wait3A_89, %dma_wait3A_90] : memref<2x128x128xf32, #tpu.memory_space<vmem>> -> memref<1x128x128xf32, #tpu.memory_space<vmem>>
    %dma_wait3A_92 = tpu.memref_squeeze %dma_wait3A_91 : memref<1x128x128xf32, #tpu.memory_space<vmem>> -> memref<128x128xf32, #tpu.memory_space<vmem>>
    %dma_wait3A_93 = arith.constant 0 : i32
    %dma_wait3A_94 = arith.constant 0 : i32
    %dma_wait3A_95 = tpu.memref_slice %arg8[%dma_wait3A_88, %dma_wait3A_93, %dma_wait3A_94] : memref<2x128x128xf32, #tpu.memory_space<vmem>> -> memref<1x128x128xf32, #tpu.memory_space<vmem>>
    %dma_wait3A_96 = tpu.memref_squeeze %dma_wait3A_95 : memref<1x128x128xf32, #tpu.memory_space<vmem>> -> memref<128x128xf32, #tpu.memory_space<vmem>>
    tpu.wait_dma2 semaphore(%arg16 : memref<!tpu.dma_semaphore, #tpu.memory_space<semaphore_mem>>) src(%arg5 : memref<128x128xf32, #tpu.memory_space<hbm>>) dst(%dma_wait3A_96 : memref<128x128xf32, #tpu.memory_space<vmem>>)
    %barrier3A_97 = arith.constant 0 : index
    tpu.barrier barrier_id(%barrier3A_97)
    %add3A_98 = arith.constant 0 : i32
    %add3A_99 = arith.addi %mul3A_10, %add3A_98 : i32
    %dma_start3A_100 = arith.constant 0 : i32
    %dma_start3A_101 = tpu.memref_slice %arg6[%arg0, %add3A_99, %dma_start3A_100] : memref<2x10240x128xf32, #tpu.memory_space<hbm>> -> memref<1x128x128xf32, #tpu.memory_space<hbm>>
    %dma_start3A_102 = tpu.memref_squeeze %dma_start3A_101 : memref<1x128x128xf32, #tpu.memory_space<hbm>> -> memref<128x128xf32, #tpu.memory_space<hbm>>
    %dma_start3A_103 = arith.constant 0 : i32
    %dma_start3A_104 = tpu.memref_slice %arg7[%add3A_99, %dma_start3A_103] : memref<10240x128xf32, #tpu.memory_space<vmem_shared>> -> memref<128x128xf32, #tpu.memory_space<vmem_shared>>
    tpu.enqueue_dma source(%dma_start3A_104 : memref<128x128xf32, #tpu.memory_space<vmem_shared>>) target(%dma_start3A_102 : memref<128x128xf32, #tpu.memory_space<hbm>>) target_semaphore(%arg13 : memref<!tpu.dma_semaphore, #tpu.memory_space<semaphore_mem>>)
    %add3A_105 = arith.constant 128 : i32
    %add3A_106 = arith.addi %mul3A_10, %add3A_105 : i32
    %dma_start3A_107 = arith.constant 0 : i32
    %dma_start3A_108 = tpu.memref_slice %arg6[%arg0, %add3A_106, %dma_start3A_107] : memref<2x10240x128xf32, #tpu.memory_space<hbm>> -> memref<1x128x128xf32, #tpu.memory_space<hbm>>
    %dma_start3A_109 = tpu.memref_squeeze %dma_start3A_108 : memref<1x128x128xf32, #tpu.memory_space<hbm>> -> memref<128x128xf32, #tpu.memory_space<hbm>>
    %dma_start3A_110 = arith.constant 0 : i32
    %dma_start3A_111 = tpu.memref_slice %arg7[%add3A_106, %dma_start3A_110] : memref<10240x128xf32, #tpu.memory_space<vmem_shared>> -> memref<128x128xf32, #tpu.memory_space<vmem_shared>>
    tpu.enqueue_dma source(%dma_start3A_111 : memref<128x128xf32, #tpu.memory_space<vmem_shared>>) target(%dma_start3A_109 : memref<128x128xf32, #tpu.memory_space<hbm>>) target_semaphore(%arg13 : memref<!tpu.dma_semaphore, #tpu.memory_space<semaphore_mem>>)
    %add3A_112 = arith.constant 256 : i32
    %add3A_113 = arith.addi %mul3A_10, %add3A_112 : i32
    %dma_start3A_114 = arith.constant 0 : i32
    %dma_start3A_115 = tpu.memref_slice %arg6[%arg0, %add3A_113, %dma_start3A_114] : memref<2x10240x128xf32, #tpu.memory_space<hbm>> -> memref<1x128x128xf32, #tpu.memory_space<hbm>>
    %dma_start3A_116 = tpu.memref_squeeze %dma_start3A_115 : memref<1x128x128xf32, #tpu.memory_space<hbm>> -> memref<128x128xf32, #tpu.memory_space<hbm>>
    %dma_start3A_117 = arith.constant 0 : i32
    %dma_start3A_118 = tpu.memref_slice %arg7[%add3A_113, %dma_start3A_117] : memref<10240x128xf32, #tpu.memory_space<vmem_shared>> -> memref<128x128xf32, #tpu.memory_space<vmem_shared>>
    tpu.enqueue_dma source(%dma_start3A_118 : memref<128x128xf32, #tpu.memory_space<vmem_shared>>) target(%dma_start3A_116 : memref<128x128xf32, #tpu.memory_space<hbm>>) target_semaphore(%arg13 : memref<!tpu.dma_semaphore, #tpu.memory_space<semaphore_mem>>)
    %add3A_119 = arith.constant 384 : i32
    %add3A_120 = arith.addi %mul3A_10, %add3A_119 : i32
    %dma_start3A_121 = arith.constant 0 : i32
    %dma_start3A_122 = tpu.memref_slice %arg6[%arg0, %add3A_120, %dma_start3A_121] : memref<2x10240x128xf32, #tpu.memory_space<hbm>> -> memref<1x128x128xf32, #tpu.memory_space<hbm>>
    %dma_start3A_123 = tpu.memref_squeeze %dma_start3A_122 : memref<1x128x128xf32, #tpu.memory_space<hbm>> -> memref<128x128xf32, #tpu.memory_space<hbm>>
    %dma_start3A_124 = arith.constant 0 : i32
    %dma_start3A_125 = tpu.memref_slice %arg7[%add3A_120, %dma_start3A_124] : memref<10240x128xf32, #tpu.memory_space<vmem_shared>> -> memref<128x128xf32, #tpu.memory_space<vmem_shared>>
    tpu.enqueue_dma source(%dma_start3A_125 : memref<128x128xf32, #tpu.memory_space<vmem_shared>>) target(%dma_start3A_123 : memref<128x128xf32, #tpu.memory_space<hbm>>) target_semaphore(%arg13 : memref<!tpu.dma_semaphore, #tpu.memory_space<semaphore_mem>>)
    %add3A_126 = arith.constant 512 : i32
    %add3A_127 = arith.addi %mul3A_10, %add3A_126 : i32
    %dma_start3A_128 = arith.constant 0 : i32
    %dma_start3A_129 = tpu.memref_slice %arg6[%arg0, %add3A_127, %dma_start3A_128] : memref<2x10240x128xf32, #tpu.memory_space<hbm>> -> memref<1x128x128xf32, #tpu.memory_space<hbm>>
    %dma_start3A_130 = tpu.memref_squeeze %dma_start3A_129 : memref<1x128x128xf32, #tpu.memory_space<hbm>> -> memref<128x128xf32, #tpu.memory_space<hbm>>
    %dma_start3A_131 = arith.constant 0 : i32
    %dma_start3A_132 = tpu.memref_slice %arg7[%add3A_127, %dma_start3A_131] : memref<10240x128xf32, #tpu.memory_space<vmem_shared>> -> memref<128x128xf32, #tpu.memory_space<vmem_shared>>
    tpu.enqueue_dma source(%dma_start3A_132 : memref<128x128xf32, #tpu.memory_space<vmem_shared>>) target(%dma_start3A_130 : memref<128x128xf32, #tpu.memory_space<hbm>>) target_semaphore(%arg13 : memref<!tpu.dma_semaphore, #tpu.memory_space<semaphore_mem>>)
    %add3A_133 = arith.constant 0 : i32
    %add3A_134 = arith.addi %mul3A_10, %add3A_133 : i32
    %dma_wait3A_135 = arith.constant 0 : i32
    %dma_wait3A_136 = tpu.memref_slice %arg6[%arg0, %add3A_134, %dma_wait3A_135] : memref<2x10240x128xf32, #tpu.memory_space<hbm>> -> memref<1x128x128xf32, #tpu.memory_space<hbm>>
    %dma_wait3A_137 = tpu.memref_squeeze %dma_wait3A_136 : memref<1x128x128xf32, #tpu.memory_space<hbm>> -> memref<128x128xf32, #tpu.memory_space<hbm>>
    tpu.wait_dma2 semaphore(%arg13 : memref<!tpu.dma_semaphore, #tpu.memory_space<semaphore_mem>>) src(%arg5 : memref<128x128xf32, #tpu.memory_space<hbm>>) dst(%dma_wait3A_137 : memref<128x128xf32, #tpu.memory_space<hbm>>)
    %add3A_138 = arith.constant 128 : i32
    %add3A_139 = arith.addi %mul3A_10, %add3A_138 : i32
    %dma_wait3A_140 = arith.constant 0 : i32
    %dma_wait3A_141 = tpu.memref_slice %arg6[%arg0, %add3A_139, %dma_wait3A_140] : memref<2x10240x128xf32, #tpu.memory_space<hbm>> -> memref<1x128x128xf32, #tpu.memory_space<hbm>>
    %dma_wait3A_142 = tpu.memref_squeeze %dma_wait3A_141 : memref<1x128x128xf32, #tpu.memory_space<hbm>> -> memref<128x128xf32, #tpu.memory_space<hbm>>
    tpu.wait_dma2 semaphore(%arg13 : memref<!tpu.dma_semaphore, #tpu.memory_space<semaphore_mem>>) src(%arg5 : memref<128x128xf32, #tpu.memory_space<hbm>>) dst(%dma_wait3A_142 : memref<128x128xf32, #tpu.memory_space<hbm>>)
    %add3A_143 = arith.constant 256 : i32
    %add3A_144 = arith.addi %mul3A_10, %add3A_143 : i32
    %dma_wait3A_145 = arith.constant 0 : i32
    %dma_wait3A_146 = tpu.memref_slice %arg6[%arg0, %add3A_144, %dma_wait3A_145] : memref<2x10240x128xf32, #tpu.memory_space<hbm>> -> memref<1x128x128xf32, #tpu.memory_space<hbm>>
    %dma_wait3A_147 = tpu.memref_squeeze %dma_wait3A_146 : memref<1x128x128xf32, #tpu.memory_space<hbm>> -> memref<128x128xf32, #tpu.memory_space<hbm>>
    tpu.wait_dma2 semaphore(%arg13 : memref<!tpu.dma_semaphore, #tpu.memory_space<semaphore_mem>>) src(%arg5 : memref<128x128xf32, #tpu.memory_space<hbm>>) dst(%dma_wait3A_147 : memref<128x128xf32, #tpu.memory_space<hbm>>)
    %add3A_148 = arith.constant 384 : i32
    %add3A_149 = arith.addi %mul3A_10, %add3A_148 : i32
    %dma_wait3A_150 = arith.constant 0 : i32
    %dma_wait3A_151 = tpu.memref_slice %arg6[%arg0, %add3A_149, %dma_wait3A_150] : memref<2x10240x128xf32, #tpu.memory_space<hbm>> -> memref<1x128x128xf32, #tpu.memory_space<hbm>>
    %dma_wait3A_152 = tpu.memref_squeeze %dma_wait3A_151 : memref<1x128x128xf32, #tpu.memory_space<hbm>> -> memref<128x128xf32, #tpu.memory_space<hbm>>
    tpu.wait_dma2 semaphore(%arg13 : memref<!tpu.dma_semaphore, #tpu.memory_space<semaphore_mem>>) src(%arg5 : memref<128x128xf32, #tpu.memory_space<hbm>>) dst(%dma_wait3A_152 : memref<128x128xf32, #tpu.memory_space<hbm>>)
    %add3A_153 = arith.constant 512 : i32
    %add3A_154 = arith.addi %mul3A_10, %add3A_153 : i32
    %dma_wait3A_155 = arith.constant 0 : i32
    %dma_wait3A_156 = tpu.memref_slice %arg6[%arg0, %add3A_154, %dma_wait3A_155] : memref<2x10240x128xf32, #tpu.memory_space<hbm>> -> memref<1x128x128xf32, #tpu.memory_space<hbm>>
    %dma_wait3A_157 = tpu.memref_squeeze %dma_wait3A_156 : memref<1x128x128xf32, #tpu.memory_space<hbm>> -> memref<128x128xf32, #tpu.memory_space<hbm>>
    tpu.wait_dma2 semaphore(%arg13 : memref<!tpu.dma_semaphore, #tpu.memory_space<semaphore_mem>>) src(%arg5 : memref<128x128xf32, #tpu.memory_space<hbm>>) dst(%dma_wait3A_157 : memref<128x128xf32, #tpu.memory_space<hbm>>)
    return
  }
}

#map = affine_map<(d0, d1) -> (0, 0)>
#map1 = affine_map<(d0, d1) -> (0, 0, 0)>
module attributes {stable_mosaic.version = 14 : i64} {
  func.func @sage_sc_agg(%arg0: i32, %arg1: i32, %arg2: memref<10240x128xf32, #tpu.memory_space<hbm>>, %arg3: memref<2560x128xi32, #tpu.memory_space<hbm>>, %arg4: memref<2560x128xi32, #tpu.memory_space<hbm>>, %arg5: memref<128x128xf32, #tpu.memory_space<hbm>>, %arg6: memref<2x10240x128xf32, #tpu.memory_space<hbm>>, %arg7: memref<10240x128xf32, #tpu.memory_space<vmem_shared>>, %arg8: memref<2x128x128xf32, #tpu.memory_space<vmem>>, %arg9: memref<128xi32, #tpu.memory_space<vmem>>, %arg10: memref<128xi32, #tpu.memory_space<vmem>>, %arg11: memref<128xi32, #tpu.memory_space<vmem>>, %arg12: memref<128xi32, #tpu.memory_space<vmem>>, %arg13: memref<!tpu.dma_semaphore, #tpu.memory_space<semaphore_mem>>, %arg14: memref<!tpu.dma_semaphore, #tpu.memory_space<semaphore_mem>>, %arg15: memref<!tpu.dma_semaphore, #tpu.memory_space<semaphore_mem>>, %arg16: memref<!tpu.dma_semaphore, #tpu.memory_space<semaphore_mem>>) attributes {dimension_semantics = [#tpu.dimension_semantics<core_parallel>, #tpu.dimension_semantics<subcore_parallel>], iteration_bounds = array<i64: 2, 16>, scalar_prefetch = 0 : i64, scratch_operands = 10 : i64, tpu.core_type = #tpu.core_type<sc_vector_subcore>, window_params = [{transform_indices = #map}, {transform_indices = #map}, {transform_indices = #map}, {transform_indices = #map}, {transform_indices = #map1}]} {
    %eq3A = arith.constant 0 : i32
    %eq3A_0 = arith.cmpi eq, %arg0, %eq3A : i32
    %mul3A = arith.constant 80 : i32
    %mul3A_1 = arith.muli %arg1, %mul3A : i32
    %mul3A_2 = arith.constant 80 : i32
    %mul3A_3 = arith.muli %arg1, %mul3A_2 : i32
    %add3A = arith.constant 1280 : i32
    %add3A_4 = arith.addi %add3A, %mul3A_3 : i32
    %select_n3A = arith.select %eq3A_0, %mul3A_1, %add3A_4 : i32
    %eq3A_5 = arith.constant 0 : i32
    %eq3A_6 = arith.cmpi eq, %arg0, %eq3A_5 : i32
    %jit3A = arith.constant 80 : i32
    %jit3A_7 = arith.constant 80 : i32
    %select_n3A_8 = arith.select %eq3A_6, %jit3A, %jit3A_7 : i32
    %mul3A_9 = arith.constant 640 : i32
    %mul3A_10 = arith.muli %arg1, %mul3A_9 : i32
    %add3A_11 = arith.constant 0 : i32
    %add3A_12 = arith.addi %mul3A_10, %add3A_11 : i32
    %dma_start3A = arith.constant 0 : i32
    %dma_start3A_13 = tpu.memref_slice %arg7[%add3A_12, %dma_start3A] : memref<10240x128xf32, #tpu.memory_space<vmem_shared>> -> memref<128x128xf32, #tpu.memory_space<vmem_shared>>
    tpu.enqueue_dma source(%arg5 : memref<128x128xf32, #tpu.memory_space<hbm>>) target(%dma_start3A_13 : memref<128x128xf32, #tpu.memory_space<vmem_shared>>) target_semaphore(%arg15 : memref<!tpu.dma_semaphore, #tpu.memory_space<semaphore_mem>>)
    %add3A_14 = arith.constant 128 : i32
    %add3A_15 = arith.addi %mul3A_10, %add3A_14 : i32
    %dma_start3A_16 = arith.constant 0 : i32
    %dma_start3A_17 = tpu.memref_slice %arg7[%add3A_15, %dma_start3A_16] : memref<10240x128xf32, #tpu.memory_space<vmem_shared>> -> memref<128x128xf32, #tpu.memory_space<vmem_shared>>
    tpu.enqueue_dma source(%arg5 : memref<128x128xf32, #tpu.memory_space<hbm>>) target(%dma_start3A_17 : memref<128x128xf32, #tpu.memory_space<vmem_shared>>) target_semaphore(%arg15 : memref<!tpu.dma_semaphore, #tpu.memory_space<semaphore_mem>>)
    %add3A_18 = arith.constant 256 : i32
    %add3A_19 = arith.addi %mul3A_10, %add3A_18 : i32
    %dma_start3A_20 = arith.constant 0 : i32
    %dma_start3A_21 = tpu.memref_slice %arg7[%add3A_19, %dma_start3A_20] : memref<10240x128xf32, #tpu.memory_space<vmem_shared>> -> memref<128x128xf32, #tpu.memory_space<vmem_shared>>
    tpu.enqueue_dma source(%arg5 : memref<128x128xf32, #tpu.memory_space<hbm>>) target(%dma_start3A_21 : memref<128x128xf32, #tpu.memory_space<vmem_shared>>) target_semaphore(%arg15 : memref<!tpu.dma_semaphore, #tpu.memory_space<semaphore_mem>>)
    %add3A_22 = arith.constant 384 : i32
    %add3A_23 = arith.addi %mul3A_10, %add3A_22 : i32
    %dma_start3A_24 = arith.constant 0 : i32
    %dma_start3A_25 = tpu.memref_slice %arg7[%add3A_23, %dma_start3A_24] : memref<10240x128xf32, #tpu.memory_space<vmem_shared>> -> memref<128x128xf32, #tpu.memory_space<vmem_shared>>
    tpu.enqueue_dma source(%arg5 : memref<128x128xf32, #tpu.memory_space<hbm>>) target(%dma_start3A_25 : memref<128x128xf32, #tpu.memory_space<vmem_shared>>) target_semaphore(%arg15 : memref<!tpu.dma_semaphore, #tpu.memory_space<semaphore_mem>>)
    %add3A_26 = arith.constant 512 : i32
    %add3A_27 = arith.addi %mul3A_10, %add3A_26 : i32
    %dma_start3A_28 = arith.constant 0 : i32
    %dma_start3A_29 = tpu.memref_slice %arg7[%add3A_27, %dma_start3A_28] : memref<10240x128xf32, #tpu.memory_space<vmem_shared>> -> memref<128x128xf32, #tpu.memory_space<vmem_shared>>
    tpu.enqueue_dma source(%arg5 : memref<128x128xf32, #tpu.memory_space<hbm>>) target(%dma_start3A_29 : memref<128x128xf32, #tpu.memory_space<vmem_shared>>) target_semaphore(%arg15 : memref<!tpu.dma_semaphore, #tpu.memory_space<semaphore_mem>>)
    %add3A_30 = arith.constant 0 : i32
    %add3A_31 = arith.addi %select_n3A, %add3A_30 : i32
    "tpu.region"() ({
      %run_scoped3A = tpu.sem_alloc : memref<!tpu.dma_semaphore, #tpu.memory_space<semaphore_mem>>
      %dma_start3A_158 = arith.constant 0 : i32
      %dma_start3A_159 = tpu.memref_slice %arg3[%add3A_31, %dma_start3A_158] : memref<2560x128xi32, #tpu.memory_space<hbm>> -> memref<1x128xi32, #tpu.memory_space<hbm>>
      %dma_start3A_160 = tpu.memref_squeeze %dma_start3A_159 : memref<1x128xi32, #tpu.memory_space<hbm>> -> memref<128xi32, #tpu.memory_space<hbm>>
      %dma_start3A_161 = arith.constant 0 : i32
      %dma_start3A_162 = tpu.memref_slice %arg3[%add3A_31, %dma_start3A_161] : memref<2560x128xi32, #tpu.memory_space<hbm>> -> memref<1x128xi32, #tpu.memory_space<hbm>>
      %dma_start3A_163 = tpu.memref_squeeze %dma_start3A_162 : memref<1x128xi32, #tpu.memory_space<hbm>> -> memref<128xi32, #tpu.memory_space<hbm>>
      tpu.enqueue_dma source(%dma_start3A_163 : memref<128xi32, #tpu.memory_space<hbm>>) target(%arg9 : memref<128xi32, #tpu.memory_space<vmem>>) target_semaphore(%run_scoped3A : memref<!tpu.dma_semaphore, #tpu.memory_space<semaphore_mem>>)
      %dma_wait3A_164 = arith.constant 0 : i32
      %dma_wait3A_165 = tpu.memref_slice %arg3[%add3A_31, %dma_wait3A_164] : memref<2560x128xi32, #tpu.memory_space<hbm>> -> memref<1x128xi32, #tpu.memory_space<hbm>>
      %dma_wait3A_166 = tpu.memref_squeeze %dma_wait3A_165 : memref<1x128xi32, #tpu.memory_space<hbm>> -> memref<128xi32, #tpu.memory_space<hbm>>
      %dma_wait3A_167 = arith.constant 0 : i32
      %dma_wait3A_168 = tpu.memref_slice %arg3[%add3A_31, %dma_wait3A_167] : memref<2560x128xi32, #tpu.memory_space<hbm>> -> memref<1x128xi32, #tpu.memory_space<hbm>>
      %dma_wait3A_169 = tpu.memref_squeeze %dma_wait3A_168 : memref<1x128xi32, #tpu.memory_space<hbm>> -> memref<128xi32, #tpu.memory_space<hbm>>
      tpu.wait_dma2 semaphore(%run_scoped3A : memref<!tpu.dma_semaphore, #tpu.memory_space<semaphore_mem>>) src(%dma_wait3A_169 : memref<128xi32, #tpu.memory_space<hbm>>) dst(%arg9 : memref<128xi32, #tpu.memory_space<vmem>>)
      tpu.yield
    }) : () -> ()
    %add3A_32 = arith.constant 0 : i32
    %add3A_33 = arith.addi %select_n3A, %add3A_32 : i32
    "tpu.region"() ({
      %run_scoped3A = tpu.sem_alloc : memref<!tpu.dma_semaphore, #tpu.memory_space<semaphore_mem>>
      %dma_start3A_158 = arith.constant 0 : i32
      %dma_start3A_159 = tpu.memref_slice %arg4[%add3A_33, %dma_start3A_158] : memref<2560x128xi32, #tpu.memory_space<hbm>> -> memref<1x128xi32, #tpu.memory_space<hbm>>
      %dma_start3A_160 = tpu.memref_squeeze %dma_start3A_159 : memref<1x128xi32, #tpu.memory_space<hbm>> -> memref<128xi32, #tpu.memory_space<hbm>>
      %dma_start3A_161 = arith.constant 0 : i32
      %dma_start3A_162 = tpu.memref_slice %arg4[%add3A_33, %dma_start3A_161] : memref<2560x128xi32, #tpu.memory_space<hbm>> -> memref<1x128xi32, #tpu.memory_space<hbm>>
      %dma_start3A_163 = tpu.memref_squeeze %dma_start3A_162 : memref<1x128xi32, #tpu.memory_space<hbm>> -> memref<128xi32, #tpu.memory_space<hbm>>
      tpu.enqueue_dma source(%dma_start3A_163 : memref<128xi32, #tpu.memory_space<hbm>>) target(%arg11 : memref<128xi32, #tpu.memory_space<vmem>>) target_semaphore(%run_scoped3A : memref<!tpu.dma_semaphore, #tpu.memory_space<semaphore_mem>>)
      %dma_wait3A_164 = arith.constant 0 : i32
      %dma_wait3A_165 = tpu.memref_slice %arg4[%add3A_33, %dma_wait3A_164] : memref<2560x128xi32, #tpu.memory_space<hbm>> -> memref<1x128xi32, #tpu.memory_space<hbm>>
      %dma_wait3A_166 = tpu.memref_squeeze %dma_wait3A_165 : memref<1x128xi32, #tpu.memory_space<hbm>> -> memref<128xi32, #tpu.memory_space<hbm>>
      %dma_wait3A_167 = arith.constant 0 : i32
      %dma_wait3A_168 = tpu.memref_slice %arg4[%add3A_33, %dma_wait3A_167] : memref<2560x128xi32, #tpu.memory_space<hbm>> -> memref<1x128xi32, #tpu.memory_space<hbm>>
      %dma_wait3A_169 = tpu.memref_squeeze %dma_wait3A_168 : memref<1x128xi32, #tpu.memory_space<hbm>> -> memref<128xi32, #tpu.memory_space<hbm>>
      tpu.wait_dma2 semaphore(%run_scoped3A : memref<!tpu.dma_semaphore, #tpu.memory_space<semaphore_mem>>) src(%dma_wait3A_169 : memref<128xi32, #tpu.memory_space<hbm>>) dst(%arg11 : memref<128xi32, #tpu.memory_space<vmem>>)
      tpu.yield
    }) : () -> ()
    %dma_start3A_34 = arith.constant 0 : i32
    %dma_start3A_35 = arith.constant 0 : i32
    %dma_start3A_36 = arith.constant 0 : i32
    %dma_start3A_37 = tpu.memref_slice %arg8[%dma_start3A_34, %dma_start3A_35, %dma_start3A_36] : memref<2x128x128xf32, #tpu.memory_space<vmem>> -> memref<1x128x128xf32, #tpu.memory_space<vmem>>
    %dma_start3A_38 = tpu.memref_squeeze %dma_start3A_37 : memref<1x128x128xf32, #tpu.memory_space<vmem>> -> memref<128x128xf32, #tpu.memory_space<vmem>>
    %dma_start3A_39 = arith.constant 0 : i32
    %dma_start3A_40 = arith.constant 0 : i32
    %dma_start3A_41 = tpu.memref_slice %arg2[%dma_start3A_39, %dma_start3A_40] : memref<10240x128xf32, #tpu.memory_space<hbm>> -> memref<10240x128xf32, #tpu.memory_space<hbm>>
    tpu.enqueue_indirect_dma source(%dma_start3A_41 : memref<10240x128xf32, #tpu.memory_space<hbm>>) target(%dma_start3A_38 : memref<128x128xf32, #tpu.memory_space<vmem>>) offsets(%arg9 : memref<128xi32, #tpu.memory_space<vmem>>) semaphore(%arg13 : memref<!tpu.dma_semaphore, #tpu.memory_space<semaphore_mem>>)
    %add3A_42 = arith.constant 0 : i32
    %add3A_43 = arith.addi %mul3A_10, %add3A_42 : i32
    %dma_wait3A = arith.constant 0 : i32
    %dma_wait3A_44 = tpu.memref_slice %arg7[%add3A_43, %dma_wait3A] : memref<10240x128xf32, #tpu.memory_space<vmem_shared>> -> memref<128x128xf32, #tpu.memory_space<vmem_shared>>
    tpu.wait_dma2 semaphore(%arg15 : memref<!tpu.dma_semaphore, #tpu.memory_space<semaphore_mem>>) src(%arg5 : memref<128x128xf32, #tpu.memory_space<hbm>>) dst(%dma_wait3A_44 : memref<128x128xf32, #tpu.memory_space<vmem_shared>>)
    %add3A_45 = arith.constant 128 : i32
    %add3A_46 = arith.addi %mul3A_10, %add3A_45 : i32
    %dma_wait3A_47 = arith.constant 0 : i32
    %dma_wait3A_48 = tpu.memref_slice %arg7[%add3A_46, %dma_wait3A_47] : memref<10240x128xf32, #tpu.memory_space<vmem_shared>> -> memref<128x128xf32, #tpu.memory_space<vmem_shared>>
    tpu.wait_dma2 semaphore(%arg15 : memref<!tpu.dma_semaphore, #tpu.memory_space<semaphore_mem>>) src(%arg5 : memref<128x128xf32, #tpu.memory_space<hbm>>) dst(%dma_wait3A_48 : memref<128x128xf32, #tpu.memory_space<vmem_shared>>)
    %add3A_49 = arith.constant 256 : i32
    %add3A_50 = arith.addi %mul3A_10, %add3A_49 : i32
    %dma_wait3A_51 = arith.constant 0 : i32
    %dma_wait3A_52 = tpu.memref_slice %arg7[%add3A_50, %dma_wait3A_51] : memref<10240x128xf32, #tpu.memory_space<vmem_shared>> -> memref<128x128xf32, #tpu.memory_space<vmem_shared>>
    tpu.wait_dma2 semaphore(%arg15 : memref<!tpu.dma_semaphore, #tpu.memory_space<semaphore_mem>>) src(%arg5 : memref<128x128xf32, #tpu.memory_space<hbm>>) dst(%dma_wait3A_52 : memref<128x128xf32, #tpu.memory_space<vmem_shared>>)
    %add3A_53 = arith.constant 384 : i32
    %add3A_54 = arith.addi %mul3A_10, %add3A_53 : i32
    %dma_wait3A_55 = arith.constant 0 : i32
    %dma_wait3A_56 = tpu.memref_slice %arg7[%add3A_54, %dma_wait3A_55] : memref<10240x128xf32, #tpu.memory_space<vmem_shared>> -> memref<128x128xf32, #tpu.memory_space<vmem_shared>>
    tpu.wait_dma2 semaphore(%arg15 : memref<!tpu.dma_semaphore, #tpu.memory_space<semaphore_mem>>) src(%arg5 : memref<128x128xf32, #tpu.memory_space<hbm>>) dst(%dma_wait3A_56 : memref<128x128xf32, #tpu.memory_space<vmem_shared>>)
    %add3A_57 = arith.constant 512 : i32
    %add3A_58 = arith.addi %mul3A_10, %add3A_57 : i32
    %dma_wait3A_59 = arith.constant 0 : i32
    %dma_wait3A_60 = tpu.memref_slice %arg7[%add3A_58, %dma_wait3A_59] : memref<10240x128xf32, #tpu.memory_space<vmem_shared>> -> memref<128x128xf32, #tpu.memory_space<vmem_shared>>
    tpu.wait_dma2 semaphore(%arg15 : memref<!tpu.dma_semaphore, #tpu.memory_space<semaphore_mem>>) src(%arg5 : memref<128x128xf32, #tpu.memory_space<hbm>>) dst(%dma_wait3A_60 : memref<128x128xf32, #tpu.memory_space<vmem_shared>>)
    %barrier3A = arith.constant 0 : index
    tpu.barrier barrier_id(%barrier3A)
    %jit3A_61 = arith.constant 2 : i32
    %div3A = arith.divsi %select_n3A_8, %jit3A_61 : i32
    %sign3A = arith.constant 0 : i32
    %sign3A_62 = arith.cmpi sgt, %select_n3A_8, %sign3A : i32
    %sign3A_63 = arith.extui %sign3A_62 : i1 to i32
    %sign3A_64 = arith.constant 0 : i32
    %sign3A_65 = arith.cmpi slt, %select_n3A_8, %sign3A_64 : i32
    %sign3A_66 = arith.extui %sign3A_65 : i1 to i32
    %sign3A_67 = arith.subi %sign3A_63, %sign3A_66 : i32
    %sign3A_68 = arith.constant 0 : i32
    %sign3A_69 = arith.cmpi sgt, %jit3A_61, %sign3A_68 : i32
    %sign3A_70 = arith.extui %sign3A_69 : i1 to i32
    %sign3A_71 = arith.constant 0 : i32
    %sign3A_72 = arith.cmpi slt, %jit3A_61, %sign3A_71 : i32
    %sign3A_73 = arith.extui %sign3A_72 : i1 to i32
    %sign3A_74 = arith.subi %sign3A_70, %sign3A_73 : i32
    %ne3A = arith.cmpi ne, %sign3A_67, %sign3A_74 : i32
    %rem3A = arith.remsi %select_n3A_8, %jit3A_61 : i32
    %ne3A_75 = arith.constant 0 : i32
    %ne3A_76 = arith.cmpi ne, %rem3A, %ne3A_75 : i32
    %and3A = arith.andi %ne3A, %ne3A_76 : i1
    %sub3A = arith.constant 1 : i32
    %sub3A_77 = arith.subi %div3A, %sub3A : i32
    %select_n3A_78 = arith.select %and3A, %sub3A_77, %div3A : i32
    %while3A = arith.constant 0 : i32
    %while3A_79 = arith.constant 0 : i32
    %while3A_80 = arith.subi %select_n3A_78, %while3A_79 : i32
    %while3A_81 = arith.addi %while3A_79, %while3A_80 : i32
    %while3A_82 = arith.constant 1 : i32
    %while3A_83 = arith.divsi %while3A_80, %while3A_82 : i32
    %while3A_84 = arith.muli %while3A_83, %while3A_82 : i32
    %while3A_85 = arith.addi %while3A_79, %while3A_84 : i32
    %while3A_86 = arith.constant 1 : i32
    scf.for %while3A_158 = %while3A_79 to %while3A_85 step %while3A_86  : i32 {
      %mul3A_159 = arith.constant 2 : i32
      %mul3A_160 = arith.muli %mul3A_159, %while3A_158 : i32
      %add3A_161 = arith.constant 0 : i32
      %add3A_162 = arith.addi %mul3A_160, %add3A_161 : i32
      %ge3A = arith.constant 1 : i32
      %ge3A_163 = arith.cmpi sge, %add3A_162, %ge3A : i32
      %convert_element_type3A = arith.extui %ge3A_163 : i1 to i32
      %cond3A = arith.constant 0 : i32
      %cond3A_164 = arith.cmpi ne, %convert_element_type3A, %cond3A : i32
      scf.if %cond3A_164 {
        %dma_wait3A_223 = arith.constant 1 : i32
        %dma_wait3A_224 = arith.constant 0 : i32
        %dma_wait3A_225 = arith.constant 0 : i32
        %dma_wait3A_226 = tpu.memref_slice %arg8[%dma_wait3A_223, %dma_wait3A_224, %dma_wait3A_225] : memref<2x128x128xf32, #tpu.memory_space<vmem>> -> memref<1x128x128xf32, #tpu.memory_space<vmem>>
        %dma_wait3A_227 = tpu.memref_squeeze %dma_wait3A_226 : memref<1x128x128xf32, #tpu.memory_space<vmem>> -> memref<128x128xf32, #tpu.memory_space<vmem>>
        %dma_wait3A_228 = arith.constant 0 : i32
        %dma_wait3A_229 = arith.constant 0 : i32
        %dma_wait3A_230 = tpu.memref_slice %arg8[%dma_wait3A_223, %dma_wait3A_228, %dma_wait3A_229] : memref<2x128x128xf32, #tpu.memory_space<vmem>> -> memref<1x128x128xf32, #tpu.memory_space<vmem>>
        %dma_wait3A_231 = tpu.memref_squeeze %dma_wait3A_230 : memref<1x128x128xf32, #tpu.memory_space<vmem>> -> memref<128x128xf32, #tpu.memory_space<vmem>>
        tpu.wait_dma2 semaphore(%arg16 : memref<!tpu.dma_semaphore, #tpu.memory_space<semaphore_mem>>) src(%arg5 : memref<128x128xf32, #tpu.memory_space<hbm>>) dst(%dma_wait3A_231 : memref<128x128xf32, #tpu.memory_space<vmem>>)
      } else {
      }
      %add3A_165 = arith.constant 2 : i32
      %add3A_166 = arith.addi %add3A_162, %add3A_165 : i32
      %sub3A_167 = arith.constant 1 : i32
      %sub3A_168 = arith.subi %add3A_166, %sub3A_167 : i32
      %lt3A = arith.cmpi slt, %sub3A_168, %select_n3A_8 : i32
      %convert_element_type3A_169 = arith.extui %lt3A : i1 to i32
      %cond3A_170 = arith.constant 0 : i32
      %cond3A_171 = arith.cmpi ne, %convert_element_type3A_169, %cond3A_170 : i32
      scf.if %cond3A_171 {
        %add3A_223 = arith.addi %select_n3A, %add3A_162 : i32
        %add3A_224 = arith.constant 2 : i32
        %add3A_225 = arith.addi %add3A_223, %add3A_224 : i32
        %sub3A_226 = arith.constant 1 : i32
        %sub3A_227 = arith.subi %add3A_225, %sub3A_226 : i32
        "tpu.region"() ({
          %run_scoped3A = tpu.sem_alloc : memref<!tpu.dma_semaphore, #tpu.memory_space<semaphore_mem>>
          %dma_start3A_241 = arith.constant 0 : i32
          %dma_start3A_242 = tpu.memref_slice %arg3[%sub3A_227, %dma_start3A_241] : memref<2560x128xi32, #tpu.memory_space<hbm>> -> memref<1x128xi32, #tpu.memory_space<hbm>>
          %dma_start3A_243 = tpu.memref_squeeze %dma_start3A_242 : memref<1x128xi32, #tpu.memory_space<hbm>> -> memref<128xi32, #tpu.memory_space<hbm>>
          %dma_start3A_244 = arith.constant 0 : i32
          %dma_start3A_245 = tpu.memref_slice %arg3[%sub3A_227, %dma_start3A_244] : memref<2560x128xi32, #tpu.memory_space<hbm>> -> memref<1x128xi32, #tpu.memory_space<hbm>>
          %dma_start3A_246 = tpu.memref_squeeze %dma_start3A_245 : memref<1x128xi32, #tpu.memory_space<hbm>> -> memref<128xi32, #tpu.memory_space<hbm>>
          tpu.enqueue_dma source(%dma_start3A_246 : memref<128xi32, #tpu.memory_space<hbm>>) target(%arg10 : memref<128xi32, #tpu.memory_space<vmem>>) target_semaphore(%run_scoped3A : memref<!tpu.dma_semaphore, #tpu.memory_space<semaphore_mem>>)
          %dma_wait3A_247 = arith.constant 0 : i32
          %dma_wait3A_248 = tpu.memref_slice %arg3[%sub3A_227, %dma_wait3A_247] : memref<2560x128xi32, #tpu.memory_space<hbm>> -> memref<1x128xi32, #tpu.memory_space<hbm>>
          %dma_wait3A_249 = tpu.memref_squeeze %dma_wait3A_248 : memref<1x128xi32, #tpu.memory_space<hbm>> -> memref<128xi32, #tpu.memory_space<hbm>>
          %dma_wait3A_250 = arith.constant 0 : i32
          %dma_wait3A_251 = tpu.memref_slice %arg3[%sub3A_227, %dma_wait3A_250] : memref<2560x128xi32, #tpu.memory_space<hbm>> -> memref<1x128xi32, #tpu.memory_space<hbm>>
          %dma_wait3A_252 = tpu.memref_squeeze %dma_wait3A_251 : memref<1x128xi32, #tpu.memory_space<hbm>> -> memref<128xi32, #tpu.memory_space<hbm>>
          tpu.wait_dma2 semaphore(%run_scoped3A : memref<!tpu.dma_semaphore, #tpu.memory_space<semaphore_mem>>) src(%dma_wait3A_252 : memref<128xi32, #tpu.memory_space<hbm>>) dst(%arg10 : memref<128xi32, #tpu.memory_space<vmem>>)
          tpu.yield
        }) : () -> ()
        %add3A_228 = arith.addi %select_n3A, %add3A_162 : i32
        %add3A_229 = arith.constant 2 : i32
        %add3A_230 = arith.addi %add3A_228, %add3A_229 : i32
        %sub3A_231 = arith.constant 1 : i32
        %sub3A_232 = arith.subi %add3A_230, %sub3A_231 : i32
        "tpu.region"() ({
          %run_scoped3A = tpu.sem_alloc : memref<!tpu.dma_semaphore, #tpu.memory_space<semaphore_mem>>
          %dma_start3A_241 = arith.constant 0 : i32
          %dma_start3A_242 = tpu.memref_slice %arg4[%sub3A_232, %dma_start3A_241] : memref<2560x128xi32, #tpu.memory_space<hbm>> -> memref<1x128xi32, #tpu.memory_space<hbm>>
          %dma_start3A_243 = tpu.memref_squeeze %dma_start3A_242 : memref<1x128xi32, #tpu.memory_space<hbm>> -> memref<128xi32, #tpu.memory_space<hbm>>
          %dma_start3A_244 = arith.constant 0 : i32
          %dma_start3A_245 = tpu.memref_slice %arg4[%sub3A_232, %dma_start3A_244] : memref<2560x128xi32, #tpu.memory_space<hbm>> -> memref<1x128xi32, #tpu.memory_space<hbm>>
          %dma_start3A_246 = tpu.memref_squeeze %dma_start3A_245 : memref<1x128xi32, #tpu.memory_space<hbm>> -> memref<128xi32, #tpu.memory_space<hbm>>
          tpu.enqueue_dma source(%dma_start3A_246 : memref<128xi32, #tpu.memory_space<hbm>>) target(%arg12 : memref<128xi32, #tpu.memory_space<vmem>>) target_semaphore(%run_scoped3A : memref<!tpu.dma_semaphore, #tpu.memory_space<semaphore_mem>>)
          %dma_wait3A_247 = arith.constant 0 : i32
          %dma_wait3A_248 = tpu.memref_slice %arg4[%sub3A_232, %dma_wait3A_247] : memref<2560x128xi32, #tpu.memory_space<hbm>> -> memref<1x128xi32, #tpu.memory_space<hbm>>
          %dma_wait3A_249 = tpu.memref_squeeze %dma_wait3A_248 : memref<1x128xi32, #tpu.memory_space<hbm>> -> memref<128xi32, #tpu.memory_space<hbm>>
          %dma_wait3A_250 = arith.constant 0 : i32
          %dma_wait3A_251 = tpu.memref_slice %arg4[%sub3A_232, %dma_wait3A_250] : memref<2560x128xi32, #tpu.memory_space<hbm>> -> memref<1x128xi32, #tpu.memory_space<hbm>>
          %dma_wait3A_252 = tpu.memref_squeeze %dma_wait3A_251 : memref<1x128xi32, #tpu.memory_space<hbm>> -> memref<128xi32, #tpu.memory_space<hbm>>
          tpu.wait_dma2 semaphore(%run_scoped3A : memref<!tpu.dma_semaphore, #tpu.memory_space<semaphore_mem>>) src(%dma_wait3A_252 : memref<128xi32, #tpu.memory_space<hbm>>) dst(%arg12 : memref<128xi32, #tpu.memory_space<vmem>>)
          tpu.yield
        }) : () -> ()
        %dma_start3A_233 = arith.constant 1 : i32
        %dma_start3A_234 = arith.constant 0 : i32
        %dma_start3A_235 = arith.constant 0 : i32
        %dma_start3A_236 = tpu.memref_slice %arg8[%dma_start3A_233, %dma_start3A_234, %dma_start3A_235] : memref<2x128x128xf32, #tpu.memory_space<vmem>> -> memref<1x128x128xf32, #tpu.memory_space<vmem>>
        %dma_start3A_237 = tpu.memref_squeeze %dma_start3A_236 : memref<1x128x128xf32, #tpu.memory_space<vmem>> -> memref<128x128xf32, #tpu.memory_space<vmem>>
        %dma_start3A_238 = arith.constant 0 : i32
        %dma_start3A_239 = arith.constant 0 : i32
        %dma_start3A_240 = tpu.memref_slice %arg2[%dma_start3A_238, %dma_start3A_239] : memref<10240x128xf32, #tpu.memory_space<hbm>> -> memref<10240x128xf32, #tpu.memory_space<hbm>>
        tpu.enqueue_indirect_dma source(%dma_start3A_240 : memref<10240x128xf32, #tpu.memory_space<hbm>>) target(%dma_start3A_237 : memref<128x128xf32, #tpu.memory_space<vmem>>) offsets(%arg10 : memref<128xi32, #tpu.memory_space<vmem>>) semaphore(%arg14 : memref<!tpu.dma_semaphore, #tpu.memory_space<semaphore_mem>>)
      } else {
      }
      %dma_wait3A_172 = arith.constant 0 : i32
      %dma_wait3A_173 = arith.constant 0 : i32
      %dma_wait3A_174 = arith.constant 0 : i32
      %dma_wait3A_175 = tpu.memref_slice %arg8[%dma_wait3A_172, %dma_wait3A_173, %dma_wait3A_174] : memref<2x128x128xf32, #tpu.memory_space<vmem>> -> memref<1x128x128xf32, #tpu.memory_space<vmem>>
      %dma_wait3A_176 = tpu.memref_squeeze %dma_wait3A_175 : memref<1x128x128xf32, #tpu.memory_space<vmem>> -> memref<128x128xf32, #tpu.memory_space<vmem>>
      %dma_wait3A_177 = arith.constant 0 : i32
      %dma_wait3A_178 = arith.constant 0 : i32
      %dma_wait3A_179 = tpu.memref_slice %arg8[%dma_wait3A_172, %dma_wait3A_177, %dma_wait3A_178] : memref<2x128x128xf32, #tpu.memory_space<vmem>> -> memref<1x128x128xf32, #tpu.memory_space<vmem>>
      %dma_wait3A_180 = tpu.memref_squeeze %dma_wait3A_179 : memref<1x128x128xf32, #tpu.memory_space<vmem>> -> memref<128x128xf32, #tpu.memory_space<vmem>>
      tpu.wait_dma2 semaphore(%arg13 : memref<!tpu.dma_semaphore, #tpu.memory_space<semaphore_mem>>) src(%arg5 : memref<128x128xf32, #tpu.memory_space<hbm>>) dst(%dma_wait3A_180 : memref<128x128xf32, #tpu.memory_space<vmem>>)
      %dma_start3A_181 = arith.constant 0 : i32
      %dma_start3A_182 = arith.constant 0 : i32
      %dma_start3A_183 = arith.constant 0 : i32
      %dma_start3A_184 = tpu.memref_slice %arg8[%dma_start3A_181, %dma_start3A_182, %dma_start3A_183] : memref<2x128x128xf32, #tpu.memory_space<vmem>> -> memref<1x128x128xf32, #tpu.memory_space<vmem>>
      %dma_start3A_185 = tpu.memref_squeeze %dma_start3A_184 : memref<1x128x128xf32, #tpu.memory_space<vmem>> -> memref<128x128xf32, #tpu.memory_space<vmem>>
      %dma_start3A_186 = arith.constant 0 : i32
      %dma_start3A_187 = arith.constant 0 : i32
      %dma_start3A_188 = tpu.memref_slice %arg7[%dma_start3A_186, %dma_start3A_187] : memref<10240x128xf32, #tpu.memory_space<vmem_shared>> -> memref<10240x128xf32, #tpu.memory_space<vmem_shared>>
      tpu.enqueue_indirect_dma source(%dma_start3A_185 : memref<128x128xf32, #tpu.memory_space<vmem>>) target(%dma_start3A_188 : memref<10240x128xf32, #tpu.memory_space<vmem_shared>>) offsets(%arg11 : memref<128xi32, #tpu.memory_space<vmem>>) semaphore(%arg15 : memref<!tpu.dma_semaphore, #tpu.memory_space<semaphore_mem>>) {add = true}
      %mul3A_189 = arith.constant 2 : i32
      %mul3A_190 = arith.muli %mul3A_189, %while3A_158 : i32
      %add3A_191 = arith.constant 1 : i32
      %add3A_192 = arith.addi %mul3A_190, %add3A_191 : i32
      %ge3A_193 = arith.constant 1 : i32
      %ge3A_194 = arith.cmpi sge, %add3A_192, %ge3A_193 : i32
      %convert_element_type3A_195 = arith.extui %ge3A_194 : i1 to i32
      %cond3A_196 = arith.constant 0 : i32
      %cond3A_197 = arith.cmpi ne, %convert_element_type3A_195, %cond3A_196 : i32
      scf.if %cond3A_197 {
        %dma_wait3A_223 = arith.constant 0 : i32
        %dma_wait3A_224 = arith.constant 0 : i32
        %dma_wait3A_225 = arith.constant 0 : i32
        %dma_wait3A_226 = tpu.memref_slice %arg8[%dma_wait3A_223, %dma_wait3A_224, %dma_wait3A_225] : memref<2x128x128xf32, #tpu.memory_space<vmem>> -> memref<1x128x128xf32, #tpu.memory_space<vmem>>
        %dma_wait3A_227 = tpu.memref_squeeze %dma_wait3A_226 : memref<1x128x128xf32, #tpu.memory_space<vmem>> -> memref<128x128xf32, #tpu.memory_space<vmem>>
        %dma_wait3A_228 = arith.constant 0 : i32
        %dma_wait3A_229 = arith.constant 0 : i32
        %dma_wait3A_230 = tpu.memref_slice %arg8[%dma_wait3A_223, %dma_wait3A_228, %dma_wait3A_229] : memref<2x128x128xf32, #tpu.memory_space<vmem>> -> memref<1x128x128xf32, #tpu.memory_space<vmem>>
        %dma_wait3A_231 = tpu.memref_squeeze %dma_wait3A_230 : memref<1x128x128xf32, #tpu.memory_space<vmem>> -> memref<128x128xf32, #tpu.memory_space<vmem>>
        tpu.wait_dma2 semaphore(%arg15 : memref<!tpu.dma_semaphore, #tpu.memory_space<semaphore_mem>>) src(%arg5 : memref<128x128xf32, #tpu.memory_space<hbm>>) dst(%dma_wait3A_231 : memref<128x128xf32, #tpu.memory_space<vmem>>)
      } else {
      }
      %add3A_198 = arith.constant 2 : i32
      %add3A_199 = arith.addi %add3A_192, %add3A_198 : i32
      %sub3A_200 = arith.constant 1 : i32
      %sub3A_201 = arith.subi %add3A_199, %sub3A_200 : i32
      %lt3A_202 = arith.cmpi slt, %sub3A_201, %select_n3A_8 : i32
      %convert_element_type3A_203 = arith.extui %lt3A_202 : i1 to i32
      %cond3A_204 = arith.constant 0 : i32
      %cond3A_205 = arith.cmpi ne, %convert_element_type3A_203, %cond3A_204 : i32
      scf.if %cond3A_205 {
        %add3A_223 = arith.addi %select_n3A, %add3A_192 : i32
        %add3A_224 = arith.constant 2 : i32
        %add3A_225 = arith.addi %add3A_223, %add3A_224 : i32
        %sub3A_226 = arith.constant 1 : i32
        %sub3A_227 = arith.subi %add3A_225, %sub3A_226 : i32
        "tpu.region"() ({
          %run_scoped3A = tpu.sem_alloc : memref<!tpu.dma_semaphore, #tpu.memory_space<semaphore_mem>>
          %dma_start3A_241 = arith.constant 0 : i32
          %dma_start3A_242 = tpu.memref_slice %arg3[%sub3A_227, %dma_start3A_241] : memref<2560x128xi32, #tpu.memory_space<hbm>> -> memref<1x128xi32, #tpu.memory_space<hbm>>
          %dma_start3A_243 = tpu.memref_squeeze %dma_start3A_242 : memref<1x128xi32, #tpu.memory_space<hbm>> -> memref<128xi32, #tpu.memory_space<hbm>>
          %dma_start3A_244 = arith.constant 0 : i32
          %dma_start3A_245 = tpu.memref_slice %arg3[%sub3A_227, %dma_start3A_244] : memref<2560x128xi32, #tpu.memory_space<hbm>> -> memref<1x128xi32, #tpu.memory_space<hbm>>
          %dma_start3A_246 = tpu.memref_squeeze %dma_start3A_245 : memref<1x128xi32, #tpu.memory_space<hbm>> -> memref<128xi32, #tpu.memory_space<hbm>>
          tpu.enqueue_dma source(%dma_start3A_246 : memref<128xi32, #tpu.memory_space<hbm>>) target(%arg9 : memref<128xi32, #tpu.memory_space<vmem>>) target_semaphore(%run_scoped3A : memref<!tpu.dma_semaphore, #tpu.memory_space<semaphore_mem>>)
          %dma_wait3A_247 = arith.constant 0 : i32
          %dma_wait3A_248 = tpu.memref_slice %arg3[%sub3A_227, %dma_wait3A_247] : memref<2560x128xi32, #tpu.memory_space<hbm>> -> memref<1x128xi32, #tpu.memory_space<hbm>>
          %dma_wait3A_249 = tpu.memref_squeeze %dma_wait3A_248 : memref<1x128xi32, #tpu.memory_space<hbm>> -> memref<128xi32, #tpu.memory_space<hbm>>
          %dma_wait3A_250 = arith.constant 0 : i32
          %dma_wait3A_251 = tpu.memref_slice %arg3[%sub3A_227, %dma_wait3A_250] : memref<2560x128xi32, #tpu.memory_space<hbm>> -> memref<1x128xi32, #tpu.memory_space<hbm>>
          %dma_wait3A_252 = tpu.memref_squeeze %dma_wait3A_251 : memref<1x128xi32, #tpu.memory_space<hbm>> -> memref<128xi32, #tpu.memory_space<hbm>>
          tpu.wait_dma2 semaphore(%run_scoped3A : memref<!tpu.dma_semaphore, #tpu.memory_space<semaphore_mem>>) src(%dma_wait3A_252 : memref<128xi32, #tpu.memory_space<hbm>>) dst(%arg9 : memref<128xi32, #tpu.memory_space<vmem>>)
          tpu.yield
        }) : () -> ()
        %add3A_228 = arith.addi %select_n3A, %add3A_192 : i32
        %add3A_229 = arith.constant 2 : i32
        %add3A_230 = arith.addi %add3A_228, %add3A_229 : i32
        %sub3A_231 = arith.constant 1 : i32
        %sub3A_232 = arith.subi %add3A_230, %sub3A_231 : i32
        "tpu.region"() ({
          %run_scoped3A = tpu.sem_alloc : memref<!tpu.dma_semaphore, #tpu.memory_space<semaphore_mem>>
          %dma_start3A_241 = arith.constant 0 : i32
          %dma_start3A_242 = tpu.memref_slice %arg4[%sub3A_232, %dma_start3A_241] : memref<2560x128xi32, #tpu.memory_space<hbm>> -> memref<1x128xi32, #tpu.memory_space<hbm>>
          %dma_start3A_243 = tpu.memref_squeeze %dma_start3A_242 : memref<1x128xi32, #tpu.memory_space<hbm>> -> memref<128xi32, #tpu.memory_space<hbm>>
          %dma_start3A_244 = arith.constant 0 : i32
          %dma_start3A_245 = tpu.memref_slice %arg4[%sub3A_232, %dma_start3A_244] : memref<2560x128xi32, #tpu.memory_space<hbm>> -> memref<1x128xi32, #tpu.memory_space<hbm>>
          %dma_start3A_246 = tpu.memref_squeeze %dma_start3A_245 : memref<1x128xi32, #tpu.memory_space<hbm>> -> memref<128xi32, #tpu.memory_space<hbm>>
          tpu.enqueue_dma source(%dma_start3A_246 : memref<128xi32, #tpu.memory_space<hbm>>) target(%arg11 : memref<128xi32, #tpu.memory_space<vmem>>) target_semaphore(%run_scoped3A : memref<!tpu.dma_semaphore, #tpu.memory_space<semaphore_mem>>)
          %dma_wait3A_247 = arith.constant 0 : i32
          %dma_wait3A_248 = tpu.memref_slice %arg4[%sub3A_232, %dma_wait3A_247] : memref<2560x128xi32, #tpu.memory_space<hbm>> -> memref<1x128xi32, #tpu.memory_space<hbm>>
          %dma_wait3A_249 = tpu.memref_squeeze %dma_wait3A_248 : memref<1x128xi32, #tpu.memory_space<hbm>> -> memref<128xi32, #tpu.memory_space<hbm>>
          %dma_wait3A_250 = arith.constant 0 : i32
          %dma_wait3A_251 = tpu.memref_slice %arg4[%sub3A_232, %dma_wait3A_250] : memref<2560x128xi32, #tpu.memory_space<hbm>> -> memref<1x128xi32, #tpu.memory_space<hbm>>
          %dma_wait3A_252 = tpu.memref_squeeze %dma_wait3A_251 : memref<1x128xi32, #tpu.memory_space<hbm>> -> memref<128xi32, #tpu.memory_space<hbm>>
          tpu.wait_dma2 semaphore(%run_scoped3A : memref<!tpu.dma_semaphore, #tpu.memory_space<semaphore_mem>>) src(%dma_wait3A_252 : memref<128xi32, #tpu.memory_space<hbm>>) dst(%arg11 : memref<128xi32, #tpu.memory_space<vmem>>)
          tpu.yield
        }) : () -> ()
        %dma_start3A_233 = arith.constant 0 : i32
        %dma_start3A_234 = arith.constant 0 : i32
        %dma_start3A_235 = arith.constant 0 : i32
        %dma_start3A_236 = tpu.memref_slice %arg8[%dma_start3A_233, %dma_start3A_234, %dma_start3A_235] : memref<2x128x128xf32, #tpu.memory_space<vmem>> -> memref<1x128x128xf32, #tpu.memory_space<vmem>>
        %dma_start3A_237 = tpu.memref_squeeze %dma_start3A_236 : memref<1x128x128xf32, #tpu.memory_space<vmem>> -> memref<128x128xf32, #tpu.memory_space<vmem>>
        %dma_start3A_238 = arith.constant 0 : i32
        %dma_start3A_239 = arith.constant 0 : i32
        %dma_start3A_240 = tpu.memref_slice %arg2[%dma_start3A_238, %dma_start3A_239] : memref<10240x128xf32, #tpu.memory_space<hbm>> -> memref<10240x128xf32, #tpu.memory_space<hbm>>
        tpu.enqueue_indirect_dma source(%dma_start3A_240 : memref<10240x128xf32, #tpu.memory_space<hbm>>) target(%dma_start3A_237 : memref<128x128xf32, #tpu.memory_space<vmem>>) offsets(%arg9 : memref<128xi32, #tpu.memory_space<vmem>>) semaphore(%arg13 : memref<!tpu.dma_semaphore, #tpu.memory_space<semaphore_mem>>)
      } else {
      }
      %dma_wait3A_206 = arith.constant 1 : i32
      %dma_wait3A_207 = arith.constant 0 : i32
      %dma_wait3A_208 = arith.constant 0 : i32
      %dma_wait3A_209 = tpu.memref_slice %arg8[%dma_wait3A_206, %dma_wait3A_207, %dma_wait3A_208] : memref<2x128x128xf32, #tpu.memory_space<vmem>> -> memref<1x128x128xf32, #tpu.memory_space<vmem>>
      %dma_wait3A_210 = tpu.memref_squeeze %dma_wait3A_209 : memref<1x128x128xf32, #tpu.memory_space<vmem>> -> memref<128x128xf32, #tpu.memory_space<vmem>>
      %dma_wait3A_211 = arith.constant 0 : i32
      %dma_wait3A_212 = arith.constant 0 : i32
      %dma_wait3A_213 = tpu.memref_slice %arg8[%dma_wait3A_206, %dma_wait3A_211, %dma_wait3A_212] : memref<2x128x128xf32, #tpu.memory_space<vmem>> -> memref<1x128x128xf32, #tpu.memory_space<vmem>>
      %dma_wait3A_214 = tpu.memref_squeeze %dma_wait3A_213 : memref<1x128x128xf32, #tpu.memory_space<vmem>> -> memref<128x128xf32, #tpu.memory_space<vmem>>
      tpu.wait_dma2 semaphore(%arg14 : memref<!tpu.dma_semaphore, #tpu.memory_space<semaphore_mem>>) src(%arg5 : memref<128x128xf32, #tpu.memory_space<hbm>>) dst(%dma_wait3A_214 : memref<128x128xf32, #tpu.memory_space<vmem>>)
      %dma_start3A_215 = arith.constant 1 : i32
      %dma_start3A_216 = arith.constant 0 : i32
      %dma_start3A_217 = arith.constant 0 : i32
      %dma_start3A_218 = tpu.memref_slice %arg8[%dma_start3A_215, %dma_start3A_216, %dma_start3A_217] : memref<2x128x128xf32, #tpu.memory_space<vmem>> -> memref<1x128x128xf32, #tpu.memory_space<vmem>>
      %dma_start3A_219 = tpu.memref_squeeze %dma_start3A_218 : memref<1x128x128xf32, #tpu.memory_space<vmem>> -> memref<128x128xf32, #tpu.memory_space<vmem>>
      %dma_start3A_220 = arith.constant 0 : i32
      %dma_start3A_221 = arith.constant 0 : i32
      %dma_start3A_222 = tpu.memref_slice %arg7[%dma_start3A_220, %dma_start3A_221] : memref<10240x128xf32, #tpu.memory_space<vmem_shared>> -> memref<10240x128xf32, #tpu.memory_space<vmem_shared>>
      tpu.enqueue_indirect_dma source(%dma_start3A_219 : memref<128x128xf32, #tpu.memory_space<vmem>>) target(%dma_start3A_222 : memref<10240x128xf32, #tpu.memory_space<vmem_shared>>) offsets(%arg12 : memref<128xi32, #tpu.memory_space<vmem>>) semaphore(%arg16 : memref<!tpu.dma_semaphore, #tpu.memory_space<semaphore_mem>>) {add = true}
    }
    %while3A_87 = arith.constant 1 : i32
    scf.for %while3A_158 = %while3A_85 to %while3A_81 step %while3A_87  : i32 {
      %mul3A_159 = arith.constant 2 : i32
      %mul3A_160 = arith.muli %mul3A_159, %while3A_158 : i32
      %add3A_161 = arith.constant 0 : i32
      %add3A_162 = arith.addi %mul3A_160, %add3A_161 : i32
      %ge3A = arith.constant 1 : i32
      %ge3A_163 = arith.cmpi sge, %add3A_162, %ge3A : i32
      %convert_element_type3A = arith.extui %ge3A_163 : i1 to i32
      %cond3A = arith.constant 0 : i32
      %cond3A_164 = arith.cmpi ne, %convert_element_type3A, %cond3A : i32
      scf.if %cond3A_164 {
        %dma_wait3A_223 = arith.constant 1 : i32
        %dma_wait3A_224 = arith.constant 0 : i32
        %dma_wait3A_225 = arith.constant 0 : i32
        %dma_wait3A_226 = tpu.memref_slice %arg8[%dma_wait3A_223, %dma_wait3A_224, %dma_wait3A_225] : memref<2x128x128xf32, #tpu.memory_space<vmem>> -> memref<1x128x128xf32, #tpu.memory_space<vmem>>
        %dma_wait3A_227 = tpu.memref_squeeze %dma_wait3A_226 : memref<1x128x128xf32, #tpu.memory_space<vmem>> -> memref<128x128xf32, #tpu.memory_space<vmem>>
        %dma_wait3A_228 = arith.constant 0 : i32
        %dma_wait3A_229 = arith.constant 0 : i32
        %dma_wait3A_230 = tpu.memref_slice %arg8[%dma_wait3A_223, %dma_wait3A_228, %dma_wait3A_229] : memref<2x128x128xf32, #tpu.memory_space<vmem>> -> memref<1x128x128xf32, #tpu.memory_space<vmem>>
        %dma_wait3A_231 = tpu.memref_squeeze %dma_wait3A_230 : memref<1x128x128xf32, #tpu.memory_space<vmem>> -> memref<128x128xf32, #tpu.memory_space<vmem>>
        tpu.wait_dma2 semaphore(%arg16 : memref<!tpu.dma_semaphore, #tpu.memory_space<semaphore_mem>>) src(%arg5 : memref<128x128xf32, #tpu.memory_space<hbm>>) dst(%dma_wait3A_231 : memref<128x128xf32, #tpu.memory_space<vmem>>)
      } else {
      }
      %add3A_165 = arith.constant 2 : i32
      %add3A_166 = arith.addi %add3A_162, %add3A_165 : i32
      %sub3A_167 = arith.constant 1 : i32
      %sub3A_168 = arith.subi %add3A_166, %sub3A_167 : i32
      %lt3A = arith.cmpi slt, %sub3A_168, %select_n3A_8 : i32
      %convert_element_type3A_169 = arith.extui %lt3A : i1 to i32
      %cond3A_170 = arith.constant 0 : i32
      %cond3A_171 = arith.cmpi ne, %convert_element_type3A_169, %cond3A_170 : i32
      scf.if %cond3A_171 {
        %add3A_223 = arith.addi %select_n3A, %add3A_162 : i32
        %add3A_224 = arith.constant 2 : i32
        %add3A_225 = arith.addi %add3A_223, %add3A_224 : i32
        %sub3A_226 = arith.constant 1 : i32
        %sub3A_227 = arith.subi %add3A_225, %sub3A_226 : i32
        "tpu.region"() ({
          %run_scoped3A = tpu.sem_alloc : memref<!tpu.dma_semaphore, #tpu.memory_space<semaphore_mem>>
          %dma_start3A_241 = arith.constant 0 : i32
          %dma_start3A_242 = tpu.memref_slice %arg3[%sub3A_227, %dma_start3A_241] : memref<2560x128xi32, #tpu.memory_space<hbm>> -> memref<1x128xi32, #tpu.memory_space<hbm>>
          %dma_start3A_243 = tpu.memref_squeeze %dma_start3A_242 : memref<1x128xi32, #tpu.memory_space<hbm>> -> memref<128xi32, #tpu.memory_space<hbm>>
          %dma_start3A_244 = arith.constant 0 : i32
          %dma_start3A_245 = tpu.memref_slice %arg3[%sub3A_227, %dma_start3A_244] : memref<2560x128xi32, #tpu.memory_space<hbm>> -> memref<1x128xi32, #tpu.memory_space<hbm>>
          %dma_start3A_246 = tpu.memref_squeeze %dma_start3A_245 : memref<1x128xi32, #tpu.memory_space<hbm>> -> memref<128xi32, #tpu.memory_space<hbm>>
          tpu.enqueue_dma source(%dma_start3A_246 : memref<128xi32, #tpu.memory_space<hbm>>) target(%arg10 : memref<128xi32, #tpu.memory_space<vmem>>) target_semaphore(%run_scoped3A : memref<!tpu.dma_semaphore, #tpu.memory_space<semaphore_mem>>)
          %dma_wait3A_247 = arith.constant 0 : i32
          %dma_wait3A_248 = tpu.memref_slice %arg3[%sub3A_227, %dma_wait3A_247] : memref<2560x128xi32, #tpu.memory_space<hbm>> -> memref<1x128xi32, #tpu.memory_space<hbm>>
          %dma_wait3A_249 = tpu.memref_squeeze %dma_wait3A_248 : memref<1x128xi32, #tpu.memory_space<hbm>> -> memref<128xi32, #tpu.memory_space<hbm>>
          %dma_wait3A_250 = arith.constant 0 : i32
          %dma_wait3A_251 = tpu.memref_slice %arg3[%sub3A_227, %dma_wait3A_250] : memref<2560x128xi32, #tpu.memory_space<hbm>> -> memref<1x128xi32, #tpu.memory_space<hbm>>
          %dma_wait3A_252 = tpu.memref_squeeze %dma_wait3A_251 : memref<1x128xi32, #tpu.memory_space<hbm>> -> memref<128xi32, #tpu.memory_space<hbm>>
          tpu.wait_dma2 semaphore(%run_scoped3A : memref<!tpu.dma_semaphore, #tpu.memory_space<semaphore_mem>>) src(%dma_wait3A_252 : memref<128xi32, #tpu.memory_space<hbm>>) dst(%arg10 : memref<128xi32, #tpu.memory_space<vmem>>)
          tpu.yield
        }) : () -> ()
        %add3A_228 = arith.addi %select_n3A, %add3A_162 : i32
        %add3A_229 = arith.constant 2 : i32
        %add3A_230 = arith.addi %add3A_228, %add3A_229 : i32
        %sub3A_231 = arith.constant 1 : i32
        %sub3A_232 = arith.subi %add3A_230, %sub3A_231 : i32
        "tpu.region"() ({
          %run_scoped3A = tpu.sem_alloc : memref<!tpu.dma_semaphore, #tpu.memory_space<semaphore_mem>>
          %dma_start3A_241 = arith.constant 0 : i32
          %dma_start3A_242 = tpu.memref_slice %arg4[%sub3A_232, %dma_start3A_241] : memref<2560x128xi32, #tpu.memory_space<hbm>> -> memref<1x128xi32, #tpu.memory_space<hbm>>
          %dma_start3A_243 = tpu.memref_squeeze %dma_start3A_242 : memref<1x128xi32, #tpu.memory_space<hbm>> -> memref<128xi32, #tpu.memory_space<hbm>>
          %dma_start3A_244 = arith.constant 0 : i32
          %dma_start3A_245 = tpu.memref_slice %arg4[%sub3A_232, %dma_start3A_244] : memref<2560x128xi32, #tpu.memory_space<hbm>> -> memref<1x128xi32, #tpu.memory_space<hbm>>
          %dma_start3A_246 = tpu.memref_squeeze %dma_start3A_245 : memref<1x128xi32, #tpu.memory_space<hbm>> -> memref<128xi32, #tpu.memory_space<hbm>>
          tpu.enqueue_dma source(%dma_start3A_246 : memref<128xi32, #tpu.memory_space<hbm>>) target(%arg12 : memref<128xi32, #tpu.memory_space<vmem>>) target_semaphore(%run_scoped3A : memref<!tpu.dma_semaphore, #tpu.memory_space<semaphore_mem>>)
          %dma_wait3A_247 = arith.constant 0 : i32
          %dma_wait3A_248 = tpu.memref_slice %arg4[%sub3A_232, %dma_wait3A_247] : memref<2560x128xi32, #tpu.memory_space<hbm>> -> memref<1x128xi32, #tpu.memory_space<hbm>>
          %dma_wait3A_249 = tpu.memref_squeeze %dma_wait3A_248 : memref<1x128xi32, #tpu.memory_space<hbm>> -> memref<128xi32, #tpu.memory_space<hbm>>
          %dma_wait3A_250 = arith.constant 0 : i32
          %dma_wait3A_251 = tpu.memref_slice %arg4[%sub3A_232, %dma_wait3A_250] : memref<2560x128xi32, #tpu.memory_space<hbm>> -> memref<1x128xi32, #tpu.memory_space<hbm>>
          %dma_wait3A_252 = tpu.memref_squeeze %dma_wait3A_251 : memref<1x128xi32, #tpu.memory_space<hbm>> -> memref<128xi32, #tpu.memory_space<hbm>>
          tpu.wait_dma2 semaphore(%run_scoped3A : memref<!tpu.dma_semaphore, #tpu.memory_space<semaphore_mem>>) src(%dma_wait3A_252 : memref<128xi32, #tpu.memory_space<hbm>>) dst(%arg12 : memref<128xi32, #tpu.memory_space<vmem>>)
          tpu.yield
        }) : () -> ()
        %dma_start3A_233 = arith.constant 1 : i32
        %dma_start3A_234 = arith.constant 0 : i32
        %dma_start3A_235 = arith.constant 0 : i32
        %dma_start3A_236 = tpu.memref_slice %arg8[%dma_start3A_233, %dma_start3A_234, %dma_start3A_235] : memref<2x128x128xf32, #tpu.memory_space<vmem>> -> memref<1x128x128xf32, #tpu.memory_space<vmem>>
        %dma_start3A_237 = tpu.memref_squeeze %dma_start3A_236 : memref<1x128x128xf32, #tpu.memory_space<vmem>> -> memref<128x128xf32, #tpu.memory_space<vmem>>
        %dma_start3A_238 = arith.constant 0 : i32
        %dma_start3A_239 = arith.constant 0 : i32
        %dma_start3A_240 = tpu.memref_slice %arg2[%dma_start3A_238, %dma_start3A_239] : memref<10240x128xf32, #tpu.memory_space<hbm>> -> memref<10240x128xf32, #tpu.memory_space<hbm>>
        tpu.enqueue_indirect_dma source(%dma_start3A_240 : memref<10240x128xf32, #tpu.memory_space<hbm>>) target(%dma_start3A_237 : memref<128x128xf32, #tpu.memory_space<vmem>>) offsets(%arg10 : memref<128xi32, #tpu.memory_space<vmem>>) semaphore(%arg14 : memref<!tpu.dma_semaphore, #tpu.memory_space<semaphore_mem>>)
      } else {
      }
      %dma_wait3A_172 = arith.constant 0 : i32
      %dma_wait3A_173 = arith.constant 0 : i32
      %dma_wait3A_174 = arith.constant 0 : i32
      %dma_wait3A_175 = tpu.memref_slice %arg8[%dma_wait3A_172, %dma_wait3A_173, %dma_wait3A_174] : memref<2x128x128xf32, #tpu.memory_space<vmem>> -> memref<1x128x128xf32, #tpu.memory_space<vmem>>
      %dma_wait3A_176 = tpu.memref_squeeze %dma_wait3A_175 : memref<1x128x128xf32, #tpu.memory_space<vmem>> -> memref<128x128xf32, #tpu.memory_space<vmem>>
      %dma_wait3A_177 = arith.constant 0 : i32
      %dma_wait3A_178 = arith.constant 0 : i32
      %dma_wait3A_179 = tpu.memref_slice %arg8[%dma_wait3A_172, %dma_wait3A_177, %dma_wait3A_178] : memref<2x128x128xf32, #tpu.memory_space<vmem>> -> memref<1x128x128xf32, #tpu.memory_space<vmem>>
      %dma_wait3A_180 = tpu.memref_squeeze %dma_wait3A_179 : memref<1x128x128xf32, #tpu.memory_space<vmem>> -> memref<128x128xf32, #tpu.memory_space<vmem>>
      tpu.wait_dma2 semaphore(%arg13 : memref<!tpu.dma_semaphore, #tpu.memory_space<semaphore_mem>>) src(%arg5 : memref<128x128xf32, #tpu.memory_space<hbm>>) dst(%dma_wait3A_180 : memref<128x128xf32, #tpu.memory_space<vmem>>)
      %dma_start3A_181 = arith.constant 0 : i32
      %dma_start3A_182 = arith.constant 0 : i32
      %dma_start3A_183 = arith.constant 0 : i32
      %dma_start3A_184 = tpu.memref_slice %arg8[%dma_start3A_181, %dma_start3A_182, %dma_start3A_183] : memref<2x128x128xf32, #tpu.memory_space<vmem>> -> memref<1x128x128xf32, #tpu.memory_space<vmem>>
      %dma_start3A_185 = tpu.memref_squeeze %dma_start3A_184 : memref<1x128x128xf32, #tpu.memory_space<vmem>> -> memref<128x128xf32, #tpu.memory_space<vmem>>
      %dma_start3A_186 = arith.constant 0 : i32
      %dma_start3A_187 = arith.constant 0 : i32
      %dma_start3A_188 = tpu.memref_slice %arg7[%dma_start3A_186, %dma_start3A_187] : memref<10240x128xf32, #tpu.memory_space<vmem_shared>> -> memref<10240x128xf32, #tpu.memory_space<vmem_shared>>
      tpu.enqueue_indirect_dma source(%dma_start3A_185 : memref<128x128xf32, #tpu.memory_space<vmem>>) target(%dma_start3A_188 : memref<10240x128xf32, #tpu.memory_space<vmem_shared>>) offsets(%arg11 : memref<128xi32, #tpu.memory_space<vmem>>) semaphore(%arg15 : memref<!tpu.dma_semaphore, #tpu.memory_space<semaphore_mem>>) {add = true}
      %mul3A_189 = arith.constant 2 : i32
      %mul3A_190 = arith.muli %mul3A_189, %while3A_158 : i32
      %add3A_191 = arith.constant 1 : i32
      %add3A_192 = arith.addi %mul3A_190, %add3A_191 : i32
      %ge3A_193 = arith.constant 1 : i32
      %ge3A_194 = arith.cmpi sge, %add3A_192, %ge3A_193 : i32
      %convert_element_type3A_195 = arith.extui %ge3A_194 : i1 to i32
      %cond3A_196 = arith.constant 0 : i32
      %cond3A_197 = arith.cmpi ne, %convert_element_type3A_195, %cond3A_196 : i32
      scf.if %cond3A_197 {
        %dma_wait3A_223 = arith.constant 0 : i32
        %dma_wait3A_224 = arith.constant 0 : i32
        %dma_wait3A_225 = arith.constant 0 : i32
        %dma_wait3A_226 = tpu.memref_slice %arg8[%dma_wait3A_223, %dma_wait3A_224, %dma_wait3A_225] : memref<2x128x128xf32, #tpu.memory_space<vmem>> -> memref<1x128x128xf32, #tpu.memory_space<vmem>>
        %dma_wait3A_227 = tpu.memref_squeeze %dma_wait3A_226 : memref<1x128x128xf32, #tpu.memory_space<vmem>> -> memref<128x128xf32, #tpu.memory_space<vmem>>
        %dma_wait3A_228 = arith.constant 0 : i32
        %dma_wait3A_229 = arith.constant 0 : i32
        %dma_wait3A_230 = tpu.memref_slice %arg8[%dma_wait3A_223, %dma_wait3A_228, %dma_wait3A_229] : memref<2x128x128xf32, #tpu.memory_space<vmem>> -> memref<1x128x128xf32, #tpu.memory_space<vmem>>
        %dma_wait3A_231 = tpu.memref_squeeze %dma_wait3A_230 : memref<1x128x128xf32, #tpu.memory_space<vmem>> -> memref<128x128xf32, #tpu.memory_space<vmem>>
        tpu.wait_dma2 semaphore(%arg15 : memref<!tpu.dma_semaphore, #tpu.memory_space<semaphore_mem>>) src(%arg5 : memref<128x128xf32, #tpu.memory_space<hbm>>) dst(%dma_wait3A_231 : memref<128x128xf32, #tpu.memory_space<vmem>>)
      } else {
      }
      %add3A_198 = arith.constant 2 : i32
      %add3A_199 = arith.addi %add3A_192, %add3A_198 : i32
      %sub3A_200 = arith.constant 1 : i32
      %sub3A_201 = arith.subi %add3A_199, %sub3A_200 : i32
      %lt3A_202 = arith.cmpi slt, %sub3A_201, %select_n3A_8 : i32
      %convert_element_type3A_203 = arith.extui %lt3A_202 : i1 to i32
      %cond3A_204 = arith.constant 0 : i32
      %cond3A_205 = arith.cmpi ne, %convert_element_type3A_203, %cond3A_204 : i32
      scf.if %cond3A_205 {
        %add3A_223 = arith.addi %select_n3A, %add3A_192 : i32
        %add3A_224 = arith.constant 2 : i32
        %add3A_225 = arith.addi %add3A_223, %add3A_224 : i32
        %sub3A_226 = arith.constant 1 : i32
        %sub3A_227 = arith.subi %add3A_225, %sub3A_226 : i32
        "tpu.region"() ({
          %run_scoped3A = tpu.sem_alloc : memref<!tpu.dma_semaphore, #tpu.memory_space<semaphore_mem>>
          %dma_start3A_241 = arith.constant 0 : i32
          %dma_start3A_242 = tpu.memref_slice %arg3[%sub3A_227, %dma_start3A_241] : memref<2560x128xi32, #tpu.memory_space<hbm>> -> memref<1x128xi32, #tpu.memory_space<hbm>>
          %dma_start3A_243 = tpu.memref_squeeze %dma_start3A_242 : memref<1x128xi32, #tpu.memory_space<hbm>> -> memref<128xi32, #tpu.memory_space<hbm>>
          %dma_start3A_244 = arith.constant 0 : i32
          %dma_start3A_245 = tpu.memref_slice %arg3[%sub3A_227, %dma_start3A_244] : memref<2560x128xi32, #tpu.memory_space<hbm>> -> memref<1x128xi32, #tpu.memory_space<hbm>>
          %dma_start3A_246 = tpu.memref_squeeze %dma_start3A_245 : memref<1x128xi32, #tpu.memory_space<hbm>> -> memref<128xi32, #tpu.memory_space<hbm>>
          tpu.enqueue_dma source(%dma_start3A_246 : memref<128xi32, #tpu.memory_space<hbm>>) target(%arg9 : memref<128xi32, #tpu.memory_space<vmem>>) target_semaphore(%run_scoped3A : memref<!tpu.dma_semaphore, #tpu.memory_space<semaphore_mem>>)
          %dma_wait3A_247 = arith.constant 0 : i32
          %dma_wait3A_248 = tpu.memref_slice %arg3[%sub3A_227, %dma_wait3A_247] : memref<2560x128xi32, #tpu.memory_space<hbm>> -> memref<1x128xi32, #tpu.memory_space<hbm>>
          %dma_wait3A_249 = tpu.memref_squeeze %dma_wait3A_248 : memref<1x128xi32, #tpu.memory_space<hbm>> -> memref<128xi32, #tpu.memory_space<hbm>>
          %dma_wait3A_250 = arith.constant 0 : i32
          %dma_wait3A_251 = tpu.memref_slice %arg3[%sub3A_227, %dma_wait3A_250] : memref<2560x128xi32, #tpu.memory_space<hbm>> -> memref<1x128xi32, #tpu.memory_space<hbm>>
          %dma_wait3A_252 = tpu.memref_squeeze %dma_wait3A_251 : memref<1x128xi32, #tpu.memory_space<hbm>> -> memref<128xi32, #tpu.memory_space<hbm>>
          tpu.wait_dma2 semaphore(%run_scoped3A : memref<!tpu.dma_semaphore, #tpu.memory_space<semaphore_mem>>) src(%dma_wait3A_252 : memref<128xi32, #tpu.memory_space<hbm>>) dst(%arg9 : memref<128xi32, #tpu.memory_space<vmem>>)
          tpu.yield
        }) : () -> ()
        %add3A_228 = arith.addi %select_n3A, %add3A_192 : i32
        %add3A_229 = arith.constant 2 : i32
        %add3A_230 = arith.addi %add3A_228, %add3A_229 : i32
        %sub3A_231 = arith.constant 1 : i32
        %sub3A_232 = arith.subi %add3A_230, %sub3A_231 : i32
        "tpu.region"() ({
          %run_scoped3A = tpu.sem_alloc : memref<!tpu.dma_semaphore, #tpu.memory_space<semaphore_mem>>
          %dma_start3A_241 = arith.constant 0 : i32
          %dma_start3A_242 = tpu.memref_slice %arg4[%sub3A_232, %dma_start3A_241] : memref<2560x128xi32, #tpu.memory_space<hbm>> -> memref<1x128xi32, #tpu.memory_space<hbm>>
          %dma_start3A_243 = tpu.memref_squeeze %dma_start3A_242 : memref<1x128xi32, #tpu.memory_space<hbm>> -> memref<128xi32, #tpu.memory_space<hbm>>
          %dma_start3A_244 = arith.constant 0 : i32
          %dma_start3A_245 = tpu.memref_slice %arg4[%sub3A_232, %dma_start3A_244] : memref<2560x128xi32, #tpu.memory_space<hbm>> -> memref<1x128xi32, #tpu.memory_space<hbm>>
          %dma_start3A_246 = tpu.memref_squeeze %dma_start3A_245 : memref<1x128xi32, #tpu.memory_space<hbm>> -> memref<128xi32, #tpu.memory_space<hbm>>
          tpu.enqueue_dma source(%dma_start3A_246 : memref<128xi32, #tpu.memory_space<hbm>>) target(%arg11 : memref<128xi32, #tpu.memory_space<vmem>>) target_semaphore(%run_scoped3A : memref<!tpu.dma_semaphore, #tpu.memory_space<semaphore_mem>>)
          %dma_wait3A_247 = arith.constant 0 : i32
          %dma_wait3A_248 = tpu.memref_slice %arg4[%sub3A_232, %dma_wait3A_247] : memref<2560x128xi32, #tpu.memory_space<hbm>> -> memref<1x128xi32, #tpu.memory_space<hbm>>
          %dma_wait3A_249 = tpu.memref_squeeze %dma_wait3A_248 : memref<1x128xi32, #tpu.memory_space<hbm>> -> memref<128xi32, #tpu.memory_space<hbm>>
          %dma_wait3A_250 = arith.constant 0 : i32
          %dma_wait3A_251 = tpu.memref_slice %arg4[%sub3A_232, %dma_wait3A_250] : memref<2560x128xi32, #tpu.memory_space<hbm>> -> memref<1x128xi32, #tpu.memory_space<hbm>>
          %dma_wait3A_252 = tpu.memref_squeeze %dma_wait3A_251 : memref<1x128xi32, #tpu.memory_space<hbm>> -> memref<128xi32, #tpu.memory_space<hbm>>
          tpu.wait_dma2 semaphore(%run_scoped3A : memref<!tpu.dma_semaphore, #tpu.memory_space<semaphore_mem>>) src(%dma_wait3A_252 : memref<128xi32, #tpu.memory_space<hbm>>) dst(%arg11 : memref<128xi32, #tpu.memory_space<vmem>>)
          tpu.yield
        }) : () -> ()
        %dma_start3A_233 = arith.constant 0 : i32
        %dma_start3A_234 = arith.constant 0 : i32
        %dma_start3A_235 = arith.constant 0 : i32
        %dma_start3A_236 = tpu.memref_slice %arg8[%dma_start3A_233, %dma_start3A_234, %dma_start3A_235] : memref<2x128x128xf32, #tpu.memory_space<vmem>> -> memref<1x128x128xf32, #tpu.memory_space<vmem>>
        %dma_start3A_237 = tpu.memref_squeeze %dma_start3A_236 : memref<1x128x128xf32, #tpu.memory_space<vmem>> -> memref<128x128xf32, #tpu.memory_space<vmem>>
        %dma_start3A_238 = arith.constant 0 : i32
        %dma_start3A_239 = arith.constant 0 : i32
        %dma_start3A_240 = tpu.memref_slice %arg2[%dma_start3A_238, %dma_start3A_239] : memref<10240x128xf32, #tpu.memory_space<hbm>> -> memref<10240x128xf32, #tpu.memory_space<hbm>>
        tpu.enqueue_indirect_dma source(%dma_start3A_240 : memref<10240x128xf32, #tpu.memory_space<hbm>>) target(%dma_start3A_237 : memref<128x128xf32, #tpu.memory_space<vmem>>) offsets(%arg9 : memref<128xi32, #tpu.memory_space<vmem>>) semaphore(%arg13 : memref<!tpu.dma_semaphore, #tpu.memory_space<semaphore_mem>>)
      } else {
      }
      %dma_wait3A_206 = arith.constant 1 : i32
      %dma_wait3A_207 = arith.constant 0 : i32
      %dma_wait3A_208 = arith.constant 0 : i32
      %dma_wait3A_209 = tpu.memref_slice %arg8[%dma_wait3A_206, %dma_wait3A_207, %dma_wait3A_208] : memref<2x128x128xf32, #tpu.memory_space<vmem>> -> memref<1x128x128xf32, #tpu.memory_space<vmem>>
      %dma_wait3A_210 = tpu.memref_squeeze %dma_wait3A_209 : memref<1x128x128xf32, #tpu.memory_space<vmem>> -> memref<128x128xf32, #tpu.memory_space<vmem>>
      %dma_wait3A_211 = arith.constant 0 : i32
      %dma_wait3A_212 = arith.constant 0 : i32
      %dma_wait3A_213 = tpu.memref_slice %arg8[%dma_wait3A_206, %dma_wait3A_211, %dma_wait3A_212] : memref<2x128x128xf32, #tpu.memory_space<vmem>> -> memref<1x128x128xf32, #tpu.memory_space<vmem>>
      %dma_wait3A_214 = tpu.memref_squeeze %dma_wait3A_213 : memref<1x128x128xf32, #tpu.memory_space<vmem>> -> memref<128x128xf32, #tpu.memory_space<vmem>>
      tpu.wait_dma2 semaphore(%arg14 : memref<!tpu.dma_semaphore, #tpu.memory_space<semaphore_mem>>) src(%arg5 : memref<128x128xf32, #tpu.memory_space<hbm>>) dst(%dma_wait3A_214 : memref<128x128xf32, #tpu.memory_space<vmem>>)
      %dma_start3A_215 = arith.constant 1 : i32
      %dma_start3A_216 = arith.constant 0 : i32
      %dma_start3A_217 = arith.constant 0 : i32
      %dma_start3A_218 = tpu.memref_slice %arg8[%dma_start3A_215, %dma_start3A_216, %dma_start3A_217] : memref<2x128x128xf32, #tpu.memory_space<vmem>> -> memref<1x128x128xf32, #tpu.memory_space<vmem>>
      %dma_start3A_219 = tpu.memref_squeeze %dma_start3A_218 : memref<1x128x128xf32, #tpu.memory_space<vmem>> -> memref<128x128xf32, #tpu.memory_space<vmem>>
      %dma_start3A_220 = arith.constant 0 : i32
      %dma_start3A_221 = arith.constant 0 : i32
      %dma_start3A_222 = tpu.memref_slice %arg7[%dma_start3A_220, %dma_start3A_221] : memref<10240x128xf32, #tpu.memory_space<vmem_shared>> -> memref<10240x128xf32, #tpu.memory_space<vmem_shared>>
      tpu.enqueue_indirect_dma source(%dma_start3A_219 : memref<128x128xf32, #tpu.memory_space<vmem>>) target(%dma_start3A_222 : memref<10240x128xf32, #tpu.memory_space<vmem_shared>>) offsets(%arg12 : memref<128xi32, #tpu.memory_space<vmem>>) semaphore(%arg16 : memref<!tpu.dma_semaphore, #tpu.memory_space<semaphore_mem>>) {add = true}
    }
    %dma_wait3A_88 = arith.constant 1 : i32
    %dma_wait3A_89 = arith.constant 0 : i32
    %dma_wait3A_90 = arith.constant 0 : i32
    %dma_wait3A_91 = tpu.memref_slice %arg8[%dma_wait3A_88, %dma_wait3A_89, %dma_wait3A_90] : memref<2x128x128xf32, #tpu.memory_space<vmem>> -> memref<1x128x128xf32, #tpu.memory_space<vmem>>
    %dma_wait3A_92 = tpu.memref_squeeze %dma_wait3A_91 : memref<1x128x128xf32, #tpu.memory_space<vmem>> -> memref<128x128xf32, #tpu.memory_space<vmem>>
    %dma_wait3A_93 = arith.constant 0 : i32
    %dma_wait3A_94 = arith.constant 0 : i32
    %dma_wait3A_95 = tpu.memref_slice %arg8[%dma_wait3A_88, %dma_wait3A_93, %dma_wait3A_94] : memref<2x128x128xf32, #tpu.memory_space<vmem>> -> memref<1x128x128xf32, #tpu.memory_space<vmem>>
    %dma_wait3A_96 = tpu.memref_squeeze %dma_wait3A_95 : memref<1x128x128xf32, #tpu.memory_space<vmem>> -> memref<128x128xf32, #tpu.memory_space<vmem>>
    tpu.wait_dma2 semaphore(%arg16 : memref<!tpu.dma_semaphore, #tpu.memory_space<semaphore_mem>>) src(%arg5 : memref<128x128xf32, #tpu.memory_space<hbm>>) dst(%dma_wait3A_96 : memref<128x128xf32, #tpu.memory_space<vmem>>)
    %barrier3A_97 = arith.constant 0 : index
    tpu.barrier barrier_id(%barrier3A_97)
    %add3A_98 = arith.constant 0 : i32
    %add3A_99 = arith.addi %mul3A_10, %add3A_98 : i32
    %dma_start3A_100 = arith.constant 0 : i32
    %dma_start3A_101 = tpu.memref_slice %arg6[%arg0, %add3A_99, %dma_start3A_100] : memref<2x10240x128xf32, #tpu.memory_space<hbm>> -> memref<1x128x128xf32, #tpu.memory_space<hbm>>
    %dma_start3A_102 = tpu.memref_squeeze %dma_start3A_101 : memref<1x128x128xf32, #tpu.memory_space<hbm>> -> memref<128x128xf32, #tpu.memory_space<hbm>>
    %dma_start3A_103 = arith.constant 0 : i32
    %dma_start3A_104 = tpu.memref_slice %arg7[%add3A_99, %dma_start3A_103] : memref<10240x128xf32, #tpu.memory_space<vmem_shared>> -> memref<128x128xf32, #tpu.memory_space<vmem_shared>>
    tpu.enqueue_dma source(%dma_start3A_104 : memref<128x128xf32, #tpu.memory_space<vmem_shared>>) target(%dma_start3A_102 : memref<128x128xf32, #tpu.memory_space<hbm>>) target_semaphore(%arg13 : memref<!tpu.dma_semaphore, #tpu.memory_space<semaphore_mem>>)
    %add3A_105 = arith.constant 128 : i32
    %add3A_106 = arith.addi %mul3A_10, %add3A_105 : i32
    %dma_start3A_107 = arith.constant 0 : i32
    %dma_start3A_108 = tpu.memref_slice %arg6[%arg0, %add3A_106, %dma_start3A_107] : memref<2x10240x128xf32, #tpu.memory_space<hbm>> -> memref<1x128x128xf32, #tpu.memory_space<hbm>>
    %dma_start3A_109 = tpu.memref_squeeze %dma_start3A_108 : memref<1x128x128xf32, #tpu.memory_space<hbm>> -> memref<128x128xf32, #tpu.memory_space<hbm>>
    %dma_start3A_110 = arith.constant 0 : i32
    %dma_start3A_111 = tpu.memref_slice %arg7[%add3A_106, %dma_start3A_110] : memref<10240x128xf32, #tpu.memory_space<vmem_shared>> -> memref<128x128xf32, #tpu.memory_space<vmem_shared>>
    tpu.enqueue_dma source(%dma_start3A_111 : memref<128x128xf32, #tpu.memory_space<vmem_shared>>) target(%dma_start3A_109 : memref<128x128xf32, #tpu.memory_space<hbm>>) target_semaphore(%arg13 : memref<!tpu.dma_semaphore, #tpu.memory_space<semaphore_mem>>)
    %add3A_112 = arith.constant 256 : i32
    %add3A_113 = arith.addi %mul3A_10, %add3A_112 : i32
    %dma_start3A_114 = arith.constant 0 : i32
    %dma_start3A_115 = tpu.memref_slice %arg6[%arg0, %add3A_113, %dma_start3A_114] : memref<2x10240x128xf32, #tpu.memory_space<hbm>> -> memref<1x128x128xf32, #tpu.memory_space<hbm>>
    %dma_start3A_116 = tpu.memref_squeeze %dma_start3A_115 : memref<1x128x128xf32, #tpu.memory_space<hbm>> -> memref<128x128xf32, #tpu.memory_space<hbm>>
    %dma_start3A_117 = arith.constant 0 : i32
    %dma_start3A_118 = tpu.memref_slice %arg7[%add3A_113, %dma_start3A_117] : memref<10240x128xf32, #tpu.memory_space<vmem_shared>> -> memref<128x128xf32, #tpu.memory_space<vmem_shared>>
    tpu.enqueue_dma source(%dma_start3A_118 : memref<128x128xf32, #tpu.memory_space<vmem_shared>>) target(%dma_start3A_116 : memref<128x128xf32, #tpu.memory_space<hbm>>) target_semaphore(%arg13 : memref<!tpu.dma_semaphore, #tpu.memory_space<semaphore_mem>>)
    %add3A_119 = arith.constant 384 : i32
    %add3A_120 = arith.addi %mul3A_10, %add3A_119 : i32
    %dma_start3A_121 = arith.constant 0 : i32
    %dma_start3A_122 = tpu.memref_slice %arg6[%arg0, %add3A_120, %dma_start3A_121] : memref<2x10240x128xf32, #tpu.memory_space<hbm>> -> memref<1x128x128xf32, #tpu.memory_space<hbm>>
    %dma_start3A_123 = tpu.memref_squeeze %dma_start3A_122 : memref<1x128x128xf32, #tpu.memory_space<hbm>> -> memref<128x128xf32, #tpu.memory_space<hbm>>
    %dma_start3A_124 = arith.constant 0 : i32
    %dma_start3A_125 = tpu.memref_slice %arg7[%add3A_120, %dma_start3A_124] : memref<10240x128xf32, #tpu.memory_space<vmem_shared>> -> memref<128x128xf32, #tpu.memory_space<vmem_shared>>
    tpu.enqueue_dma source(%dma_start3A_125 : memref<128x128xf32, #tpu.memory_space<vmem_shared>>) target(%dma_start3A_123 : memref<128x128xf32, #tpu.memory_space<hbm>>) target_semaphore(%arg13 : memref<!tpu.dma_semaphore, #tpu.memory_space<semaphore_mem>>)
    %add3A_126 = arith.constant 512 : i32
    %add3A_127 = arith.addi %mul3A_10, %add3A_126 : i32
    %dma_start3A_128 = arith.constant 0 : i32
    %dma_start3A_129 = tpu.memref_slice %arg6[%arg0, %add3A_127, %dma_start3A_128] : memref<2x10240x128xf32, #tpu.memory_space<hbm>> -> memref<1x128x128xf32, #tpu.memory_space<hbm>>
    %dma_start3A_130 = tpu.memref_squeeze %dma_start3A_129 : memref<1x128x128xf32, #tpu.memory_space<hbm>> -> memref<128x128xf32, #tpu.memory_space<hbm>>
    %dma_start3A_131 = arith.constant 0 : i32
    %dma_start3A_132 = tpu.memref_slice %arg7[%add3A_127, %dma_start3A_131] : memref<10240x128xf32, #tpu.memory_space<vmem_shared>> -> memref<128x128xf32, #tpu.memory_space<vmem_shared>>
    tpu.enqueue_dma source(%dma_start3A_132 : memref<128x128xf32, #tpu.memory_space<vmem_shared>>) target(%dma_start3A_130 : memref<128x128xf32, #tpu.memory_space<hbm>>) target_semaphore(%arg13 : memref<!tpu.dma_semaphore, #tpu.memory_space<semaphore_mem>>)
    %add3A_133 = arith.constant 0 : i32
    %add3A_134 = arith.addi %mul3A_10, %add3A_133 : i32
    %dma_wait3A_135 = arith.constant 0 : i32
    %dma_wait3A_136 = tpu.memref_slice %arg6[%arg0, %add3A_134, %dma_wait3A_135] : memref<2x10240x128xf32, #tpu.memory_space<hbm>> -> memref<1x128x128xf32, #tpu.memory_space<hbm>>
    %dma_wait3A_137 = tpu.memref_squeeze %dma_wait3A_136 : memref<1x128x128xf32, #tpu.memory_space<hbm>> -> memref<128x128xf32, #tpu.memory_space<hbm>>
    tpu.wait_dma2 semaphore(%arg13 : memref<!tpu.dma_semaphore, #tpu.memory_space<semaphore_mem>>) src(%arg5 : memref<128x128xf32, #tpu.memory_space<hbm>>) dst(%dma_wait3A_137 : memref<128x128xf32, #tpu.memory_space<hbm>>)
    %add3A_138 = arith.constant 128 : i32
    %add3A_139 = arith.addi %mul3A_10, %add3A_138 : i32
    %dma_wait3A_140 = arith.constant 0 : i32
    %dma_wait3A_141 = tpu.memref_slice %arg6[%arg0, %add3A_139, %dma_wait3A_140] : memref<2x10240x128xf32, #tpu.memory_space<hbm>> -> memref<1x128x128xf32, #tpu.memory_space<hbm>>
    %dma_wait3A_142 = tpu.memref_squeeze %dma_wait3A_141 : memref<1x128x128xf32, #tpu.memory_space<hbm>> -> memref<128x128xf32, #tpu.memory_space<hbm>>
    tpu.wait_dma2 semaphore(%arg13 : memref<!tpu.dma_semaphore, #tpu.memory_space<semaphore_mem>>) src(%arg5 : memref<128x128xf32, #tpu.memory_space<hbm>>) dst(%dma_wait3A_142 : memref<128x128xf32, #tpu.memory_space<hbm>>)
    %add3A_143 = arith.constant 256 : i32
    %add3A_144 = arith.addi %mul3A_10, %add3A_143 : i32
    %dma_wait3A_145 = arith.constant 0 : i32
    %dma_wait3A_146 = tpu.memref_slice %arg6[%arg0, %add3A_144, %dma_wait3A_145] : memref<2x10240x128xf32, #tpu.memory_space<hbm>> -> memref<1x128x128xf32, #tpu.memory_space<hbm>>
    %dma_wait3A_147 = tpu.memref_squeeze %dma_wait3A_146 : memref<1x128x128xf32, #tpu.memory_space<hbm>> -> memref<128x128xf32, #tpu.memory_space<hbm>>
    tpu.wait_dma2 semaphore(%arg13 : memref<!tpu.dma_semaphore, #tpu.memory_space<semaphore_mem>>) src(%arg5 : memref<128x128xf32, #tpu.memory_space<hbm>>) dst(%dma_wait3A_147 : memref<128x128xf32, #tpu.memory_space<hbm>>)
    %add3A_148 = arith.constant 384 : i32
    %add3A_149 = arith.addi %mul3A_10, %add3A_148 : i32
    %dma_wait3A_150 = arith.constant 0 : i32
    %dma_wait3A_151 = tpu.memref_slice %arg6[%arg0, %add3A_149, %dma_wait3A_150] : memref<2x10240x128xf32, #tpu.memory_space<hbm>> -> memref<1x128x128xf32, #tpu.memory_space<hbm>>
    %dma_wait3A_152 = tpu.memref_squeeze %dma_wait3A_151 : memref<1x128x128xf32, #tpu.memory_space<hbm>> -> memref<128x128xf32, #tpu.memory_space<hbm>>
    tpu.wait_dma2 semaphore(%arg13 : memref<!tpu.dma_semaphore, #tpu.memory_space<semaphore_mem>>) src(%arg5 : memref<128x128xf32, #tpu.memory_space<hbm>>) dst(%dma_wait3A_152 : memref<128x128xf32, #tpu.memory_space<hbm>>)
    %add3A_153 = arith.constant 512 : i32
    %add3A_154 = arith.addi %mul3A_10, %add3A_153 : i32
    %dma_wait3A_155 = arith.constant 0 : i32
    %dma_wait3A_156 = tpu.memref_slice %arg6[%arg0, %add3A_154, %dma_wait3A_155] : memref<2x10240x128xf32, #tpu.memory_space<hbm>> -> memref<1x128x128xf32, #tpu.memory_space<hbm>>
    %dma_wait3A_157 = tpu.memref_squeeze %dma_wait3A_156 : memref<1x128x128xf32, #tpu.memory_space<hbm>> -> memref<128x128xf32, #tpu.memory_space<hbm>>
    tpu.wait_dma2 semaphore(%arg13 : memref<!tpu.dma_semaphore, #tpu.memory_space<semaphore_mem>>) src(%arg5 : memref<128x128xf32, #tpu.memory_space<hbm>>) dst(%dma_wait3A_157 : memref<128x128xf32, #tpu.memory_space<hbm>>)
    return
  }
}

#map = affine_map<(d0, d1) -> (0, 0)>
module attributes {stable_mosaic.version = 14 : i64} {
  func.func @sage_sc_deg(%arg0: i32, %arg1: i32, %arg2: memref<2560x128xi32, #tpu.memory_space<hbm>>, %arg3: memref<2x10240xf32, #tpu.memory_space<hbm>>, %arg4: memref<16x10240xf32, #tpu.memory_space<vmem_shared>>, %arg5: memref<10240xf32, #tpu.memory_space<vmem>>, %arg6: memref<80x128xi32, #tpu.memory_space<vmem>>, %arg7: memref<16x640xf32, #tpu.memory_space<vmem>>, %arg8: memref<640xf32, #tpu.memory_space<vmem>>) attributes {dimension_semantics = [#tpu.dimension_semantics<core_parallel>, #tpu.dimension_semantics<subcore_parallel>], iteration_bounds = array<i64: 2, 16>, scalar_prefetch = 0 : i64, scratch_operands = 5 : i64, tpu.core_type = #tpu.core_type<sc_vector_subcore>, window_params = [{transform_indices = #map}, {transform_indices = #map}]} {
    %mul3A = arith.constant 2 : i32
    %mul3A_0 = arith.muli %arg1, %mul3A : i32
    %add3A = arith.addi %mul3A_0, %arg0 : i32
    %broadcast_in_dim3A = arith.constant 0.000000e+00 : f32
    %broadcast_in_dim3A_1 = vector.broadcast %broadcast_in_dim3A : f32 to vector<16xf32>
    %scan3A = arith.constant 0 : i32
    %scan3A_2 = arith.constant 0 : i32
    %scan3A_3 = arith.constant 640 : i32
    %scan3A_4 = arith.addi %scan3A_2, %scan3A_3 : i32
    %scan3A_5 = arith.constant 1 : i32
    scf.for %scan3A_25 = %scan3A_2 to %scan3A_4 step %scan3A_5  : i32 {
      %mul3A_26 = arith.constant 16 : i32
      %mul3A_27 = arith.muli %scan3A_25, %mul3A_26 : i32
      %swap3A = arith.index_cast %mul3A_27 : i32 to index
      %swap3A_28 = tpu.vector_load %arg5[%swap3A] {strides = array<i32>} : memref<10240xf32, #tpu.memory_space<vmem>>, vector<16xf32>,
      tpu.vector_store %arg5[%swap3A], %broadcast_in_dim3A_1 {strides = array<i32>} : memref<10240xf32, #tpu.memory_space<vmem>>, vector<16xf32>,
    }
    %scan3A_6 = arith.constant 640 : i32
    %mul3A_7 = arith.constant 80 : i32
    %mul3A_8 = arith.muli %add3A, %mul3A_7 : i32
    "tpu.region"() ({
      %run_scoped3A = tpu.sem_alloc : memref<!tpu.dma_semaphore, #tpu.memory_space<semaphore_mem>>
      %dma_start3A = arith.constant 0 : i32
      %dma_start3A_25 = tpu.memref_slice %arg2[%mul3A_8, %dma_start3A] : memref<2560x128xi32, #tpu.memory_space<hbm>> -> memref<80x128xi32, #tpu.memory_space<hbm>>
      %dma_start3A_26 = arith.constant 0 : i32
      %dma_start3A_27 = tpu.memref_slice %arg2[%mul3A_8, %dma_start3A_26] : memref<2560x128xi32, #tpu.memory_space<hbm>> -> memref<80x128xi32, #tpu.memory_space<hbm>>
      tpu.enqueue_dma source(%dma_start3A_27 : memref<80x128xi32, #tpu.memory_space<hbm>>) target(%arg6 : memref<80x128xi32, #tpu.memory_space<vmem>>) target_semaphore(%run_scoped3A : memref<!tpu.dma_semaphore, #tpu.memory_space<semaphore_mem>>)
      %dma_wait3A = arith.constant 0 : i32
      %dma_wait3A_28 = tpu.memref_slice %arg2[%mul3A_8, %dma_wait3A] : memref<2560x128xi32, #tpu.memory_space<hbm>> -> memref<80x128xi32, #tpu.memory_space<hbm>>
      %dma_wait3A_29 = arith.constant 0 : i32
      %dma_wait3A_30 = tpu.memref_slice %arg2[%mul3A_8, %dma_wait3A_29] : memref<2560x128xi32, #tpu.memory_space<hbm>> -> memref<80x128xi32, #tpu.memory_space<hbm>>
      tpu.wait_dma2 semaphore(%run_scoped3A : memref<!tpu.dma_semaphore, #tpu.memory_space<semaphore_mem>>) src(%dma_wait3A_30 : memref<80x128xi32, #tpu.memory_space<hbm>>) dst(%arg6 : memref<80x128xi32, #tpu.memory_space<vmem>>)
      tpu.yield
    }) : () -> ()
    %broadcast_in_dim3A_9 = arith.constant 1.000000e+00 : f32
    %broadcast_in_dim3A_10 = vector.broadcast %broadcast_in_dim3A_9 : f32 to vector<16xf32>
    %scan3A_11 = arith.constant 0 : i32
    %scan3A_12 = arith.constant 0 : i32
    %scan3A_13 = arith.constant 640 : i32
    %scan3A_14 = arith.addi %scan3A_12, %scan3A_13 : i32
    %scan3A_15 = arith.constant 1 : i32
    scf.for %scan3A_25 = %scan3A_12 to %scan3A_14 step %scan3A_15  : i32 {
      %jit3A = arith.constant 8 : i32
      %div3A = arith.divsi %scan3A_25, %jit3A : i32
      %sign3A = arith.constant 0 : i32
      %sign3A_26 = arith.cmpi sgt, %scan3A_25, %sign3A : i32
      %sign3A_27 = arith.extui %sign3A_26 : i1 to i32
      %sign3A_28 = arith.constant 0 : i32
      %sign3A_29 = arith.cmpi slt, %scan3A_25, %sign3A_28 : i32
      %sign3A_30 = arith.extui %sign3A_29 : i1 to i32
      %sign3A_31 = arith.subi %sign3A_27, %sign3A_30 : i32
      %sign3A_32 = arith.constant 0 : i32
      %sign3A_33 = arith.cmpi sgt, %jit3A, %sign3A_32 : i32
      %sign3A_34 = arith.extui %sign3A_33 : i1 to i32
      %sign3A_35 = arith.constant 0 : i32
      %sign3A_36 = arith.cmpi slt, %jit3A, %sign3A_35 : i32
      %sign3A_37 = arith.extui %sign3A_36 : i1 to i32
      %sign3A_38 = arith.subi %sign3A_34, %sign3A_37 : i32
      %ne3A = arith.cmpi ne, %sign3A_31, %sign3A_38 : i32
      %rem3A = arith.remsi %scan3A_25, %jit3A : i32
      %ne3A_39 = arith.constant 0 : i32
      %ne3A_40 = arith.cmpi ne, %rem3A, %ne3A_39 : i32
      %and3A = arith.andi %ne3A, %ne3A_40 : i1
      %sub3A = arith.constant 1 : i32
      %sub3A_41 = arith.subi %div3A, %sub3A : i32
      %select_n3A = arith.select %and3A, %sub3A_41, %div3A : i32
      %jit3A_42 = arith.constant 8 : i32
      %eq3A = arith.constant 0 : i32
      %eq3A_43 = arith.cmpi eq, %jit3A_42, %eq3A : i32
      %jit3A_44 = arith.constant 1 : i32
      %select_n3A_45 = arith.select %eq3A_43, %jit3A_44, %jit3A_42 : i32
      %rem3A_46 = arith.remsi %scan3A_25, %select_n3A_45 : i32
      %ne3A_47 = arith.constant 0 : i32
      %ne3A_48 = arith.cmpi ne, %rem3A_46, %ne3A_47 : i32
      %lt3A = arith.constant 0 : i32
      %lt3A_49 = arith.cmpi slt, %rem3A_46, %lt3A : i32
      %lt3A_50 = arith.constant 0 : i32
      %lt3A_51 = arith.cmpi slt, %select_n3A_45, %lt3A_50 : i32
      %ne3A_52 = arith.xori %lt3A_49, %lt3A_51 : i1
      %and3A_53 = arith.andi %ne3A_52, %ne3A_48 : i1
      %add3A_54 = arith.addi %rem3A_46, %select_n3A_45 : i32
      %select_n3A_55 = arith.select %and3A_53, %add3A_54, %rem3A_46 : i32
      %mul3A_56 = arith.constant 16 : i32
      %mul3A_57 = arith.muli %select_n3A_55, %mul3A_56 : i32
      %get3A = arith.index_cast %select_n3A : i32 to index
      %get3A_58 = arith.index_cast %mul3A_57 : i32 to index
      %get3A_59 = tpu.vector_load %arg6[%get3A, %get3A_58] {strides = array<i32>} : memref<80x128xi32, #tpu.memory_space<vmem>>, vector<16xi32>,
      tpu.vector_store_idx %arg5[%get3A_59], %broadcast_in_dim3A_10 {add = true} : memref<10240xf32, #tpu.memory_space<vmem>>[vector<16xi32>], vector<16xf32>,
    }
    %scan3A_16 = arith.constant 640 : i32
    "tpu.region"() ({
      %run_scoped3A = tpu.sem_alloc : memref<!tpu.dma_semaphore, #tpu.memory_space<semaphore_mem>>
      %dma_start3A = arith.constant 0 : i32
      %dma_start3A_25 = tpu.memref_slice %arg4[%arg1, %dma_start3A] : memref<16x10240xf32, #tpu.memory_space<vmem_shared>> -> memref<1x10240xf32, #tpu.memory_space<vmem_shared>>
      %dma_start3A_26 = tpu.memref_squeeze %dma_start3A_25 : memref<1x10240xf32, #tpu.memory_space<vmem_shared>> -> memref<10240xf32, #tpu.memory_space<vmem_shared>>
      %dma_start3A_27 = arith.constant 0 : i32
      %dma_start3A_28 = tpu.memref_slice %arg4[%arg1, %dma_start3A_27] : memref<16x10240xf32, #tpu.memory_space<vmem_shared>> -> memref<1x10240xf32, #tpu.memory_space<vmem_shared>>
      %dma_start3A_29 = tpu.memref_squeeze %dma_start3A_28 : memref<1x10240xf32, #tpu.memory_space<vmem_shared>> -> memref<10240xf32, #tpu.memory_space<vmem_shared>>
      tpu.enqueue_dma source(%arg5 : memref<10240xf32, #tpu.memory_space<vmem>>) target(%dma_start3A_29 : memref<10240xf32, #tpu.memory_space<vmem_shared>>) target_semaphore(%run_scoped3A : memref<!tpu.dma_semaphore, #tpu.memory_space<semaphore_mem>>)
      %dma_wait3A = arith.constant 0 : i32
      %dma_wait3A_30 = tpu.memref_slice %arg4[%arg1, %dma_wait3A] : memref<16x10240xf32, #tpu.memory_space<vmem_shared>> -> memref<1x10240xf32, #tpu.memory_space<vmem_shared>>
      %dma_wait3A_31 = tpu.memref_squeeze %dma_wait3A_30 : memref<1x10240xf32, #tpu.memory_space<vmem_shared>> -> memref<10240xf32, #tpu.memory_space<vmem_shared>>
      %dma_wait3A_32 = arith.constant 0 : i32
      %dma_wait3A_33 = tpu.memref_slice %arg4[%arg1, %dma_wait3A_32] : memref<16x10240xf32, #tpu.memory_space<vmem_shared>> -> memref<1x10240xf32, #tpu.memory_space<vmem_shared>>
      %dma_wait3A_34 = tpu.memref_squeeze %dma_wait3A_33 : memref<1x10240xf32, #tpu.memory_space<vmem_shared>> -> memref<10240xf32, #tpu.memory_space<vmem_shared>>
      tpu.wait_dma2 semaphore(%run_scoped3A : memref<!tpu.dma_semaphore, #tpu.memory_space<semaphore_mem>>) src(%arg5 : memref<10240xf32, #tpu.memory_space<vmem>>) dst(%dma_wait3A_34 : memref<10240xf32, #tpu.memory_space<vmem_shared>>)
      tpu.yield
    }) : () -> ()
    %barrier3A = arith.constant 0 : index
    tpu.barrier barrier_id(%barrier3A)
    %mul3A_17 = arith.constant 640 : i32
    %mul3A_18 = arith.muli %arg1, %mul3A_17 : i32
    "tpu.region"() ({
      %run_scoped3A = tpu.sem_alloc : memref<!tpu.dma_semaphore, #tpu.memory_space<semaphore_mem>>
      %dma_start3A = arith.constant 0 : i32
      %dma_start3A_25 = tpu.memref_slice %arg4[%dma_start3A, %mul3A_18] : memref<16x10240xf32, #tpu.memory_space<vmem_shared>> -> memref<16x640xf32, #tpu.memory_space<vmem_shared>>
      %dma_start3A_26 = arith.constant 0 : i32
      %dma_start3A_27 = tpu.memref_slice %arg4[%dma_start3A_26, %mul3A_18] : memref<16x10240xf32, #tpu.memory_space<vmem_shared>> -> memref<16x640xf32, #tpu.memory_space<vmem_shared>>
      tpu.enqueue_dma source(%dma_start3A_27 : memref<16x640xf32, #tpu.memory_space<vmem_shared>>) target(%arg7 : memref<16x640xf32, #tpu.memory_space<vmem>>) target_semaphore(%run_scoped3A : memref<!tpu.dma_semaphore, #tpu.memory_space<semaphore_mem>>)
      %dma_wait3A = arith.constant 0 : i32
      %dma_wait3A_28 = tpu.memref_slice %arg4[%dma_wait3A, %mul3A_18] : memref<16x10240xf32, #tpu.memory_space<vmem_shared>> -> memref<16x640xf32, #tpu.memory_space<vmem_shared>>
      %dma_wait3A_29 = arith.constant 0 : i32
      %dma_wait3A_30 = tpu.memref_slice %arg4[%dma_wait3A_29, %mul3A_18] : memref<16x10240xf32, #tpu.memory_space<vmem_shared>> -> memref<16x640xf32, #tpu.memory_space<vmem_shared>>
      tpu.wait_dma2 semaphore(%run_scoped3A : memref<!tpu.dma_semaphore, #tpu.memory_space<semaphore_mem>>) src(%dma_wait3A_30 : memref<16x640xf32, #tpu.memory_space<vmem_shared>>) dst(%arg7 : memref<16x640xf32, #tpu.memory_space<vmem>>)
      tpu.yield
    }) : () -> ()
    %scan3A_19 = arith.constant 0 : i32
    %scan3A_20 = arith.constant 0 : i32
    %scan3A_21 = arith.constant 40 : i32
    %scan3A_22 = arith.addi %scan3A_20, %scan3A_21 : i32
    %scan3A_23 = arith.constant 1 : i32
    scf.for %scan3A_25 = %scan3A_20 to %scan3A_22 step %scan3A_23  : i32 {
      %mul3A_26 = arith.constant 16 : i32
      %mul3A_27 = arith.muli %scan3A_25, %mul3A_26 : i32
      %get3A = arith.constant 0 : i32
      %get3A_28 = arith.index_cast %get3A : i32 to index
      %get3A_29 = arith.index_cast %mul3A_27 : i32 to index
      %get3A_30 = tpu.vector_load %arg7[%get3A_28, %get3A_29] {strides = array<i32>} : memref<16x640xf32, #tpu.memory_space<vmem>>, vector<16xf32>,
      %get3A_31 = arith.constant 1 : i32
      %get3A_32 = arith.index_cast %get3A_31 : i32 to index
      %get3A_33 = arith.index_cast %mul3A_27 : i32 to index
      %get3A_34 = tpu.vector_load %arg7[%get3A_32, %get3A_33] {strides = array<i32>} : memref<16x640xf32, #tpu.memory_space<vmem>>, vector<16xf32>,
      %add3A_35 = arith.addf %get3A_30, %get3A_34 : vector<16xf32>
      %get3A_36 = arith.constant 2 : i32
      %get3A_37 = arith.index_cast %get3A_36 : i32 to index
      %get3A_38 = arith.index_cast %mul3A_27 : i32 to index
      %get3A_39 = tpu.vector_load %arg7[%get3A_37, %get3A_38] {strides = array<i32>} : memref<16x640xf32, #tpu.memory_space<vmem>>, vector<16xf32>,
      %add3A_40 = arith.addf %add3A_35, %get3A_39 : vector<16xf32>
      %get3A_41 = arith.constant 3 : i32
      %get3A_42 = arith.index_cast %get3A_41 : i32 to index
      %get3A_43 = arith.index_cast %mul3A_27 : i32 to index
      %get3A_44 = tpu.vector_load %arg7[%get3A_42, %get3A_43] {strides = array<i32>} : memref<16x640xf32, #tpu.memory_space<vmem>>, vector<16xf32>,
      %add3A_45 = arith.addf %add3A_40, %get3A_44 : vector<16xf32>
      %get3A_46 = arith.constant 4 : i32
      %get3A_47 = arith.index_cast %get3A_46 : i32 to index
      %get3A_48 = arith.index_cast %mul3A_27 : i32 to index
      %get3A_49 = tpu.vector_load %arg7[%get3A_47, %get3A_48] {strides = array<i32>} : memref<16x640xf32, #tpu.memory_space<vmem>>, vector<16xf32>,
      %add3A_50 = arith.addf %add3A_45, %get3A_49 : vector<16xf32>
      %get3A_51 = arith.constant 5 : i32
      %get3A_52 = arith.index_cast %get3A_51 : i32 to index
      %get3A_53 = arith.index_cast %mul3A_27 : i32 to index
      %get3A_54 = tpu.vector_load %arg7[%get3A_52, %get3A_53] {strides = array<i32>} : memref<16x640xf32, #tpu.memory_space<vmem>>, vector<16xf32>,
      %add3A_55 = arith.addf %add3A_50, %get3A_54 : vector<16xf32>
      %get3A_56 = arith.constant 6 : i32
      %get3A_57 = arith.index_cast %get3A_56 : i32 to index
      %get3A_58 = arith.index_cast %mul3A_27 : i32 to index
      %get3A_59 = tpu.vector_load %arg7[%get3A_57, %get3A_58] {strides = array<i32>} : memref<16x640xf32, #tpu.memory_space<vmem>>, vector<16xf32>,
      %add3A_60 = arith.addf %add3A_55, %get3A_59 : vector<16xf32>
      %get3A_61 = arith.constant 7 : i32
      %get3A_62 = arith.index_cast %get3A_61 : i32 to index
      %get3A_63 = arith.index_cast %mul3A_27 : i32 to index
      %get3A_64 = tpu.vector_load %arg7[%get3A_62, %get3A_63] {strides = array<i32>} : memref<16x640xf32, #tpu.memory_space<vmem>>, vector<16xf32>,
      %add3A_65 = arith.addf %add3A_60, %get3A_64 : vector<16xf32>
      %get3A_66 = arith.constant 8 : i32
      %get3A_67 = arith.index_cast %get3A_66 : i32 to index
      %get3A_68 = arith.index_cast %mul3A_27 : i32 to index
      %get3A_69 = tpu.vector_load %arg7[%get3A_67, %get3A_68] {strides = array<i32>} : memref<16x640xf32, #tpu.memory_space<vmem>>, vector<16xf32>,
      %add3A_70 = arith.addf %add3A_65, %get3A_69 : vector<16xf32>
      %get3A_71 = arith.constant 9 : i32
      %get3A_72 = arith.index_cast %get3A_71 : i32 to index
      %get3A_73 = arith.index_cast %mul3A_27 : i32 to index
      %get3A_74 = tpu.vector_load %arg7[%get3A_72, %get3A_73] {strides = array<i32>} : memref<16x640xf32, #tpu.memory_space<vmem>>, vector<16xf32>,
      %add3A_75 = arith.addf %add3A_70, %get3A_74 : vector<16xf32>
      %get3A_76 = arith.constant 10 : i32
      %get3A_77 = arith.index_cast %get3A_76 : i32 to index
      %get3A_78 = arith.index_cast %mul3A_27 : i32 to index
      %get3A_79 = tpu.vector_load %arg7[%get3A_77, %get3A_78] {strides = array<i32>} : memref<16x640xf32, #tpu.memory_space<vmem>>, vector<16xf32>,
      %add3A_80 = arith.addf %add3A_75, %get3A_79 : vector<16xf32>
      %get3A_81 = arith.constant 11 : i32
      %get3A_82 = arith.index_cast %get3A_81 : i32 to index
      %get3A_83 = arith.index_cast %mul3A_27 : i32 to index
      %get3A_84 = tpu.vector_load %arg7[%get3A_82, %get3A_83] {strides = array<i32>} : memref<16x640xf32, #tpu.memory_space<vmem>>, vector<16xf32>,
      %add3A_85 = arith.addf %add3A_80, %get3A_84 : vector<16xf32>
      %get3A_86 = arith.constant 12 : i32
      %get3A_87 = arith.index_cast %get3A_86 : i32 to index
      %get3A_88 = arith.index_cast %mul3A_27 : i32 to index
      %get3A_89 = tpu.vector_load %arg7[%get3A_87, %get3A_88] {strides = array<i32>} : memref<16x640xf32, #tpu.memory_space<vmem>>, vector<16xf32>,
      %add3A_90 = arith.addf %add3A_85, %get3A_89 : vector<16xf32>
      %get3A_91 = arith.constant 13 : i32
      %get3A_92 = arith.index_cast %get3A_91 : i32 to index
      %get3A_93 = arith.index_cast %mul3A_27 : i32 to index
      %get3A_94 = tpu.vector_load %arg7[%get3A_92, %get3A_93] {strides = array<i32>} : memref<16x640xf32, #tpu.memory_space<vmem>>, vector<16xf32>,
      %add3A_95 = arith.addf %add3A_90, %get3A_94 : vector<16xf32>
      %get3A_96 = arith.constant 14 : i32
      %get3A_97 = arith.index_cast %get3A_96 : i32 to index
      %get3A_98 = arith.index_cast %mul3A_27 : i32 to index
      %get3A_99 = tpu.vector_load %arg7[%get3A_97, %get3A_98] {strides = array<i32>} : memref<16x640xf32, #tpu.memory_space<vmem>>, vector<16xf32>,
      %add3A_100 = arith.addf %add3A_95, %get3A_99 : vector<16xf32>
      %get3A_101 = arith.constant 15 : i32
      %get3A_102 = arith.index_cast %get3A_101 : i32 to index
      %get3A_103 = arith.index_cast %mul3A_27 : i32 to index
      %get3A_104 = tpu.vector_load %arg7[%get3A_102, %get3A_103] {strides = array<i32>} : memref<16x640xf32, #tpu.memory_space<vmem>>, vector<16xf32>,
      %add3A_105 = arith.addf %add3A_100, %get3A_104 : vector<16xf32>
      %swap3A = arith.index_cast %mul3A_27 : i32 to index
      %swap3A_106 = tpu.vector_load %arg8[%swap3A] {strides = array<i32>} : memref<640xf32, #tpu.memory_space<vmem>>, vector<16xf32>,
      tpu.vector_store %arg8[%swap3A], %add3A_105 {strides = array<i32>} : memref<640xf32, #tpu.memory_space<vmem>>, vector<16xf32>,
    }
    %scan3A_24 = arith.constant 40 : i32
    "tpu.region"() ({
      %run_scoped3A = tpu.sem_alloc : memref<!tpu.dma_semaphore, #tpu.memory_space<semaphore_mem>>
      %dma_start3A = tpu.memref_slice %arg3[%arg0, %mul3A_18] : memref<2x10240xf32, #tpu.memory_space<hbm>> -> memref<1x640xf32, #tpu.memory_space<hbm>>
      %dma_start3A_25 = tpu.memref_squeeze %dma_start3A : memref<1x640xf32, #tpu.memory_space<hbm>> -> memref<640xf32, #tpu.memory_space<hbm>>
      %dma_start3A_26 = tpu.memref_slice %arg3[%arg0, %mul3A_18] : memref<2x10240xf32, #tpu.memory_space<hbm>> -> memref<1x640xf32, #tpu.memory_space<hbm>>
      %dma_start3A_27 = tpu.memref_squeeze %dma_start3A_26 : memref<1x640xf32, #tpu.memory_space<hbm>> -> memref<640xf32, #tpu.memory_space<hbm>>
      tpu.enqueue_dma source(%arg8 : memref<640xf32, #tpu.memory_space<vmem>>) target(%dma_start3A_27 : memref<640xf32, #tpu.memory_space<hbm>>) target_semaphore(%run_scoped3A : memref<!tpu.dma_semaphore, #tpu.memory_space<semaphore_mem>>)
      %dma_wait3A = tpu.memref_slice %arg3[%arg0, %mul3A_18] : memref<2x10240xf32, #tpu.memory_space<hbm>> -> memref<1x640xf32, #tpu.memory_space<hbm>>
      %dma_wait3A_28 = tpu.memref_squeeze %dma_wait3A : memref<1x640xf32, #tpu.memory_space<hbm>> -> memref<640xf32, #tpu.memory_space<hbm>>
      %dma_wait3A_29 = tpu.memref_slice %arg3[%arg0, %mul3A_18] : memref<2x10240xf32, #tpu.memory_space<hbm>> -> memref<1x640xf32, #tpu.memory_space<hbm>>
      %dma_wait3A_30 = tpu.memref_squeeze %dma_wait3A_29 : memref<1x640xf32, #tpu.memory_space<hbm>> -> memref<640xf32, #tpu.memory_space<hbm>>
      tpu.wait_dma2 semaphore(%run_scoped3A : memref<!tpu.dma_semaphore, #tpu.memory_space<semaphore_mem>>) src(%arg8 : memref<640xf32, #tpu.memory_space<vmem>>) dst(%dma_wait3A_30 : memref<640xf32, #tpu.memory_space<hbm>>)
      tpu.yield
    }) : () -> ()
    return
  }
}

module attributes {stable_mosaic.version = 14 : i64} {
  func.func @_tc_body(%arg0: i32, %arg1: memref<1024x128xf32, #tpu.memory_space<vmem>>, %arg2: memref<1024x128xf32, #tpu.memory_space<vmem>>, %arg3: memref<1024x128xf32, #tpu.memory_space<vmem>>, %arg4: memref<1024x1xf32, #tpu.memory_space<vmem>>, %arg5: memref<1024x1xf32, #tpu.memory_space<vmem>>, %arg6: memref<128x128xf32, #tpu.memory_space<vmem>>, %arg7: memref<128x128xf32, #tpu.memory_space<vmem>>, %arg8: memref<1x128xf32, #tpu.memory_space<vmem>>, %arg9: memref<1024x128xf32, #tpu.memory_space<vmem>>) attributes {dimension_semantics = [#tpu.dimension_semantics<arbitrary>], iteration_bounds = array<i64: 10>, scalar_prefetch = 0 : i64, scratch_operands = 0 : i64, tpu.core_type = #tpu.core_type<tc>, window_params = [{transform_indices = @transform_0, window_bounds = array<i64: 1024, 128>}, {transform_indices = @transform_1, window_bounds = array<i64: 1024, 128>}, {transform_indices = @transform_2, window_bounds = array<i64: 1024, 128>}, {transform_indices = @transform_3, window_bounds = array<i64: 1024, 1>}, {transform_indices = @transform_4, window_bounds = array<i64: 1024, 1>}, {pipeline_mode = #tpu.pipeline_mode<synchronous>, transform_indices = @transform_5, window_bounds = array<i64: 128, 128>}, {pipeline_mode = #tpu.pipeline_mode<synchronous>, transform_indices = @transform_6, window_bounds = array<i64: 128, 128>}, {pipeline_mode = #tpu.pipeline_mode<synchronous>, transform_indices = @transform_7, window_bounds = array<i64: 1, 128>}, {transform_indices = @transform_8, window_bounds = array<i64: 1024, 128>}]} {
    %get3A = arith.constant 0 : index
    %get3A_0 = arith.constant 0 : index
    %get3A_1 = vector.load %arg4[%get3A, %get3A_0] : memref<1024x1xf32, #tpu.memory_space<vmem>>, vector<1024x1xf32>
    %get3A_2 = arith.constant 0 : index
    %get3A_3 = arith.constant 0 : index
    %get3A_4 = vector.load %arg5[%get3A_2, %get3A_3] : memref<1024x1xf32, #tpu.memory_space<vmem>>, vector<1024x1xf32>
    %add3A = arith.addf %get3A_1, %get3A_4 : vector<1024x1xf32>
    %max3A = arith.constant 1.000000e+00 : f32
    %max3A_5 = vector.broadcast %max3A : f32 to vector<1024x1xf32>
    %max3A_6 = arith.maximumf %add3A, %max3A_5 : vector<1024x1xf32>
    %get3A_7 = arith.constant 0 : index
    %get3A_8 = arith.constant 0 : index
    %get3A_9 = vector.load %arg2[%get3A_7, %get3A_8] : memref<1024x128xf32, #tpu.memory_space<vmem>>, vector<1024x128xf32>
    %get3A_10 = arith.constant 0 : index
    %get3A_11 = arith.constant 0 : index
    %get3A_12 = vector.load %arg3[%get3A_10, %get3A_11] : memref<1024x128xf32, #tpu.memory_space<vmem>>, vector<1024x128xf32>
    %add3A_13 = arith.addf %get3A_9, %get3A_12 : vector<1024x128xf32>
    %div3A = vector.broadcast %max3A_6 : vector<1024x1xf32> to vector<1024x128xf32>
    %div3A_14 = arith.divf %add3A_13, %div3A : vector<1024x128xf32>
    %get3A_15 = arith.constant 0 : index
    %get3A_16 = arith.constant 0 : index
    %get3A_17 = vector.load %arg1[%get3A_15, %get3A_16] : memref<1024x128xf32, #tpu.memory_space<vmem>>, vector<1024x128xf32>
    %get3A_18 = arith.constant 0 : index
    %get3A_19 = arith.constant 0 : index
    %get3A_20 = vector.load %arg6[%get3A_18, %get3A_19] : memref<128x128xf32, #tpu.memory_space<vmem>>, vector<128x128xf32>
    %dot_general3A = arith.constant dense<0.000000e+00> : vector<1024x128xf32>
    %dot_general3A_21 = tpu.matmul %get3A_17, %get3A_20, %dot_general3A {dimension_numbers = #tpu.dot_dimension_numbers<[1], [0], [0], [1], [0, 0, 1, 1], [], []>, transpose_lhs_hint = false} : vector<1024x128xf32>, vector<128x128xf32>, vector<1024x128xf32> -> vector<1024x128xf32>
    %get3A_22 = arith.constant 0 : index
    %get3A_23 = arith.constant 0 : index
    %get3A_24 = vector.load %arg7[%get3A_22, %get3A_23] : memref<128x128xf32, #tpu.memory_space<vmem>>, vector<128x128xf32>
    %dot_general3A_25 = arith.constant dense<0.000000e+00> : vector<1024x128xf32>
    %dot_general3A_26 = tpu.matmul %div3A_14, %get3A_24, %dot_general3A_25 {dimension_numbers = #tpu.dot_dimension_numbers<[1], [0], [0], [1], [0, 0, 1, 1], [], []>, transpose_lhs_hint = false} : vector<1024x128xf32>, vector<128x128xf32>, vector<1024x128xf32> -> vector<1024x128xf32>
    %add3A_27 = arith.addf %dot_general3A_21, %dot_general3A_26 : vector<1024x128xf32>
    %get3A_28 = arith.constant 0 : index
    %get3A_29 = arith.constant 0 : index
    %get3A_30 = vector.load %arg8[%get3A_28, %get3A_29] : memref<1x128xf32, #tpu.memory_space<vmem>>, vector<1x128xf32>
    %add3A_31 = vector.broadcast %get3A_30 : vector<1x128xf32> to vector<1024x128xf32>
    %add3A_32 = arith.addf %add3A_27, %add3A_31 : vector<1024x128xf32>
    %max3A_33 = arith.constant 0.000000e+00 : f32
    %max3A_34 = vector.broadcast %max3A_33 : f32 to vector<1024x128xf32>
    %max3A_35 = arith.maximumf %add3A_32, %max3A_34 : vector<1024x128xf32>
    %swap3A = arith.constant 0 : index
    %swap3A_36 = arith.constant 0 : index
    %swap3A_37 = vector.load %arg9[%swap3A, %swap3A_36] : memref<1024x128xf32, #tpu.memory_space<vmem>>, vector<1024x128xf32>
    tpu.vector_store %arg9[%swap3A, %swap3A_36], %max3A_35 {strides = array<i32>} : memref<1024x128xf32, #tpu.memory_space<vmem>>, vector<1024x128xf32>,
    return
  }
  func.func @transform_0(%arg0: i32) -> (i32, i32) {
    %c0_i32 = arith.constant 0 : i32
    %c0_i32_0 = arith.constant 0 : i32
    return %arg0, %c0_i32 : i32, i32
  }
  func.func @transform_1(%arg0: i32) -> (i32, i32) {
    %c0_i32 = arith.constant 0 : i32
    %c0_i32_0 = arith.constant 0 : i32
    return %arg0, %c0_i32 : i32, i32
  }
  func.func @transform_2(%arg0: i32) -> (i32, i32) {
    %c0_i32 = arith.constant 0 : i32
    %c0_i32_0 = arith.constant 0 : i32
    return %arg0, %c0_i32 : i32, i32
  }
  func.func @transform_3(%arg0: i32) -> (i32, i32) {
    %c0_i32 = arith.constant 0 : i32
    %c0_i32_0 = arith.constant 0 : i32
    return %arg0, %c0_i32 : i32, i32
  }
  func.func @transform_4(%arg0: i32) -> (i32, i32) {
    %c0_i32 = arith.constant 0 : i32
    %c0_i32_0 = arith.constant 0 : i32
    return %arg0, %c0_i32 : i32, i32
  }
  func.func @transform_5(%arg0: i32) -> (i32, i32) {
    %c0_i32 = arith.constant 0 : i32
    %c0_i32_0 = arith.constant 0 : i32
    %c0_i32_1 = arith.constant 0 : i32
    return %c0_i32, %c0_i32_0 : i32, i32
  }
  func.func @transform_6(%arg0: i32) -> (i32, i32) {
    %c0_i32 = arith.constant 0 : i32
    %c0_i32_0 = arith.constant 0 : i32
    %c0_i32_1 = arith.constant 0 : i32
    return %c0_i32, %c0_i32_0 : i32, i32
  }
  func.func @transform_7(%arg0: i32) -> (i32, i32) {
    %c0_i32 = arith.constant 0 : i32
    %c0_i32_0 = arith.constant 0 : i32
    %c0_i32_1 = arith.constant 0 : i32
    return %c0_i32, %c0_i32_0 : i32, i32
  }
  func.func @transform_8(%arg0: i32) -> (i32, i32) {
    %c0_i32 = arith.constant 0 : i32
    %c0_i32_0 = arith.constant 0 : i32
    return %arg0, %c0_i32 : i32, i32
  }
}

module attributes {stable_mosaic.version = 14 : i64} {
  func.func @_tc_body(%arg0: i32, %arg1: memref<1024x128xf32, #tpu.memory_space<vmem>>, %arg2: memref<1024x128xf32, #tpu.memory_space<vmem>>, %arg3: memref<1024x128xf32, #tpu.memory_space<vmem>>, %arg4: memref<1024x1xf32, #tpu.memory_space<vmem>>, %arg5: memref<1024x1xf32, #tpu.memory_space<vmem>>, %arg6: memref<128x128xf32, #tpu.memory_space<vmem>>, %arg7: memref<128x128xf32, #tpu.memory_space<vmem>>, %arg8: memref<1x128xf32, #tpu.memory_space<vmem>>, %arg9: memref<1024x128xf32, #tpu.memory_space<vmem>>) attributes {dimension_semantics = [#tpu.dimension_semantics<arbitrary>], iteration_bounds = array<i64: 10>, scalar_prefetch = 0 : i64, scratch_operands = 0 : i64, tpu.core_type = #tpu.core_type<tc>, window_params = [{transform_indices = @transform_0, window_bounds = array<i64: 1024, 128>}, {transform_indices = @transform_1, window_bounds = array<i64: 1024, 128>}, {transform_indices = @transform_2, window_bounds = array<i64: 1024, 128>}, {transform_indices = @transform_3, window_bounds = array<i64: 1024, 1>}, {transform_indices = @transform_4, window_bounds = array<i64: 1024, 1>}, {pipeline_mode = #tpu.pipeline_mode<synchronous>, transform_indices = @transform_5, window_bounds = array<i64: 128, 128>}, {pipeline_mode = #tpu.pipeline_mode<synchronous>, transform_indices = @transform_6, window_bounds = array<i64: 128, 128>}, {pipeline_mode = #tpu.pipeline_mode<synchronous>, transform_indices = @transform_7, window_bounds = array<i64: 1, 128>}, {transform_indices = @transform_8, window_bounds = array<i64: 1024, 128>}]} {
    %get3A = arith.constant 0 : index
    %get3A_0 = arith.constant 0 : index
    %get3A_1 = vector.load %arg4[%get3A, %get3A_0] : memref<1024x1xf32, #tpu.memory_space<vmem>>, vector<1024x1xf32>
    %get3A_2 = arith.constant 0 : index
    %get3A_3 = arith.constant 0 : index
    %get3A_4 = vector.load %arg5[%get3A_2, %get3A_3] : memref<1024x1xf32, #tpu.memory_space<vmem>>, vector<1024x1xf32>
    %add3A = arith.addf %get3A_1, %get3A_4 : vector<1024x1xf32>
    %max3A = arith.constant 1.000000e+00 : f32
    %max3A_5 = vector.broadcast %max3A : f32 to vector<1024x1xf32>
    %max3A_6 = arith.maximumf %add3A, %max3A_5 : vector<1024x1xf32>
    %get3A_7 = arith.constant 0 : index
    %get3A_8 = arith.constant 0 : index
    %get3A_9 = vector.load %arg2[%get3A_7, %get3A_8] : memref<1024x128xf32, #tpu.memory_space<vmem>>, vector<1024x128xf32>
    %get3A_10 = arith.constant 0 : index
    %get3A_11 = arith.constant 0 : index
    %get3A_12 = vector.load %arg3[%get3A_10, %get3A_11] : memref<1024x128xf32, #tpu.memory_space<vmem>>, vector<1024x128xf32>
    %add3A_13 = arith.addf %get3A_9, %get3A_12 : vector<1024x128xf32>
    %div3A = vector.broadcast %max3A_6 : vector<1024x1xf32> to vector<1024x128xf32>
    %div3A_14 = arith.divf %add3A_13, %div3A : vector<1024x128xf32>
    %get3A_15 = arith.constant 0 : index
    %get3A_16 = arith.constant 0 : index
    %get3A_17 = vector.load %arg1[%get3A_15, %get3A_16] : memref<1024x128xf32, #tpu.memory_space<vmem>>, vector<1024x128xf32>
    %get3A_18 = arith.constant 0 : index
    %get3A_19 = arith.constant 0 : index
    %get3A_20 = vector.load %arg6[%get3A_18, %get3A_19] : memref<128x128xf32, #tpu.memory_space<vmem>>, vector<128x128xf32>
    %dot_general3A = arith.constant dense<0.000000e+00> : vector<1024x128xf32>
    %dot_general3A_21 = tpu.matmul %get3A_17, %get3A_20, %dot_general3A {dimension_numbers = #tpu.dot_dimension_numbers<[1], [0], [0], [1], [0, 0, 1, 1], [], []>, transpose_lhs_hint = false} : vector<1024x128xf32>, vector<128x128xf32>, vector<1024x128xf32> -> vector<1024x128xf32>
    %get3A_22 = arith.constant 0 : index
    %get3A_23 = arith.constant 0 : index
    %get3A_24 = vector.load %arg7[%get3A_22, %get3A_23] : memref<128x128xf32, #tpu.memory_space<vmem>>, vector<128x128xf32>
    %dot_general3A_25 = arith.constant dense<0.000000e+00> : vector<1024x128xf32>
    %dot_general3A_26 = tpu.matmul %div3A_14, %get3A_24, %dot_general3A_25 {dimension_numbers = #tpu.dot_dimension_numbers<[1], [0], [0], [1], [0, 0, 1, 1], [], []>, transpose_lhs_hint = false} : vector<1024x128xf32>, vector<128x128xf32>, vector<1024x128xf32> -> vector<1024x128xf32>
    %add3A_27 = arith.addf %dot_general3A_21, %dot_general3A_26 : vector<1024x128xf32>
    %get3A_28 = arith.constant 0 : index
    %get3A_29 = arith.constant 0 : index
    %get3A_30 = vector.load %arg8[%get3A_28, %get3A_29] : memref<1x128xf32, #tpu.memory_space<vmem>>, vector<1x128xf32>
    %add3A_31 = vector.broadcast %get3A_30 : vector<1x128xf32> to vector<1024x128xf32>
    %add3A_32 = arith.addf %add3A_27, %add3A_31 : vector<1024x128xf32>
    %swap3A = arith.constant 0 : index
    %swap3A_33 = arith.constant 0 : index
    %swap3A_34 = vector.load %arg9[%swap3A, %swap3A_33] : memref<1024x128xf32, #tpu.memory_space<vmem>>, vector<1024x128xf32>
    tpu.vector_store %arg9[%swap3A, %swap3A_33], %add3A_32 {strides = array<i32>} : memref<1024x128xf32, #tpu.memory_space<vmem>>, vector<1024x128xf32>,
    return
  }
  func.func @transform_0(%arg0: i32) -> (i32, i32) {
    %c0_i32 = arith.constant 0 : i32
    %c0_i32_0 = arith.constant 0 : i32
    return %arg0, %c0_i32 : i32, i32
  }
  func.func @transform_1(%arg0: i32) -> (i32, i32) {
    %c0_i32 = arith.constant 0 : i32
    %c0_i32_0 = arith.constant 0 : i32
    return %arg0, %c0_i32 : i32, i32
  }
  func.func @transform_2(%arg0: i32) -> (i32, i32) {
    %c0_i32 = arith.constant 0 : i32
    %c0_i32_0 = arith.constant 0 : i32
    return %arg0, %c0_i32 : i32, i32
  }
  func.func @transform_3(%arg0: i32) -> (i32, i32) {
    %c0_i32 = arith.constant 0 : i32
    %c0_i32_0 = arith.constant 0 : i32
    return %arg0, %c0_i32 : i32, i32
  }
  func.func @transform_4(%arg0: i32) -> (i32, i32) {
    %c0_i32 = arith.constant 0 : i32
    %c0_i32_0 = arith.constant 0 : i32
    return %arg0, %c0_i32 : i32, i32
  }
  func.func @transform_5(%arg0: i32) -> (i32, i32) {
    %c0_i32 = arith.constant 0 : i32
    %c0_i32_0 = arith.constant 0 : i32
    %c0_i32_1 = arith.constant 0 : i32
    return %c0_i32, %c0_i32_0 : i32, i32
  }
  func.func @transform_6(%arg0: i32) -> (i32, i32) {
    %c0_i32 = arith.constant 0 : i32
    %c0_i32_0 = arith.constant 0 : i32
    %c0_i32_1 = arith.constant 0 : i32
    return %c0_i32, %c0_i32_0 : i32, i32
  }
  func.func @transform_7(%arg0: i32) -> (i32, i32) {
    %c0_i32 = arith.constant 0 : i32
    %c0_i32_0 = arith.constant 0 : i32
    %c0_i32_1 = arith.constant 0 : i32
    return %c0_i32, %c0_i32_0 : i32, i32
  }
  func.func @transform_8(%arg0: i32) -> (i32, i32) {
    %c0_i32 = arith.constant 0 : i32
    %c0_i32_0 = arith.constant 0 : i32
    return %arg0, %c0_i32 : i32, i32
  }
}

</mosaic_0001>

<sc_bundles>
// kernel: sage_sc_agg.4.cloned.1.call-start
scs
__scs_entry_jumppad:
0x0: {  	(pc) =	sbr.rel $0x88, $3  }
0x1: {  	(tag) =	ssettag $0x0;
	lr =	simm.s32 $0x1  }
0x2: {  	[smem:$0x3F99] =	sst lr;
	_ =	strace $0xD0000000  }
0x3: {  	_ = 	snop  }
0x4: {  	_ = 	snop  }
0x5: {  	_ = 	snop  }
0x6: {  	_ = 	snop  }
0x7: {  	_ = 	snop  }
__scs_overlays_trampoline_lowered:
0x8: {  	[smem:$0x3FA8] =	sst s0  }
0x9: {  	[smem:$0x3FA9] =	sst s1  }
0xa: {  	[smem:$0x3FAA] =	sst s2  }
0xb: {  	[smem:$0x3FAB] =	sst s3  }
0xc: {  	[smem:$0x3FAC] =	sst s4  }
0xd: {  	[smem:$0x3FAD] =	sst s5  }
0xe: {  	[smem:$0x3FAE] =	sst s6  }
0xf: {  	[smem:$0x3FAF] =	sst s7  }
0x10: {  	[smem:$0x3FB0] =	sst s8  }
0x11: {  	[smem:$0x3FB1] =	sst s9;
	s0 =	simm.s32 @!p0 $0x0  }
0x12: {  	s1 =	sld [smem:$0x3F97];
	s0 =	simm.s32 @p0 $0x1  }
0x13: {  	[smem:$0x3FB2] =	sst s0;
	s0 =	simm.s32 @!p1 $0x0  }
0x14: {  	s2 =	sld [smem:$0x3F96];
	s0 =	simm.s32 @p1 $0x1  }
0x15: {  	[smem:$0x3FB3] =	sst s0;
	s0 =	simm.s32 @!p2 $0x0  }
0x16: {  	s3 =	sld [smem:$0x3FDB];
	s0 =	simm.s32 @p2 $0x1  }
0x17: {  	s4 =	simm.s32 $0x1BF5;
	[smem:$0x3FB5] =	sst s0  }
0x18: {  	s0 =	sld [smem:$0x3F98];
	_ =	swait.ge [sflag:s4], $0x0  }
0x19: {  	s7 =	sld [smem:$0x3F99]  }
0x1a: {  	s8 =	sadd.s32 $0xFFFFE003, lr  }
0x1b: {  	s9 =	sadd.s32 $0xFFFFFEF7, lr;
	s5 =	simm.s32 $0xFFFFFFFF;
	p2 =	slt.u32 s8, $0xFFFFF086  }
0x1c: {  	p1 =	slt.u32 s9, $0xF7A;
	s5 =	simm.s32 @!p2 $0x0  }
0x1d: {  	s5 =	simm.s32 @p1 $0x1;
	p0 =	seq.s32 s7, s2  }
0x1e: {  	s7 =	smul.u32 @!p0 $0xF7A, s2;
	p2 =	seq.s32 @!p0 s5, $0x0  }
0x1f: {  	s9 =	smul.u32 $0xF7A, s1;
	s8 =	simm.s32 @!p0 $0x1BF5;
	p2 =	por !p2, p0  }
0x20: {  	[sflag:s8] =	ssyncset.s32 @!p0 $0xFFFFF086;
	s6 =	sadd.s32 @!p0 s3, s7;
	s7 =	simm.s32 @!p0 $0x108  }
0x21: {  	s3 =	sadd.s32 s3, s9;
	s6 =	sadd.s32 @!p0 $0x88, s6;
	s7 =	simm.s32 @p2 $0x1082  }
0x22: {  	[simem:s7], [sflag:s8] =	dma.local @!p0 [hbm:s6], $0xF7A  }
0x23: {  	s9 =	sor.u32 $0xD0000000, s2;
	s6 =	simm.s32 $0x108;
	_ =	swait.ge @!p0 [sflag:s8], $0x0  }
0x24: {  	s3 =	sadd.s32 $0x88, s3;
	s6 =	simm.s32 @!p1 $0x1082;
	[sflag:s4] =	ssyncset.s32 $0xFFFFF086  }
0x25: {  	[simem:s6], [sflag:s4] =	dma.local [hbm:s3], $0xF7A  }
0x26: {  	[smem:$0x3F99] =	sst s1;
	(tag) =	ssettag s2;
	_ =	strace s9  }
0x27: {  	s1 =	sld [smem:$0x3FA9]  }
0x28: {  	s2 =	sld [smem:$0x3FAA]  }
0x29: {  	s4 =	sld [smem:$0x3FAC]  }
0x2a: {  	p0 =	seq.s32 s5, $0x0;
	s5 =	sld [smem:$0x3FAD]  }
0x2b: {  	s6 =	sld [smem:$0x3FAE]  }
0x2c: {  	s7 =	sld [smem:$0x3FAF]  }
0x2d: {  	s3 =	simm.s32 $0x108;
	s8 =	sld [smem:$0x3FB0]  }
0x2e: {  	s3 =	simm.s32 @!p0 $0x1082;
	s9 =	sld [smem:$0x3FB1]  }
0x2f: {  	lr =	sadd.s32 s0, s3;
	s0 =	sld [smem:$0x3FA8]  }
0x30: {  	s3 =	sld [smem:$0x3FAB]  }
0x31: {  	[smem:$0x3FB4] =	sst s10  }
0x32: {  	s10 =	sld [smem:$0x3FB2];
	_ =	sdelay $0x3  }
0x33: {  	p0 =	seq.s32 s10, $0x1;
	s10 =	sld [smem:$0x3FB4];
	_ =	sdelay $0x3  }
0x34: {  	[smem:$0x3FB4] =	sst s10  }
0x35: {  	s10 =	sld [smem:$0x3FB3];
	_ =	sdelay $0x3  }
0x36: {  	p1 =	seq.s32 s10, $0x1;
	s10 =	sld [smem:$0x3FB4];
	_ =	sdelay $0x3  }
0x37: {  	[smem:$0x3FB4] =	sst s10  }
0x38: {  	s10 =	sld [smem:$0x3FB5]  }
0x39: {  	_ = 	snop;
	(pc) =	sbr.ind lr, $3  }
0x3a: {  	_ = 	snop  }
0x3b: {  	_ = 	snop  }
0x3c: {  	p2 =	seq.s32 s10, $0x1;
	s10 =	sld [smem:$0x3FB4]  }
0x3d: {  	_ =	shalt  }
0x3e: {  	_ =	shalt  }
0x3f: {  	_ =	shalt  }
0x40: {  	_ =	shalt  }
0x41: {  	_ =	shalt  }
0x42: {  	_ =	shalt  }
0x43: {  	_ =	shalt  }
0x44: {  	_ =	shalt  }
0x45: {  	_ =	shalt  }
0x46: {  	_ =	shalt  }
0x47: {  	_ =	shalt  }
0x48: {  	_ =	shalt  }
0x49: {  	_ =	shalt  }
0x4a: {  	_ =	shalt  }
0x4b: {  	_ =	shalt  }
0x4c: {  	_ =	shalt  }
0x4d: {  	_ =	shalt  }
0x4e: {  	_ =	shalt  }
0x4f: {  	_ =	shalt  }
0x50: {  	_ =	shalt  }
0x51: {  	_ =	shalt  }
0x52: {  	_ =	shalt  }
0x53: {  	_ =	shalt  }
0x54: {  	_ =	shalt  }
0x55: {  	_ =	shalt  }
0x56: {  	_ =	shalt  }
0x57: {  	_ =	shalt  }
0x58: {  	_ =	shalt  }
0x59: {  	_ =	shalt  }
0x5a: {  	_ =	shalt  }
0x5b: {  	_ =	shalt  }
0x5c: {  	_ =	shalt  }
0x5d: {  	_ =	shalt  }
0x5e: {  	_ =	shalt  }
0x5f: {  	_ =	shalt  }
0x60: {  	_ =	shalt  }
0x61: {  	_ =	shalt  }
0x62: {  	_ =	shalt  }
0x63: {  	_ =	shalt  }
0x64: {  	_ =	shalt  }
0x65: {  	_ =	shalt  }
0x66: {  	_ =	shalt  }
0x67: {  	_ =	shalt  }
0x68: {  	_ =	shalt  }
0x69: {  	_ =	shalt  }
0x6a: {  	_ =	shalt  }
0x6b: {  	_ =	shalt  }
0x6c: {  	_ =	shalt  }
0x6d: {  	_ =	shalt  }
0x6e: {  	_ =	shalt  }
0x6f: {  	_ =	shalt  }
0x70: {  	_ =	shalt  }
0x71: {  	_ =	shalt  }
0x72: {  	_ =	shalt  }
0x73: {  	_ =	shalt  }
0x74: {  	_ =	shalt  }
0x75: {  	_ =	shalt  }
0x76: {  	_ =	shalt  }
0x77: {  	_ =	shalt  }
0x78: {  	_ =	shalt  }
0x79: {  	_ =	shalt  }
0x7a: {  	_ =	shalt  }
0x7b: {  	_ =	shalt  }
0x7c: {  	_ =	shalt  }
0x7d: {  	_ =	shalt  }
0x7e: {  	_ =	shalt  }
0x7f: {  	_ =	shalt  }
0x80: {  	_ =	shalt  }
0x81: {  	_ =	shalt  }
0x82: {  	_ =	shalt  }
0x83: {  	_ =	shalt  }
0x84: {  	_ =	shalt  }
0x85: {  	_ =	shalt  }
0x86: {  	_ =	shalt  }
0x87: {  	_ =	shalt  }
.Lfunc_end0:
.L_simem_size_0:
called_computation.1_lowered:
.L_overlay_start_0:
0x88: {  	s2 =	sld [smem:$0x3FD9]  }
0x89: {  	s3 =	sld [smem:$0x3FFE];
	_ =	sdelay $0x1  }
0x8a: {  	s1 =	srdreg.scid  }
0x8b: {  	s0 =	sand.u32 $0x1, s1  }
0x8c: {  	s17 =	sshll.u32 s0, $0xA;
	s2 =	sadd.s32 s3, s2  }
0x8d: {  	s2 =	sadd.s32 s2, s17  }
0x8e: {  	[smem:$0x3FC0] =	sst s2  }
0x8f: {  	_ = 	snop  }
0x90: {  	s18 =	sld [smem:$0x3FD0];
	(tm) =	ssettm $0x1  }
0x91: {  	s19 =	sld [smem:$0x3FFB];
	_ =	sdelay $0x3  }
0x92: {  	_ =	strace s19  }
0x93: {  	s2 =	sld [smem:$0x3FFC];
	_ =	sdelay $0x3  }
0x94: {  	_ =	strace s2  }
0x95: {  	s2 =	sld [smem:$0x3FFD];
	_ =	sdelay $0x3  }
0x96: {  	_ =	strace s2  }
0x97: {  	_ =	strace $0x8FFFFFFF  }
0x98: {  	s20 =	sld [smem:$0x3FDB];
	_ =	sdelay $0x1  }
0x99: {  	s4 =	simm.s32 $_scs_section_size  }
0x9a: {  	s5 =	simm.s32 $_size__tile_overlayer_lowered;
	s6 =	simm.s32 $_tile_overlayer_lowered  }
0x9b: {  	s7 =	simm.s32 $0x1BFF;
	s21 =	sshll.u32 s6, $0x1;
	s4 =	sadd.s32 s4, s20  }
0x9c: {  	s22 =	simm.s32 $0x0;
	s5 =	sshll.u32 s5, $0x1;
	s6 =	sadd.s32 s21, s4  }
0x9d: {  	[timem:s22], [sflag:s7] =	dma.local [hbm:s6], s5  }
0x9e: {  	_ =	swait.ge [sflag:s7], s5  }
0x9f: {  	s5 =	ssub.s32 $0x0, s5;
	[sflag:s7] =	ssyncset.done $0x0  }
0xa0: {  	[sflag:s7] =	ssyncadd.s32 s5;
	_ =	sdelay $0x1  }
0xa1: {  	s23 =	simm.s32 $0x1B8B  }
0xa2: {  	_ =	swait.ge [sflag:s23], $0x1  }
0xa3: {  	[sflag:s23] =	ssyncset.done $0x0  }
0xa4: {  	[sflag:s23] =	ssyncadd.s32 $0xFFFFFFFF  }
0xa5: {  	s5 =	sld [smem:$0x0]  }
0xa6: {  	s6 =	sand.u32 $0xFFFFFFFE, s1  }
0xa7: {  	p0 =	sne.s32 s1, s6  }
0xa8: {  	s6 =	sshll.u32 @p0 s6, $0xE  }
0xa9: {  	s6 =	sadd.s32 @p0 $0x11B8D, s6;
	s7 =	sshll.u32 @p0 s5, $0x11  }
0xaa: {  	s6 =	sor.u32 @p0 s7, s6  }
0xab: {  	[sflag:s6] =	ssyncadd.remote.s32 @p0 $0x1;
	_ =	sdelay $0x1  }
0xac: {  	s6 =	simm.s32 @p0 $0x1B8D  }
0xad: {  	_ =	swait.eq @p0 [sflag:s6], $0x1  }
0xae: {  	[sflag:s6] =	ssyncadd.s32 @p0 $0xFFFFFFFF  }
0xaf: {  	s7 =	sshll.u32 @!p0 s1, $0xE  }
0xb0: {  	s7 =	sor.u32 @!p0 $0x4000, s7;
	s6 =	simm.s32 @!p0 $0x1B8D  }
0xb1: {  	s5 =	sshll.u32 @!p0 s5, $0x11;
	s7 =	sadd.s32 @!p0 $0x11B8D, s7;
	_ =	swait.eq @!p0 [sflag:s6], $0x1  }
0xb2: {  	s5 =	sor.u32 @!p0 s5, s7;
	[sflag:s6] =	ssyncadd.s32 @!p0 $0xFFFFFFFF  }
0xb3: {  	s25 =	simm.s32 $0x1B8E;
	s24 =	sld [smem:$0x3FFE];
	[sflag:s5] =	ssyncadd.remote.s32 @!p0 $0x1  }
0xb4: {  	s26 =	simm.s32 $execute0_lowered;
	[smem:$0x3FD2] =	sst s25  }
0xb5: {  	s6 =	sshll.u32 s26, $0x1;
	_ =	strace $0x80000049;
	[dreg:$0x1] =	wrdreg $0xFFFFFFFF  }
0xb6: {  	s28 =	simm.s32 $_size_execute0_lowered;
	s4 =	sadd.s32 s4, s6;
	[dreg:$0x0] =	wrdreg $0x0  }
0xb7: {  	s6 =	sshll.u32 s28, $0x1;
	[dreg:$0x2] =	wrdreg s4  }
0xb8: {  	[dreg:$0x3] =	wrdreg s6  }
0xb9: {  	[dreg:$0x4] =	wrdreg $0xC0  }
0xba: {  	_ =	task [dreg:s22], $0x5FFFF  }
0xbb: {  	[dreg:$0x1] =	wrdreg $0xFFFFFFFF  }
0xbc: {  	[dreg:$0x0] =	wrdreg $0x60  }
0xbd: {  	[dreg:$0x2] =	wrdreg s24  }
0xbe: {  	[dreg:$0x3] =	wrdreg s18  }
0xbf: {  	[dreg:$0x4] =	wrdreg $0x0  }
0xc0: {  	[dreg:$0x5] =	wrdreg $0xA  }
0xc1: {  	_ =	task.clear_ibuf [dreg:s22], $0x6FFFF;
	_ =	strace $0x90000049  }
0xc2: {  	s29 =	simm.s32 $0xA;
	_ =	strace $0x8000004B  }
0xc3: {  	_ =	swait.ge [sflag:s29], $0x1  }
0xc4: {  	[sflag:s29] =	ssyncadd.s32 $0xFFFFFFFF  }
0xc5: {  	_ =	strace $0x9000004B  }
0xc6: {  	_ =	sfence  }
0xc7: {  	s30 =	sld [smem:$0x0];
	_ =	sdelay $0x2  }
0xc8: {  	s31 =	sshll.u32 s1, $0xD;
	s1 =	sshrl.u32 s1, $0x2  }
0xc9: {  	s4 =	sand.u32 $0x4000, s31;
	s1 =	sadd.s32 s1, s30  }
0xca: {  	s0 =	sor.u32 s4, s0;
	s1 =	sshll.u32 s1, $0x11  }
0xcb: {  	s0 =	sor.u32 s1, s0  }
0xcc: {  	s0 =	sadd.s32 $0x8F2B, s0  }
0xcd: {  	[sflag:s0] =	ssyncadd.remote.s32 $0x1  }
0xce: {  	_ =	sfence.sel $0xFFFF  }
0xcf: {  	[dreg:$0x0] =	wrdreg $0xFFFFFFFF;
	(pc) =	sbr.abs _section_cstart, $3  }
0xd0: {  	[dreg:$0x1] =	wrdreg $0xFFFFFFFF  }
0xd1: {  	_ =	task.clear_ibuf [dreg:s22], $0x2FFFF;
	_ =	strace $0x9FFFFFFF  }
0xd2: {  	(tm) =	ssettm $0x7FFFFFFF  }
0xd3: {  	_ =	shalt  }
tec
execute0_lowered:
.L_overlay_start_1:
0x0: {  	(tag) =	ssettag $0x1  }
0x1: {  	s0 =	rddreg [dreg:$0x0]  }
0x2: {  	s1 =	rddreg [dreg:$0x1]  }
0x3: {  	s2 =	rddreg [dreg:$0x2];
	s3 =	simm.s32 $0x0;
	s4 =	srdreg.scid  }
0x4: {  	s15 =	stileid.u32;
	[smem:$0x7FF] =	sst s3;
	s5 =	sadd.s32 $0xDC00, s0  }
0x5: {  	s6 =	sadd.s32 $0x3200, s0;
	s4 =	sand.u32 $0x1, s4;
	s8 =	smul.u32 $0x50, s15  }
0x6: {  	s7 =	sadd.s32 $0x35C00, s0;
	s10 =	smul.u32 $0x50000, s15;
	s0 =	sadd.s32 $0x36400, s0  }
0x7: {  	s12 =	smul.u32 $0x14000, s15;
	_ =	strace $0x8000004A;
	s9 =	ssub.s32 $0x2, s4  }
0x8: {  	p0 =	seq.s32 s4, $0x0;
	s4 =	smul.u32 $0x140000, s4;
	s11 =	sshrl.u32 s9, $0x1  }
0x9: {  	s23 =	sshrl.u32 s10, $0x2;
	s24 =	sadd.s32 $0x4000, s12;
	s26 =	sadd.s32 $0x8000, s12  }
0xa: {  	s29 =	sadd.s32 $0xC000, s12;
	s30 =	sadd.s32 $0x10000, s12;
	s9 =	ssub.s32 s9, s11  }
0xb: {  	s11 =	sadd.s32 $0x500, s8;
	s25 =	sadd.s32 s24, s2;
	s13 =	sadd.s32 s26, s2  }
0xc: {  	s14 =	sadd.s32 s29, s2;
	s16 =	sadd.s32 s30, s2;
	[dreg:$0x5] =	wrdreg s25  }
0xd: {  	s12 =	sadd.s32 s12, s4;
	s10 =	sadd.s32 s4, s24;
	[dreg:$0x6] =	wrdreg s13  }
0xe: {  	s18 =	sadd.s32 s4, s29;
	s11 =	smov.u32 @p0 s8;
	[dreg:$0x7] =	wrdreg s14  }
0xf: {  	s8 =	sadd.s32 s23, s2;
	[dreg:$0x8] =	wrdreg s16;
	s12 =	sshrl.u32 s12, $0x3  }
0x10: {  	s10 =	sshrl.u32 s10, $0x3;
	s19 =	sshrl.u32 s18, $0x3;
	s21 =	smax.u32 s9, $0x1  }
0x11: {  	s9 =	simm.s32 $0x1C100;
	s13 =	simm.s32 $0x18000;
	s14 =	simm.s32 $0x2  }
0x12: {  	s18 =	simm.s32 $0x4;
	[dreg:$0x4] =	wrdreg s8;
	s11 =	sshll.u32 s11, $0x4  }
0x13: {  	s12 =	sadd.s32 s0, s12;
	s8 =	sadd.s32 s4, s26;
	s10 =	sadd.s32 s0, s10  }
0x14: {  	s4 =	sadd.s32 s4, s30;
	[dreg:$0x10] =	wrdreg s21;
	s26 =	sshll.u32 s15, $0x6  }
0x15: {  	s15 =	simm.s32 $0x1C080;
	s16 =	sadd.s32 s6, s11;
	[dreg:$0xb] =	wrdreg s12  }
0x16: {  	s17 =	sadd.s32 s1, s11;
	[dreg:$0xc] =	wrdreg s10;
	s8 =	sshrl.u32 s8, $0x3  }
0x17: {  	s4 =	sshrl.u32 s4, $0x3;
	s20 =	sor.u32 $0x10, s11;
	[dreg:$0x15] =	wrdreg s26  }
0x18: {  	s24 =	sadd.s32 $0x4F0, s11;
	s28 =	sor.u32 $0x1C03, s26;
	[dreg:$0x9] =	wrdreg s16  }
0x19: {  	s10 =	simm.s32 $0x80;
	s8 =	sadd.s32 s0, s8;
	[dreg:$0xa] =	wrdreg s17  }
0x1a: {  	s12 =	simm.s32 $0x3;
	s22 =	sadd.s32 s6, s20;
	[dreg:$0xd] =	wrdreg s8  }
0x1b: {  	s23 =	sadd.s32 s1, s20;
	s25 =	sadd.s32 s6, s24;
	[dreg:$0x11] =	wrdreg s22  }
0x1c: {  	s31 =	sadd.s32 $0x40, s16;
	s16 =	simm.s32 $0x1C180;
	[dreg:$0x12] =	wrdreg s23  }
0x1d: {  	s8 =	sadd.s32 s0, s19;
	s0 =	sadd.s32 s0, s4;
	[dreg:$0x13] =	wrdreg s25  }
0x1e: {  	s23 =	sor.u32 $0x20, s11;
	s4 =	simm.s32 $0x1C000;
	[dreg:$0xe] =	wrdreg s8  }
0x1f: {  	s11 =	simm.s32 $0x14000;
	[dreg:$0xf] =	wrdreg s0;
	s0 =	sadd.s32 s1, s24  }
0x20: {  	s19 =	simm.s32 $0x0;
	s29 =	sadd.s32 s6, s23;
	[dreg:$0x14] =	wrdreg s0  }
0x21: {  	s30 =	sadd.s32 s1, s23;
	s8 =	simm.s32 $0x5;
	[dreg:$0x16] =	wrdreg s29  }
0x22: {  	[dreg:$0x17] =	wrdreg s30;
	s0 =	sadd.s32 $0x40, s17;
	s17 =	simm.s32 $0x1  }
.LBB2_1:
0x23: {  	s20 =	rddreg [dreg:$0x4]  }
0x24: {  	s20 =	sshrl.u32 s20, $0x3  }
0x25: {  	[dreg:$0x18] =	wrdreg s20  }
0x26: {  	[spmem:s20], [sflag:s28] =	dma.local [hbm:s7], $0x800  }
0x27: {  	s20 =	rddreg [dreg:$0x5]  }
0x28: {  	s20 =	sshrl.u32 s20, $0x3  }
0x29: {  	[dreg:$0x19] =	wrdreg s20  }
0x2a: {  	[spmem:s20], [sflag:s28] =	dma.local [hbm:s7], $0x800  }
0x2b: {  	s20 =	rddreg [dreg:$0x6]  }
0x2c: {  	s20 =	sshrl.u32 s20, $0x3  }
0x2d: {  	[dreg:$0x1a] =	wrdreg s20  }
0x2e: {  	[spmem:s20], [sflag:s28] =	dma.local [hbm:s7], $0x800  }
0x2f: {  	s20 =	rddreg [dreg:$0x7]  }
0x30: {  	s20 =	sshrl.u32 s20, $0x3  }
0x31: {  	[dreg:$0x1b] =	wrdreg s20  }
0x32: {  	[spmem:s20], [sflag:s28] =	dma.local [hbm:s7], $0x800  }
0x33: {  	s20 =	rddreg [dreg:$0x8]  }
0x34: {  	s25 =	sshrl.u32 s20, $0x3  }
0x35: {  	[spmem:s25], [sflag:s28] =	dma.local [hbm:s7], $0x800  }
0x36: {  	s22 =	rddreg [dreg:$0x9]  }
0x37: {  	[tilespmem:s4], [sflag:$0x5] =	stream.linear.gather [hbm4b:s22+s3], $0x80, $0x38;
	[tilespmem:$0x1C200] =	vst v63  }
0x38: {  	_ =	swait.ge [sflag:s8], $0x80  }
0x39: {  	[sflag:s8] =	ssyncset.done $0x0  }
0x3a: {  	s24 =	rddreg [dreg:$0xa];
	[sflag:s8] =	ssyncadd.s32 $0xFFFFFF80  }
0x3b: {  	[tilespmem:s9], [sflag:$0x5] =	stream.linear.gather [hbm4b:s24+s3], $0x80, $0x38;
	[tilespmem:$0x1C200] =	vst v63  }
0x3c: {  	_ =	swait.ge [sflag:s8], $0x80  }
0x3d: {  	[sflag:s8] =	ssyncset.done $0x0  }
0x3e: {  	[sflag:s8] =	ssyncadd.s32 $0xFFFFFF80  }
0x3f: {  	[tilespmem:s11], [sflag:$0x1] =	stream.indirect.gather [hbm4b:s5+s10], $0x80, s4, s10, $0xb8;
	[tilespmem:$0x1C200] =	vst v63  }
0x40: {  	_ =	swait.ge [sflag:s12], $0x800  }
0x41: {  	[sflag:s12] =	ssyncset.done $0x0  }
0x42: {  	[sflag:s12] =	ssyncadd.s32 $0xFFFFF800  }
0x43: {  	_ =	swait.ge [sflag:s12], $0x800  }
0x44: {  	[sflag:s12] =	ssyncset.done $0x0  }
0x45: {  	[sflag:s12] =	ssyncadd.s32 $0xFFFFF800  }
0x46: {  	_ =	swait.ge [sflag:s12], $0x800  }
0x47: {  	[sflag:s12] =	ssyncset.done $0x0  }
0x48: {  	[sflag:s12] =	ssyncadd.s32 $0xFFFFF800  }
0x49: {  	_ =	swait.ge [sflag:s12], $0x800  }
0x4a: {  	[sflag:s12] =	ssyncset.done $0x0  }
0x4b: {  	[sflag:s12] =	ssyncadd.s32 $0xFFFFF800  }
0x4c: {  	_ =	swait.ge [sflag:s12], $0x800  }
0x4d: {  	[sflag:s12] =	ssyncset.done $0x0  }
0x4e: {  	[sflag:s12] =	ssyncadd.s32 $0xFFFFF800  }
0x4f: {  	[bflag:$0x0] =	sbarrier.arrive $0xFFFF  }
0x50: {  	s26 =	rddreg [dreg:$0x11]  }
0x51: {  	[tilespmem:s15], [sflag:$0x5] =	stream.linear.gather [hbm4b:s26+s3], $0x80, $0x38;
	[tilespmem:$0x1C200] =	vst v63  }
0x52: {  	_ =	swait.ge [sflag:s8], $0x80  }
0x53: {  	[sflag:s8] =	ssyncset.done $0x0  }
0x54: {  	s21 =	rddreg [dreg:$0x12];
	[sflag:s8] =	ssyncadd.s32 $0xFFFFFF80  }
0x55: {  	[tilespmem:s16], [sflag:$0x5] =	stream.linear.gather [hbm4b:s21+s3], $0x80, $0x38;
	[tilespmem:$0x1C200] =	vst v63  }
0x56: {  	_ =	swait.ge [sflag:s8], $0x80  }
0x57: {  	[sflag:s8] =	ssyncset.done $0x0  }
0x58: {  	[sflag:s8] =	ssyncadd.s32 $0xFFFFFF80  }
0x59: {  	[tilespmem:s13], [sflag:$0x2] =	stream.indirect.gather [hbm4b:s5+s10], $0x80, s15, s10, $0xb8;
	[tilespmem:$0x1C200] =	vst v63  }
0x5a: {  	_ =	swait.ge [sflag:s17], $0x4000  }
0x5b: {  	[sflag:s17] =	ssyncset.done $0x0  }
0x5c: {  	[sflag:s17] =	ssyncadd.s32 $0xFFFFC000  }
0x5d: {  	[spmem:s2] =	stream.indirect.scatter.add.f32 [tilespmem:s11], [sflag:$0x3], $0x80, s9, s10, $0xb8;
	[tilespmem:$0x1C200] =	vst v63  }
0x5e: {  	_ =	swait.ge [sflag:s12], $0x4000  }
0x5f: {  	[sflag:s12] =	ssyncset.done $0x0  }
0x60: {  	s22 =	rddreg [dreg:$0x16];
	[sflag:s12] =	ssyncadd.s32 $0xFFFFC000  }
0x61: {  	[tilespmem:s4], [sflag:$0x5] =	stream.linear.gather [hbm4b:s22+s3], $0x80, $0x38;
	[tilespmem:$0x1C200] =	vst v63  }
0x62: {  	_ =	swait.ge [sflag:s8], $0x80  }
0x63: {  	[sflag:s8] =	ssyncset.done $0x0  }
0x64: {  	s24 =	rddreg [dreg:$0x17];
	[sflag:s8] =	ssyncadd.s32 $0xFFFFFF80  }
0x65: {  	[tilespmem:s9], [sflag:$0x5] =	stream.linear.gather [hbm4b:s24+s3], $0x80, $0x38;
	[tilespmem:$0x1C200] =	vst v63  }
0x66: {  	_ =	swait.ge [sflag:s8], $0x80  }
0x67: {  	[sflag:s8] =	ssyncset.done $0x0  }
0x68: {  	[sflag:s8] =	ssyncadd.s32 $0xFFFFFF80  }
0x69: {  	[tilespmem:s11], [sflag:$0x1] =	stream.indirect.gather [hbm4b:s5+s10], $0x80, s4, s10, $0xb8;
	[tilespmem:$0x1C200] =	vst v63  }
0x6a: {  	_ =	swait.ge [sflag:s14], $0x4000  }
0x6b: {  	s29 =	simm.s32 $0x20;
	s26 =	sadd.s32 $0x0, s23;
	[sflag:s14] =	ssyncset.done $0x0  }
0x6c: {  	s20 =	sand.u32 $0xFFFFF80, s26;
	s21 =	sand.u32 $0x60, s29;
	[sflag:s14] =	ssyncadd.s32 $0xFFFFC000  }
0x6d: {  	[spmem:s2] =	stream.indirect.scatter.add.f32 [tilespmem:s13], [sflag:$0x4], $0x80, s16, s10, $0xb8;
	[tilespmem:$0x1C200] =	vst v63  }
0x6e: {  	s20 =	sor.u32 s20, s21;
	_ =	swait.ge [sflag:s18], $0x4000  }
0x6f: {  	s20 =	sor.u32 $0x10, s20;
	[sflag:s18] =	ssyncset.done $0x0  }
0x70: {  	s22 =	sadd.s32 s6, s20;
	[sflag:s18] =	ssyncadd.s32 $0xFFFFC000  }
0x71: {  	[tilespmem:s15], [sflag:$0x5] =	stream.linear.gather [hbm4b:s22+s3], $0x80, $0x38;
	[tilespmem:$0x1C200] =	vst v63  }
0x72: {  	_ =	swait.ge [sflag:s8], $0x80  }
0x73: {  	[sflag:s8] =	ssyncset.done $0x0  }
0x74: {  	s20 =	sadd.s32 s1, s20;
	[sflag:s8] =	ssyncadd.s32 $0xFFFFFF80  }
0x75: {  	[tilespmem:s16], [sflag:$0x5] =	stream.linear.gather [hbm4b:s20+s3], $0x80, $0x38;
	[tilespmem:$0x1C200] =	vst v63  }
0x76: {  	_ =	swait.ge [sflag:s8], $0x80  }
0x77: {  	[sflag:s8] =	ssyncset.done $0x0  }
0x78: {  	[sflag:s8] =	ssyncadd.s32 $0xFFFFFF80  }
0x79: {  	[tilespmem:s13], [sflag:$0x2] =	stream.indirect.gather [hbm4b:s5+s10], $0x80, s15, s10, $0xb8;
	[tilespmem:$0x1C200] =	vst v63  }
0x7a: {  	_ =	swait.ge [sflag:s17], $0x4000  }
0x7b: {  	[sflag:s17] =	ssyncset.done $0x0  }
0x7c: {  	[sflag:s17] =	ssyncadd.s32 $0xFFFFC000  }
0x7d: {  	[spmem:s2] =	stream.indirect.scatter.add.f32 [tilespmem:s11], [sflag:$0x3], $0x80, s9, s10, $0xb8;
	[tilespmem:$0x1C200] =	vst v63  }
0x7e: {  	_ =	swait.ge [sflag:s12], $0x4000  }
0x7f: {  	[sflag:s12] =	ssyncset.done $0x0  }
0x80: {  	s24 =	sadd.s32 $0x0, s31;
	[sflag:s12] =	ssyncadd.s32 $0xFFFFC000  }
0x81: {  	[tilespmem:s4], [sflag:$0x5] =	stream.linear.gather [hbm4b:s24+s3], $0x80, $0x38;
	[tilespmem:$0x1C200] =	vst v63  }
0x82: {  	_ =	swait.ge [sflag:s8], $0x80  }
0x83: {  	[sflag:s8] =	ssyncset.done $0x0  }
0x84: {  	s26 =	sadd.s32 $0x0, s0;
	[sflag:s8] =	ssyncadd.s32 $0xFFFFFF80  }
0x85: {  	[tilespmem:s9], [sflag:$0x5] =	stream.linear.gather [hbm4b:s26+s3], $0x80, $0x38;
	[tilespmem:$0x1C200] =	vst v63  }
0x86: {  	_ =	swait.ge [sflag:s8], $0x80  }
0x87: {  	[sflag:s8] =	ssyncset.done $0x0  }
0x88: {  	[sflag:s8] =	ssyncadd.s32 $0xFFFFFF80  }
0x89: {  	[tilespmem:s11], [sflag:$0x1] =	stream.indirect.gather [hbm4b:s5+s10], $0x80, s4, s10, $0xb8;
	[tilespmem:$0x1C200] =	vst v63  }
0x8a: {  	_ =	swait.ge [sflag:s14], $0x4000  }
0x8b: {  	s26 =	simm.s32 $0x40;
	[sflag:s14] =	ssyncset.done $0x0  }
0x8c: {  	s30 =	sadd.s32 $0x20, s23;
	s20 =	sand.u32 $0x60, s26;
	[sflag:s14] =	ssyncadd.s32 $0xFFFFC000  }
.LBB2_2:
0x8d: {  	[spmem:s2] =	stream.indirect.scatter.add.f32 [tilespmem:s13], [sflag:$0x4], $0x80, s16, s10, $0xb8;
	[tilespmem:$0x1C200] =	vst v63  }
0x8e: {  	s22 =	smov.u32 s26  }
0x8f: {  	s24 =	sand.u32 $0xFFFFF80, s30;
	s30 =	sadd.s32 s26, s23;
	_ =	swait.ge [sflag:s18], $0x4000  }
0x90: {  	s21 =	sadd.s32 $0x20, s26;
	s20 =	sor.u32 s24, s20;
	[sflag:s18] =	ssyncset.done $0x0  }
0x91: {  	p0 =	sne.s32 s26, $0x4A0;
	s20 =	sor.u32 $0x10, s20;
	[sflag:s18] =	ssyncadd.s32 $0xFFFFC000  }
0x92: {  	s24 =	sadd.s32 s6, s20  }
0x93: {  	[tilespmem:s15], [sflag:$0x5] =	stream.linear.gather [hbm4b:s24+s3], $0x80, $0x38;
	[tilespmem:$0x1C200] =	vst v63  }
0x94: {  	_ =	swait.ge [sflag:s8], $0x80  }
0x95: {  	[sflag:s8] =	ssyncset.done $0x0  }
0x96: {  	s20 =	sadd.s32 s1, s20;
	[sflag:s8] =	ssyncadd.s32 $0xFFFFFF80  }
0x97: {  	[tilespmem:s16], [sflag:$0x5] =	stream.linear.gather [hbm4b:s20+s3], $0x80, $0x38;
	[tilespmem:$0x1C200] =	vst v63  }
0x98: {  	_ =	swait.ge [sflag:s8], $0x80  }
0x99: {  	[sflag:s8] =	ssyncset.done $0x0  }
0x9a: {  	[sflag:s8] =	ssyncadd.s32 $0xFFFFFF80  }
0x9b: {  	[tilespmem:s13], [sflag:$0x2] =	stream.indirect.gather [hbm4b:s5+s10], $0x80, s15, s10, $0xb8;
	[tilespmem:$0x1C200] =	vst v63  }
0x9c: {  	_ =	swait.ge [sflag:s17], $0x4000  }
0x9d: {  	[sflag:s17] =	ssyncset.done $0x0  }
0x9e: {  	[sflag:s17] =	ssyncadd.s32 $0xFFFFC000  }
0x9f: {  	[spmem:s2] =	stream.indirect.scatter.add.f32 [tilespmem:s11], [sflag:$0x3], $0x80, s9, s10, $0xb8;
	[tilespmem:$0x1C200] =	vst v63  }
0xa0: {  	_ =	swait.ge [sflag:s12], $0x4000  }
0xa1: {  	[sflag:s12] =	ssyncset.done $0x0  }
0xa2: {  	s20 =	sadd.s32 s29, s31;
	[sflag:s12] =	ssyncadd.s32 $0xFFFFC000  }
0xa3: {  	[tilespmem:s4], [sflag:$0x5] =	stream.linear.gather [hbm4b:s20+s3], $0x80, $0x38;
	[tilespmem:$0x1C200] =	vst v63  }
0xa4: {  	_ =	swait.ge [sflag:s8], $0x80  }
0xa5: {  	[sflag:s8] =	ssyncset.done $0x0  }
0xa6: {  	s20 =	sadd.s32 s29, s0;
	s29 =	smov.u32 s22;
	[sflag:s8] =	ssyncadd.s32 $0xFFFFFF80  }
0xa7: {  	[tilespmem:s9], [sflag:$0x5] =	stream.linear.gather [hbm4b:s20+s3], $0x80, $0x38;
	[tilespmem:$0x1C200] =	vst v63  }
0xa8: {  	_ =	swait.ge [sflag:s8], $0x80  }
0xa9: {  	[sflag:s8] =	ssyncset.done $0x0  }
.Ltmp0:
0xaa: {  	[sflag:s8] =	ssyncadd.s32 $0xFFFFFF80;
	(pc) =	sbr.rel @p0 .LBB2_2-.Ltmp0, $4  }
0xab: {  	[tilespmem:s11], [sflag:$0x1] =	stream.indirect.gather [hbm4b:s5+s10], $0x80, s4, s10, $0xb8;
	[tilespmem:$0x1C200] =	vst v63  }
0xac: {  	_ =	swait.ge [sflag:s14], $0x4000  }
0xad: {  	[sflag:s14] =	ssyncset.done $0x0  }
0xae: {  	s26 =	smov.u32 s21;
	s20 =	sand.u32 $0x60, s21;
	[sflag:s14] =	ssyncadd.s32 $0xFFFFC000  }
0xaf: {  	[spmem:s2] =	stream.indirect.scatter.add.f32 [tilespmem:s13], [sflag:$0x4], $0x80, s16, s10, $0xb8;
	[tilespmem:$0x1C200] =	vst v63  }
0xb0: {  	s21 =	sand.u32 $0xFFFFF80, s30  }
0xb1: {  	_ =	swait.ge [sflag:s18], $0x4000;
	s20 =	sor.u32 s21, s20  }
0xb2: {  	[sflag:s18] =	ssyncset.done $0x0;
	s20 =	sor.u32 $0x10, s20  }
0xb3: {  	[sflag:s18] =	ssyncadd.s32 $0xFFFFC000;
	s26 =	sadd.s32 s6, s20  }
0xb4: {  	[tilespmem:s15], [sflag:$0x5] =	stream.linear.gather [hbm4b:s26+s3], $0x80, $0x38;
	[tilespmem:$0x1C200] =	vst v63  }
0xb5: {  	_ =	swait.ge [sflag:s8], $0x80  }
0xb6: {  	[sflag:s8] =	ssyncset.done $0x0  }
0xb7: {  	s20 =	sadd.s32 s1, s20;
	[sflag:s8] =	ssyncadd.s32 $0xFFFFFF80  }
0xb8: {  	[tilespmem:s16], [sflag:$0x5] =	stream.linear.gather [hbm4b:s20+s3], $0x80, $0x38;
	[tilespmem:$0x1C200] =	vst v63  }
0xb9: {  	_ =	swait.ge [sflag:s8], $0x80  }
0xba: {  	[sflag:s8] =	ssyncset.done $0x0  }
0xbb: {  	[sflag:s8] =	ssyncadd.s32 $0xFFFFFF80  }
0xbc: {  	[tilespmem:s13], [sflag:$0x2] =	stream.indirect.gather [hbm4b:s5+s10], $0x80, s15, s10, $0xb8;
	[tilespmem:$0x1C200] =	vst v63  }
0xbd: {  	_ =	swait.ge [sflag:s17], $0x4000  }
0xbe: {  	[sflag:s17] =	ssyncset.done $0x0  }
0xbf: {  	[sflag:s17] =	ssyncadd.s32 $0xFFFFC000  }
0xc0: {  	[spmem:s2] =	stream.indirect.scatter.add.f32 [tilespmem:s11], [sflag:$0x3], $0x80, s9, s10, $0xb8;
	[tilespmem:$0x1C200] =	vst v63  }
0xc1: {  	_ =	swait.ge [sflag:s12], $0x4000  }
0xc2: {  	[sflag:s12] =	ssyncset.done $0x0  }
0xc3: {  	s30 =	sadd.s32 s29, s31;
	[sflag:s12] =	ssyncadd.s32 $0xFFFFC000  }
0xc4: {  	[tilespmem:s4], [sflag:$0x5] =	stream.linear.gather [hbm4b:s30+s3], $0x80, $0x38;
	[tilespmem:$0x1C200] =	vst v63  }
0xc5: {  	_ =	swait.ge [sflag:s8], $0x80  }
0xc6: {  	[sflag:s8] =	ssyncset.done $0x0  }
0xc7: {  	s21 =	sadd.s32 s29, s0;
	[sflag:s8] =	ssyncadd.s32 $0xFFFFFF80  }
0xc8: {  	[tilespmem:s9], [sflag:$0x5] =	stream.linear.gather [hbm4b:s21+s3], $0x80, $0x38;
	[tilespmem:$0x1C200] =	vst v63  }
0xc9: {  	_ =	swait.ge [sflag:s8], $0x80  }
0xca: {  	[sflag:s8] =	ssyncset.done $0x0  }
0xcb: {  	[sflag:s8] =	ssyncadd.s32 $0xFFFFFF80  }
0xcc: {  	[tilespmem:s11], [sflag:$0x1] =	stream.indirect.gather [hbm4b:s5+s10], $0x80, s4, s10, $0xb8;
	[tilespmem:$0x1C200] =	vst v63  }
0xcd: {  	_ =	swait.ge [sflag:s14], $0x4000  }
0xce: {  	[sflag:s14] =	ssyncset.done $0x0  }
0xcf: {  	[sflag:s14] =	ssyncadd.s32 $0xFFFFC000  }
0xd0: {  	[spmem:s2] =	stream.indirect.scatter.add.f32 [tilespmem:s13], [sflag:$0x4], $0x80, s16, s10, $0xb8;
	[tilespmem:$0x1C200] =	vst v63  }
0xd1: {  	_ =	swait.ge [sflag:s18], $0x4000  }
0xd2: {  	[sflag:s18] =	ssyncset.done $0x0  }
0xd3: {  	s22 =	rddreg [dreg:$0x13];
	[sflag:s18] =	ssyncadd.s32 $0xFFFFC000  }
0xd4: {  	[tilespmem:s15], [sflag:$0x5] =	stream.linear.gather [hbm4b:s22+s3], $0x80, $0x38;
	[tilespmem:$0x1C200] =	vst v63  }
0xd5: {  	_ =	swait.ge [sflag:s8], $0x80  }
0xd6: {  	[sflag:s8] =	ssyncset.done $0x0  }
0xd7: {  	s24 =	rddreg [dreg:$0x14];
	[sflag:s8] =	ssyncadd.s32 $0xFFFFFF80  }
0xd8: {  	[tilespmem:s16], [sflag:$0x5] =	stream.linear.gather [hbm4b:s24+s3], $0x80, $0x38;
	[tilespmem:$0x1C200] =	vst v63  }
0xd9: {  	_ =	swait.ge [sflag:s8], $0x80  }
0xda: {  	[sflag:s8] =	ssyncset.done $0x0  }
0xdb: {  	[sflag:s8] =	ssyncadd.s32 $0xFFFFFF80  }
0xdc: {  	[tilespmem:s13], [sflag:$0x2] =	stream.indirect.gather [hbm4b:s5+s10], $0x80, s15, s10, $0xb8;
	[tilespmem:$0x1C200] =	vst v63  }
0xdd: {  	_ =	swait.ge [sflag:s17], $0x4000  }
0xde: {  	[sflag:s17] =	ssyncset.done $0x0  }
0xdf: {  	[sflag:s17] =	ssyncadd.s32 $0xFFFFC000  }
0xe0: {  	[spmem:s2] =	stream.indirect.scatter.add.f32 [tilespmem:s11], [sflag:$0x3], $0x80, s9, s10, $0xb8;
	[tilespmem:$0x1C200] =	vst v63  }
0xe1: {  	_ =	swait.ge [sflag:s12], $0x4000  }
0xe2: {  	[sflag:s12] =	ssyncset.done $0x0  }
0xe3: {  	[sflag:s12] =	ssyncadd.s32 $0xFFFFC000  }
0xe4: {  	_ =	swait.ge [sflag:s14], $0x4000  }
0xe5: {  	[sflag:s14] =	ssyncset.done $0x0  }
0xe6: {  	[sflag:s14] =	ssyncadd.s32 $0xFFFFC000  }
0xe7: {  	[spmem:s2] =	stream.indirect.scatter.add.f32 [tilespmem:s13], [sflag:$0x4], $0x80, s16, s10, $0xb8;
	[tilespmem:$0x1C200] =	vst v63  }
0xe8: {  	_ =	swait.ge [sflag:s18], $0x4000  }
0xe9: {  	[sflag:s18] =	ssyncset.done $0x0  }
0xea: {  	[sflag:s18] =	ssyncadd.s32 $0xFFFFC000  }
0xeb: {  	[bflag:$0x0] =	sbarrier.arrive $0xFFFF  }
0xec: {  	s26 =	rddreg [dreg:$0x15]  }
0xed: {  	s29 =	rddreg [dreg:$0xb]  }
0xee: {  	s22 =	rddreg [dreg:$0x18];
	s20 =	sor.u32 $0x1C01, s26  }
0xef: {  	[hbm:s29], [sflag:s20] =	dma.local [spmem:s22], $0x800  }
0xf0: {  	s21 =	rddreg [dreg:$0xc]  }
0xf1: {  	s22 =	rddreg [dreg:$0x19]  }
0xf2: {  	[hbm:s21], [sflag:s20] =	dma.local [spmem:s22], $0x800  }
0xf3: {  	s21 =	rddreg [dreg:$0xd]  }
0xf4: {  	s22 =	rddreg [dreg:$0x1a]  }
0xf5: {  	[hbm:s21], [sflag:s20] =	dma.local [spmem:s22], $0x800  }
0xf6: {  	s21 =	rddreg [dreg:$0xe]  }
0xf7: {  	s22 =	rddreg [dreg:$0x1b]  }
0xf8: {  	[hbm:s21], [sflag:s20] =	dma.local [spmem:s22], $0x800  }
0xf9: {  	s21 =	rddreg [dreg:$0xf]  }
0xfa: {  	[hbm:s21], [sflag:s20] =	dma.local [spmem:s25], $0x800  }
0xfb: {  	_ =	swait.ge [sflag:s17], $0x800  }
0xfc: {  	[sflag:s17] =	ssyncset.done $0x0  }
0xfd: {  	[sflag:s17] =	ssyncadd.s32 $0xFFFFF800  }
0xfe: {  	_ =	swait.ge [sflag:s17], $0x800  }
0xff: {  	[sflag:s17] =	ssyncset.done $0x0  }
0x100: {  	[sflag:s17] =	ssyncadd.s32 $0xFFFFF800  }
0x101: {  	_ =	swait.ge [sflag:s17], $0x800  }
0x102: {  	[sflag:s17] =	ssyncset.done $0x0  }
0x103: {  	[sflag:s17] =	ssyncadd.s32 $0xFFFFF800  }
0x104: {  	_ =	swait.ge [sflag:s17], $0x800  }
0x105: {  	[sflag:s17] =	ssyncset.done $0x0  }
0x106: {  	[sflag:s17] =	ssyncadd.s32 $0xFFFFF800  }
0x107: {  	_ =	swait.ge [sflag:s17], $0x800  }
0x108: {  	s19 =	sadd.s32 $0x1, s19;
	s30 =	rddreg [dreg:$0x10]  }
0x109: {  	p0 =	sne.s32 s19, s30  }
.Ltmp1:
0x10a: {  	_ = 	snop;
	(pc) =	sbr.rel @p0 .LBB2_1-.Ltmp1, $3  }
0x10b: {  	_ =	sdelay $0x1  }
0x10c: {  	[sflag:s17] =	ssyncset.done $0x0  }
0x10d: {  	[sflag:s17] =	ssyncadd.s32 $0xFFFFF800  }
0x10e: {  	_ =	sfence.sel $0x180000  }
0x10f: {  	[bflag:$0x0] =	sbarrier.arrive $0xFFFF  }
0x110: {  	_ =	strace $0x9000004A  }
0x111: {  	s0 =	stileid.u32;
	[bflag:$0x2] =	sbarrier.arrive $0xFFFF  }
0x112: {  	p0 =	sne.s32 s0, $0x0;
	s0 =	rddreg [dreg:$0x3]  }
0x113: {  	s0 =	sadd.s32 @!p0 $0x100000, s0  }
0x114: {  	[sflag:s0] =	ssyncadd.tile.s32 @!p0 $0x1;
	_ =	shalt  }
.Lfunc_end2:
_tile_overlayer_lowered:
.L_overlay_start_2:
0x115: {  	(tag) =	ssettag $0x2  }
0x116: {  	s0 =	rddreg [dreg:$0x0];
	s2 =	stileid.u32  }
0x117: {  	s1 =	rddreg [dreg:$0x1];
	p0 =	sne.s32 s2, $0x0  }
0x118: {  	s3 =	rddreg [dreg:$0x2];
	[bflag:$0x3] =	sbarrier.arrive $0xFFFF;
	s2 =	simm.s32 @!p0 $0x1C05  }
0x119: {  	[timem:s3], [sflag:s2] =	dma.local @!p0 [hbm:s0], s1  }
0x11a: {  	s0 =	simm.s32 @!p0 $0x5  }
0x11b: {  	_ =	swait.ge @!p0 [sflag:s0], s1  }
0x11c: {  	s1 =	ssub.s32 @!p0 $0x0, s1;
	[sflag:s0] =	ssyncset.done @!p0 $0x0  }
0x11d: {  	[sflag:s0] =	ssyncadd.s32 @!p0 s1  }
0x11e: {  	[bflag:$0x3] =	sbarrier.arrive $0xFFFF  }
0x11f: {  	_ =	shalt  }

// kernel: sage_sc_agg.7.cloned.1.call-start
scs
__scs_entry_jumppad:
0x0: {  	(pc) =	sbr.rel $0x88, $3  }
0x1: {  	(tag) =	ssettag $0x0;
	lr =	simm.s32 $0x1  }
0x2: {  	[smem:$0x3F99] =	sst lr;
	_ =	strace $0xD0000000  }
0x3: {  	_ = 	snop  }
0x4: {  	_ = 	snop  }
0x5: {  	_ = 	snop  }
0x6: {  	_ = 	snop  }
0x7: {  	_ = 	snop  }
__scs_overlays_trampoline_lowered:
0x8: {  	[smem:$0x3FA8] =	sst s0  }
0x9: {  	[smem:$0x3FA9] =	sst s1  }
0xa: {  	[smem:$0x3FAA] =	sst s2  }
0xb: {  	[smem:$0x3FAB] =	sst s3  }
0xc: {  	[smem:$0x3FAC] =	sst s4  }
0xd: {  	[smem:$0x3FAD] =	sst s5  }
0xe: {  	[smem:$0x3FAE] =	sst s6  }
0xf: {  	[smem:$0x3FAF] =	sst s7  }
0x10: {  	[smem:$0x3FB0] =	sst s8  }
0x11: {  	[smem:$0x3FB1] =	sst s9;
	s0 =	simm.s32 @!p0 $0x0  }
0x12: {  	s1 =	sld [smem:$0x3F97];
	s0 =	simm.s32 @p0 $0x1  }
0x13: {  	[smem:$0x3FB2] =	sst s0;
	s0 =	simm.s32 @!p1 $0x0  }
0x14: {  	s2 =	sld [smem:$0x3F96];
	s0 =	simm.s32 @p1 $0x1  }
0x15: {  	[smem:$0x3FB3] =	sst s0;
	s0 =	simm.s32 @!p2 $0x0  }
0x16: {  	s3 =	sld [smem:$0x3FDB];
	s0 =	simm.s32 @p2 $0x1  }
0x17: {  	s4 =	simm.s32 $0x1BF5;
	[smem:$0x3FB5] =	sst s0  }
0x18: {  	s0 =	sld [smem:$0x3F98];
	_ =	swait.ge [sflag:s4], $0x0  }
0x19: {  	s7 =	sld [smem:$0x3F99]  }
0x1a: {  	s8 =	sadd.s32 $0xFFFFE003, lr  }
0x1b: {  	s9 =	sadd.s32 $0xFFFFFEF7, lr;
	s5 =	simm.s32 $0xFFFFFFFF;
	p2 =	slt.u32 s8, $0xFFFFF086  }
0x1c: {  	p1 =	slt.u32 s9, $0xF7A;
	s5 =	simm.s32 @!p2 $0x0  }
0x1d: {  	s5 =	simm.s32 @p1 $0x1;
	p0 =	seq.s32 s7, s2  }
0x1e: {  	s7 =	smul.u32 @!p0 $0xF7A, s2;
	p2 =	seq.s32 @!p0 s5, $0x0  }
0x1f: {  	s9 =	smul.u32 $0xF7A, s1;
	s8 =	simm.s32 @!p0 $0x1BF5;
	p2 =	por !p2, p0  }
0x20: {  	[sflag:s8] =	ssyncset.s32 @!p0 $0xFFFFF086;
	s6 =	sadd.s32 @!p0 s3, s7;
	s7 =	simm.s32 @!p0 $0x108  }
0x21: {  	s3 =	sadd.s32 s3, s9;
	s6 =	sadd.s32 @!p0 $0x88, s6;
	s7 =	simm.s32 @p2 $0x1082  }
0x22: {  	[simem:s7], [sflag:s8] =	dma.local @!p0 [hbm:s6], $0xF7A  }
0x23: {  	s9 =	sor.u32 $0xD0000000, s2;
	s6 =	simm.s32 $0x108;
	_ =	swait.ge @!p0 [sflag:s8], $0x0  }
0x24: {  	s3 =	sadd.s32 $0x88, s3;
	s6 =	simm.s32 @!p1 $0x1082;
	[sflag:s4] =	ssyncset.s32 $0xFFFFF086  }
0x25: {  	[simem:s6], [sflag:s4] =	dma.local [hbm:s3], $0xF7A  }
0x26: {  	[smem:$0x3F99] =	sst s1;
	(tag) =	ssettag s2;
	_ =	strace s9  }
0x27: {  	s1 =	sld [smem:$0x3FA9]  }
0x28: {  	s2 =	sld [smem:$0x3FAA]  }
0x29: {  	s4 =	sld [smem:$0x3FAC]  }
0x2a: {  	p0 =	seq.s32 s5, $0x0;
	s5 =	sld [smem:$0x3FAD]  }
0x2b: {  	s6 =	sld [smem:$0x3FAE]  }
0x2c: {  	s7 =	sld [smem:$0x3FAF]  }
0x2d: {  	s3 =	simm.s32 $0x108;
	s8 =	sld [smem:$0x3FB0]  }
0x2e: {  	s3 =	simm.s32 @!p0 $0x1082;
	s9 =	sld [smem:$0x3FB1]  }
0x2f: {  	lr =	sadd.s32 s0, s3;
	s0 =	sld [smem:$0x3FA8]  }
0x30: {  	s3 =	sld [smem:$0x3FAB]  }
0x31: {  	[smem:$0x3FB4] =	sst s10  }
0x32: {  	s10 =	sld [smem:$0x3FB2];
	_ =	sdelay $0x3  }
0x33: {  	p0 =	seq.s32 s10, $0x1;
	s10 =	sld [smem:$0x3FB4];
	_ =	sdelay $0x3  }
0x34: {  	[smem:$0x3FB4] =	sst s10  }
0x35: {  	s10 =	sld [smem:$0x3FB3];
	_ =	sdelay $0x3  }
0x36: {  	p1 =	seq.s32 s10, $0x1;
	s10 =	sld [smem:$0x3FB4];
	_ =	sdelay $0x3  }
0x37: {  	[smem:$0x3FB4] =	sst s10  }
0x38: {  	s10 =	sld [smem:$0x3FB5]  }
0x39: {  	_ = 	snop;
	(pc) =	sbr.ind lr, $3  }
0x3a: {  	_ = 	snop  }
0x3b: {  	_ = 	snop  }
0x3c: {  	p2 =	seq.s32 s10, $0x1;
	s10 =	sld [smem:$0x3FB4]  }
0x3d: {  	_ =	shalt  }
0x3e: {  	_ =	shalt  }
0x3f: {  	_ =	shalt  }
0x40: {  	_ =	shalt  }
0x41: {  	_ =	shalt  }
0x42: {  	_ =	shalt  }
0x43: {  	_ =	shalt  }
0x44: {  	_ =	shalt  }
0x45: {  	_ =	shalt  }
0x46: {  	_ =	shalt  }
0x47: {  	_ =	shalt  }
0x48: {  	_ =	shalt  }
0x49: {  	_ =	shalt  }
0x4a: {  	_ =	shalt  }
0x4b: {  	_ =	shalt  }
0x4c: {  	_ =	shalt  }
0x4d: {  	_ =	shalt  }
0x4e: {  	_ =	shalt  }
0x4f: {  	_ =	shalt  }
0x50: {  	_ =	shalt  }
0x51: {  	_ =	shalt  }
0x52: {  	_ =	shalt  }
0x53: {  	_ =	shalt  }
0x54: {  	_ =	shalt  }
0x55: {  	_ =	shalt  }
0x56: {  	_ =	shalt  }
0x57: {  	_ =	shalt  }
0x58: {  	_ =	shalt  }
0x59: {  	_ =	shalt  }
0x5a: {  	_ =	shalt  }
0x5b: {  	_ =	shalt  }
0x5c: {  	_ =	shalt  }
0x5d: {  	_ =	shalt  }
0x5e: {  	_ =	shalt  }
0x5f: {  	_ =	shalt  }
0x60: {  	_ =	shalt  }
0x61: {  	_ =	shalt  }
0x62: {  	_ =	shalt  }
0x63: {  	_ =	shalt  }
0x64: {  	_ =	shalt  }
0x65: {  	_ =	shalt  }
0x66: {  	_ =	shalt  }
0x67: {  	_ =	shalt  }
0x68: {  	_ =	shalt  }
0x69: {  	_ =	shalt  }
0x6a: {  	_ =	shalt  }
0x6b: {  	_ =	shalt  }
0x6c: {  	_ =	shalt  }
0x6d: {  	_ =	shalt  }
0x6e: {  	_ =	shalt  }
0x6f: {  	_ =	shalt  }
0x70: {  	_ =	shalt  }
0x71: {  	_ =	shalt  }
0x72: {  	_ =	shalt  }
0x73: {  	_ =	shalt  }
0x74: {  	_ =	shalt  }
0x75: {  	_ =	shalt  }
0x76: {  	_ =	shalt  }
0x77: {  	_ =	shalt  }
0x78: {  	_ =	shalt  }
0x79: {  	_ =	shalt  }
0x7a: {  	_ =	shalt  }
0x7b: {  	_ =	shalt  }
0x7c: {  	_ =	shalt  }
0x7d: {  	_ =	shalt  }
0x7e: {  	_ =	shalt  }
0x7f: {  	_ =	shalt  }
0x80: {  	_ =	shalt  }
0x81: {  	_ =	shalt  }
0x82: {  	_ =	shalt  }
0x83: {  	_ =	shalt  }
0x84: {  	_ =	shalt  }
0x85: {  	_ =	shalt  }
0x86: {  	_ =	shalt  }
0x87: {  	_ =	shalt  }
.Lfunc_end0:
.L_simem_size_0:
called_computation.2_lowered:
.L_overlay_start_0:
0x88: {  	s2 =	sld [smem:$0x3FD9]  }
0x89: {  	s3 =	sld [smem:$0x3FFE];
	_ =	sdelay $0x1  }
0x8a: {  	s1 =	srdreg.scid  }
0x8b: {  	s0 =	sand.u32 $0x1, s1  }
0x8c: {  	s17 =	sshll.u32 s0, $0xA;
	s2 =	sadd.s32 s3, s2  }
0x8d: {  	s2 =	sadd.s32 s2, s17  }
0x8e: {  	[smem:$0x3FC0] =	sst s2  }
0x8f: {  	_ = 	snop  }
0x90: {  	s2 =	sld [smem:$0x3FD0];
	(tm) =	ssettm $0x1  }
0x91: {  	s18 =	sld [smem:$0x3FFB];
	_ =	sdelay $0x3  }
0x92: {  	_ =	strace s18  }
0x93: {  	s3 =	sld [smem:$0x3FFC];
	_ =	sdelay $0x3  }
0x94: {  	_ =	strace s3  }
0x95: {  	s3 =	sld [smem:$0x3FFD];
	_ =	sdelay $0x3  }
0x96: {  	_ =	strace s3  }
0x97: {  	_ =	strace $0x8FFFFFFF  }
0x98: {  	s19 =	sld [smem:$0x3FDB];
	_ =	sdelay $0x1  }
0x99: {  	s4 =	simm.s32 $_scs_section_size  }
0x9a: {  	s5 =	simm.s32 $_size__tile_overlayer_lowered;
	s6 =	simm.s32 $_tile_overlayer_lowered  }
0x9b: {  	s22 =	simm.s32 $0x1BFF;
	s21 =	sshll.u32 s6, $0x1;
	s3 =	sadd.s32 s4, s19  }
0x9c: {  	s7 =	simm.s32 $0x0;
	s20 =	sshll.u32 s5, $0x1;
	s5 =	sadd.s32 s21, s3  }
0x9d: {  	[timem:s7], [sflag:s22] =	dma.local [hbm:s5], s20  }
0x9e: {  	_ =	swait.ge [sflag:s22], s20  }
0x9f: {  	s4 =	ssub.s32 $0x0, s20;
	[sflag:s22] =	ssyncset.done $0x0  }
0xa0: {  	[sflag:s22] =	ssyncadd.s32 s4;
	_ =	sdelay $0x1  }
0xa1: {  	s23 =	simm.s32 $0x1B8B  }
0xa2: {  	_ =	swait.ge [sflag:s23], $0x1  }
0xa3: {  	[sflag:s23] =	ssyncset.done $0x0  }
0xa4: {  	s25 =	simm.s32 $0x1B8E;
	s24 =	sld [smem:$0x3FFE];
	[sflag:s23] =	ssyncadd.s32 $0xFFFFFFFF  }
0xa5: {  	s26 =	simm.s32 $execute0_lowered;
	[smem:$0x3FD2] =	sst s25  }
0xa6: {  	s5 =	sshll.u32 s26, $0x1;
	_ =	strace $0x8000004C;
	[dreg:$0x1] =	wrdreg $0xFFFFFFFF  }
0xa7: {  	s28 =	simm.s32 $_size_execute0_lowered;
	s3 =	sadd.s32 s3, s5;
	[dreg:$0x0] =	wrdreg $0x0  }
0xa8: {  	s5 =	sshll.u32 s28, $0x1;
	[dreg:$0x2] =	wrdreg s3  }
0xa9: {  	[dreg:$0x3] =	wrdreg s5  }
0xaa: {  	[dreg:$0x4] =	wrdreg $0xC0  }
0xab: {  	_ =	task [dreg:s7], $0x5FFFF  }
0xac: {  	[dreg:$0x1] =	wrdreg $0xFFFFFFFF  }
0xad: {  	[dreg:$0x0] =	wrdreg $0x60  }
0xae: {  	[dreg:$0x2] =	wrdreg s24  }
0xaf: {  	[dreg:$0x3] =	wrdreg s2  }
0xb0: {  	[dreg:$0x4] =	wrdreg $0x0  }
0xb1: {  	[dreg:$0x5] =	wrdreg $0x9  }
0xb2: {  	_ =	task.clear_ibuf [dreg:s7], $0x6FFFF;
	_ =	strace $0x9000004C  }
0xb3: {  	s29 =	simm.s32 $0x9;
	_ =	strace $0x8000004E  }
0xb4: {  	_ =	swait.ge [sflag:s29], $0x1  }
0xb5: {  	[sflag:s29] =	ssyncadd.s32 $0xFFFFFFFF  }
0xb6: {  	_ =	strace $0x9000004E  }
0xb7: {  	_ =	sfence  }
0xb8: {  	s30 =	sld [smem:$0x0];
	_ =	sdelay $0x2  }
0xb9: {  	s31 =	sshll.u32 s1, $0xD;
	s1 =	sshrl.u32 s1, $0x2  }
0xba: {  	s3 =	sand.u32 $0x4000, s31;
	s1 =	sadd.s32 s1, s30  }
0xbb: {  	s0 =	sor.u32 s3, s0;
	s1 =	sshll.u32 s1, $0x11  }
0xbc: {  	s0 =	sor.u32 s1, s0  }
0xbd: {  	s0 =	sadd.s32 $0x8F2B, s0  }
0xbe: {  	[sflag:s0] =	ssyncadd.remote.s32 $0x1  }
0xbf: {  	_ =	sfence.sel $0xFFFF  }
0xc0: {  	[dreg:$0x0] =	wrdreg $0xFFFFFFFF;
	(pc) =	sbr.abs _section_cstart, $3  }
0xc1: {  	[dreg:$0x1] =	wrdreg $0xFFFFFFFF  }
0xc2: {  	_ =	task.clear_ibuf [dreg:s7], $0x2FFFF;
	_ =	strace $0x9FFFFFFF  }
0xc3: {  	(tm) =	ssettm $0x7FFFFFFF  }
tec
execute0_lowered:
.L_overlay_start_1:
0x0: {  	(tag) =	ssettag $0x1  }
0x1: {  	s0 =	rddreg [dreg:$0x0]  }
0x2: {  	s1 =	rddreg [dreg:$0x1]  }
0x3: {  	s2 =	rddreg [dreg:$0x2];
	s3 =	simm.s32 $0x0;
	s4 =	srdreg.scid  }
0x4: {  	s15 =	stileid.u32;
	[smem:$0x7FF] =	sst s3;
	s5 =	sadd.s32 $0xD200, s0  }
0x5: {  	s6 =	sadd.s32 $0x3200, s0;
	s4 =	sand.u32 $0x1, s4;
	s8 =	smul.u32 $0x50, s15  }
0x6: {  	s7 =	sadd.s32 $0x35C00, s0;
	s10 =	smul.u32 $0x50000, s15;
	s0 =	sadd.s32 $0x36400, s0  }
0x7: {  	s12 =	smul.u32 $0x14000, s15;
	_ =	strace $0x8000004D;
	s9 =	ssub.s32 $0x2, s4  }
0x8: {  	p0 =	seq.s32 s4, $0x0;
	s4 =	smul.u32 $0x140000, s4;
	s11 =	sshrl.u32 s9, $0x1  }
0x9: {  	s23 =	sshrl.u32 s10, $0x2;
	s24 =	sadd.s32 $0x4000, s12;
	s26 =	sadd.s32 $0x8000, s12  }
0xa: {  	s29 =	sadd.s32 $0xC000, s12;
	s30 =	sadd.s32 $0x10000, s12;
	s9 =	ssub.s32 s9, s11  }
0xb: {  	s11 =	sadd.s32 $0x500, s8;
	s25 =	sadd.s32 s24, s2;
	s13 =	sadd.s32 s26, s2  }
0xc: {  	s14 =	sadd.s32 s29, s2;
	s16 =	sadd.s32 s30, s2;
	[dreg:$0x5] =	wrdreg s25  }
0xd: {  	s12 =	sadd.s32 s12, s4;
	s10 =	sadd.s32 s4, s24;
	[dreg:$0x6] =	wrdreg s13  }
0xe: {  	s18 =	sadd.s32 s4, s29;
	s11 =	smov.u32 @p0 s8;
	[dreg:$0x7] =	wrdreg s14  }
0xf: {  	s8 =	sadd.s32 s23, s2;
	[dreg:$0x8] =	wrdreg s16;
	s12 =	sshrl.u32 s12, $0x3  }
0x10: {  	s10 =	sshrl.u32 s10, $0x3;
	s19 =	sshrl.u32 s18, $0x3;
	s21 =	smax.u32 s9, $0x1  }
0x11: {  	s9 =	simm.s32 $0x1C100;
	s13 =	simm.s32 $0x18000;
	s14 =	simm.s32 $0x2  }
0x12: {  	s18 =	simm.s32 $0x4;
	[dreg:$0x4] =	wrdreg s8;
	s11 =	sshll.u32 s11, $0x4  }
0x13: {  	s12 =	sadd.s32 s0, s12;
	s8 =	sadd.s32 s4, s26;
	s10 =	sadd.s32 s0, s10  }
0x14: {  	s4 =	sadd.s32 s4, s30;
	[dreg:$0x10] =	wrdreg s21;
	s26 =	sshll.u32 s15, $0x6  }
0x15: {  	s15 =	simm.s32 $0x1C080;
	s16 =	sadd.s32 s6, s11;
	[dreg:$0xb] =	wrdreg s12  }
0x16: {  	s17 =	sadd.s32 s1, s11;
	[dreg:$0xc] =	wrdreg s10;
	s8 =	sshrl.u32 s8, $0x3  }
0x17: {  	s4 =	sshrl.u32 s4, $0x3;
	s20 =	sor.u32 $0x10, s11;
	[dreg:$0x15] =	wrdreg s26  }
0x18: {  	s24 =	sadd.s32 $0x4F0, s11;
	s28 =	sor.u32 $0x1C03, s26;
	[dreg:$0x9] =	wrdreg s16  }
0x19: {  	s10 =	simm.s32 $0x80;
	s8 =	sadd.s32 s0, s8;
	[dreg:$0xa] =	wrdreg s17  }
0x1a: {  	s12 =	simm.s32 $0x3;
	s22 =	sadd.s32 s6, s20;
	[dreg:$0xd] =	wrdreg s8  }
0x1b: {  	s23 =	sadd.s32 s1, s20;
	s25 =	sadd.s32 s6, s24;
	[dreg:$0x11] =	wrdreg s22  }
0x1c: {  	s31 =	sadd.s32 $0x40, s16;
	s16 =	simm.s32 $0x1C180;
	[dreg:$0x12] =	wrdreg s23  }
0x1d: {  	s8 =	sadd.s32 s0, s19;
	s0 =	sadd.s32 s0, s4;
	[dreg:$0x13] =	wrdreg s25  }
0x1e: {  	s23 =	sor.u32 $0x20, s11;
	s4 =	simm.s32 $0x1C000;
	[dreg:$0xe] =	wrdreg s8  }
0x1f: {  	s11 =	simm.s32 $0x14000;
	[dreg:$0xf] =	wrdreg s0;
	s0 =	sadd.s32 s1, s24  }
0x20: {  	s19 =	simm.s32 $0x0;
	s29 =	sadd.s32 s6, s23;
	[dreg:$0x14] =	wrdreg s0  }
0x21: {  	s30 =	sadd.s32 s1, s23;
	s8 =	simm.s32 $0x5;
	[dreg:$0x16] =	wrdreg s29  }
0x22: {  	[dreg:$0x17] =	wrdreg s30;
	s0 =	sadd.s32 $0x40, s17;
	s17 =	simm.s32 $0x1  }
.LBB2_1:
0x23: {  	s20 =	rddreg [dreg:$0x4]  }
0x24: {  	s20 =	sshrl.u32 s20, $0x3  }
0x25: {  	[dreg:$0x18] =	wrdreg s20  }
0x26: {  	[spmem:s20], [sflag:s28] =	dma.local [hbm:s7], $0x800  }
0x27: {  	s20 =	rddreg [dreg:$0x5]  }
0x28: {  	s20 =	sshrl.u32 s20, $0x3  }
0x29: {  	[dreg:$0x19] =	wrdreg s20  }
0x2a: {  	[spmem:s20], [sflag:s28] =	dma.local [hbm:s7], $0x800  }
0x2b: {  	s20 =	rddreg [dreg:$0x6]  }
0x2c: {  	s20 =	sshrl.u32 s20, $0x3  }
0x2d: {  	[dreg:$0x1a] =	wrdreg s20  }
0x2e: {  	[spmem:s20], [sflag:s28] =	dma.local [hbm:s7], $0x800  }
0x2f: {  	s20 =	rddreg [dreg:$0x7]  }
0x30: {  	s20 =	sshrl.u32 s20, $0x3  }
0x31: {  	[dreg:$0x1b] =	wrdreg s20  }
0x32: {  	[spmem:s20], [sflag:s28] =	dma.local [hbm:s7], $0x800  }
0x33: {  	s20 =	rddreg [dreg:$0x8]  }
0x34: {  	s25 =	sshrl.u32 s20, $0x3  }
0x35: {  	[spmem:s25], [sflag:s28] =	dma.local [hbm:s7], $0x800  }
0x36: {  	s22 =	rddreg [dreg:$0x9]  }
0x37: {  	[tilespmem:s4], [sflag:$0x5] =	stream.linear.gather [hbm4b:s22+s3], $0x80, $0x38;
	[tilespmem:$0x1C200] =	vst v63  }
0x38: {  	_ =	swait.ge [sflag:s8], $0x80  }
0x39: {  	[sflag:s8] =	ssyncset.done $0x0  }
0x3a: {  	s24 =	rddreg [dreg:$0xa];
	[sflag:s8] =	ssyncadd.s32 $0xFFFFFF80  }
0x3b: {  	[tilespmem:s9], [sflag:$0x5] =	stream.linear.gather [hbm4b:s24+s3], $0x80, $0x38;
	[tilespmem:$0x1C200] =	vst v63  }
0x3c: {  	_ =	swait.ge [sflag:s8], $0x80  }
0x3d: {  	[sflag:s8] =	ssyncset.done $0x0  }
0x3e: {  	[sflag:s8] =	ssyncadd.s32 $0xFFFFFF80  }
0x3f: {  	[tilespmem:s11], [sflag:$0x1] =	stream.indirect.gather [hbm4b:s5+s10], $0x80, s4, s10, $0xb8;
	[tilespmem:$0x1C200] =	vst v63  }
0x40: {  	_ =	swait.ge [sflag:s12], $0x800  }
0x41: {  	[sflag:s12] =	ssyncset.done $0x0  }
0x42: {  	[sflag:s12] =	ssyncadd.s32 $0xFFFFF800  }
0x43: {  	_ =	swait.ge [sflag:s12], $0x800  }
0x44: {  	[sflag:s12] =	ssyncset.done $0x0  }
0x45: {  	[sflag:s12] =	ssyncadd.s32 $0xFFFFF800  }
0x46: {  	_ =	swait.ge [sflag:s12], $0x800  }
0x47: {  	[sflag:s12] =	ssyncset.done $0x0  }
0x48: {  	[sflag:s12] =	ssyncadd.s32 $0xFFFFF800  }
0x49: {  	_ =	swait.ge [sflag:s12], $0x800  }
0x4a: {  	[sflag:s12] =	ssyncset.done $0x0  }
0x4b: {  	[sflag:s12] =	ssyncadd.s32 $0xFFFFF800  }
0x4c: {  	_ =	swait.ge [sflag:s12], $0x800  }
0x4d: {  	[sflag:s12] =	ssyncset.done $0x0  }
0x4e: {  	[sflag:s12] =	ssyncadd.s32 $0xFFFFF800  }
0x4f: {  	[bflag:$0x0] =	sbarrier.arrive $0xFFFF  }
0x50: {  	s26 =	rddreg [dreg:$0x11]  }
0x51: {  	[tilespmem:s15], [sflag:$0x5] =	stream.linear.gather [hbm4b:s26+s3], $0x80, $0x38;
	[tilespmem:$0x1C200] =	vst v63  }
0x52: {  	_ =	swait.ge [sflag:s8], $0x80  }
0x53: {  	[sflag:s8] =	ssyncset.done $0x0  }
0x54: {  	s21 =	rddreg [dreg:$0x12];
	[sflag:s8] =	ssyncadd.s32 $0xFFFFFF80  }
0x55: {  	[tilespmem:s16], [sflag:$0x5] =	stream.linear.gather [hbm4b:s21+s3], $0x80, $0x38;
	[tilespmem:$0x1C200] =	vst v63  }
0x56: {  	_ =	swait.ge [sflag:s8], $0x80  }
0x57: {  	[sflag:s8] =	ssyncset.done $0x0  }
0x58: {  	[sflag:s8] =	ssyncadd.s32 $0xFFFFFF80  }
0x59: {  	[tilespmem:s13], [sflag:$0x2] =	stream.indirect.gather [hbm4b:s5+s10], $0x80, s15, s10, $0xb8;
	[tilespmem:$0x1C200] =	vst v63  }
0x5a: {  	_ =	swait.ge [sflag:s17], $0x4000  }
0x5b: {  	[sflag:s17] =	ssyncset.done $0x0  }
0x5c: {  	[sflag:s17] =	ssyncadd.s32 $0xFFFFC000  }
0x5d: {  	[spmem:s2] =	stream.indirect.scatter.add.f32 [tilespmem:s11], [sflag:$0x3], $0x80, s9, s10, $0xb8;
	[tilespmem:$0x1C200] =	vst v63  }
0x5e: {  	_ =	swait.ge [sflag:s12], $0x4000  }
0x5f: {  	[sflag:s12] =	ssyncset.done $0x0  }
0x60: {  	s22 =	rddreg [dreg:$0x16];
	[sflag:s12] =	ssyncadd.s32 $0xFFFFC000  }
0x61: {  	[tilespmem:s4], [sflag:$0x5] =	stream.linear.gather [hbm4b:s22+s3], $0x80, $0x38;
	[tilespmem:$0x1C200] =	vst v63  }
0x62: {  	_ =	swait.ge [sflag:s8], $0x80  }
0x63: {  	[sflag:s8] =	ssyncset.done $0x0  }
0x64: {  	s24 =	rddreg [dreg:$0x17];
	[sflag:s8] =	ssyncadd.s32 $0xFFFFFF80  }
0x65: {  	[tilespmem:s9], [sflag:$0x5] =	stream.linear.gather [hbm4b:s24+s3], $0x80, $0x38;
	[tilespmem:$0x1C200] =	vst v63  }
0x66: {  	_ =	swait.ge [sflag:s8], $0x80  }
0x67: {  	[sflag:s8] =	ssyncset.done $0x0  }
0x68: {  	[sflag:s8] =	ssyncadd.s32 $0xFFFFFF80  }
0x69: {  	[tilespmem:s11], [sflag:$0x1] =	stream.indirect.gather [hbm4b:s5+s10], $0x80, s4, s10, $0xb8;
	[tilespmem:$0x1C200] =	vst v63  }
0x6a: {  	_ =	swait.ge [sflag:s14], $0x4000  }
0x6b: {  	s29 =	simm.s32 $0x20;
	s26 =	sadd.s32 $0x0, s23;
	[sflag:s14] =	ssyncset.done $0x0  }
0x6c: {  	s20 =	sand.u32 $0xFFFFF80, s26;
	s21 =	sand.u32 $0x60, s29;
	[sflag:s14] =	ssyncadd.s32 $0xFFFFC000  }
0x6d: {  	[spmem:s2] =	stream.indirect.scatter.add.f32 [tilespmem:s13], [sflag:$0x4], $0x80, s16, s10, $0xb8;
	[tilespmem:$0x1C200] =	vst v63  }
0x6e: {  	s20 =	sor.u32 s20, s21;
	_ =	swait.ge [sflag:s18], $0x4000  }
0x6f: {  	s20 =	sor.u32 $0x10, s20;
	[sflag:s18] =	ssyncset.done $0x0  }
0x70: {  	s22 =	sadd.s32 s6, s20;
	[sflag:s18] =	ssyncadd.s32 $0xFFFFC000  }
0x71: {  	[tilespmem:s15], [sflag:$0x5] =	stream.linear.gather [hbm4b:s22+s3], $0x80, $0x38;
	[tilespmem:$0x1C200] =	vst v63  }
0x72: {  	_ =	swait.ge [sflag:s8], $0x80  }
0x73: {  	[sflag:s8] =	ssyncset.done $0x0  }
0x74: {  	s20 =	sadd.s32 s1, s20;
	[sflag:s8] =	ssyncadd.s32 $0xFFFFFF80  }
0x75: {  	[tilespmem:s16], [sflag:$0x5] =	stream.linear.gather [hbm4b:s20+s3], $0x80, $0x38;
	[tilespmem:$0x1C200] =	vst v63  }
0x76: {  	_ =	swait.ge [sflag:s8], $0x80  }
0x77: {  	[sflag:s8] =	ssyncset.done $0x0  }
0x78: {  	[sflag:s8] =	ssyncadd.s32 $0xFFFFFF80  }
0x79: {  	[tilespmem:s13], [sflag:$0x2] =	stream.indirect.gather [hbm4b:s5+s10], $0x80, s15, s10, $0xb8;
	[tilespmem:$0x1C200] =	vst v63  }
0x7a: {  	_ =	swait.ge [sflag:s17], $0x4000  }
0x7b: {  	[sflag:s17] =	ssyncset.done $0x0  }
0x7c: {  	[sflag:s17] =	ssyncadd.s32 $0xFFFFC000  }
0x7d: {  	[spmem:s2] =	stream.indirect.scatter.add.f32 [tilespmem:s11], [sflag:$0x3], $0x80, s9, s10, $0xb8;
	[tilespmem:$0x1C200] =	vst v63  }
0x7e: {  	_ =	swait.ge [sflag:s12], $0x4000  }
0x7f: {  	[sflag:s12] =	ssyncset.done $0x0  }
0x80: {  	s24 =	sadd.s32 $0x0, s31;
	[sflag:s12] =	ssyncadd.s32 $0xFFFFC000  }
0x81: {  	[tilespmem:s4], [sflag:$0x5] =	stream.linear.gather [hbm4b:s24+s3], $0x80, $0x38;
	[tilespmem:$0x1C200] =	vst v63  }
0x82: {  	_ =	swait.ge [sflag:s8], $0x80  }
0x83: {  	[sflag:s8] =	ssyncset.done $0x0  }
0x84: {  	s26 =	sadd.s32 $0x0, s0;
	[sflag:s8] =	ssyncadd.s32 $0xFFFFFF80  }
0x85: {  	[tilespmem:s9], [sflag:$0x5] =	stream.linear.gather [hbm4b:s26+s3], $0x80, $0x38;
	[tilespmem:$0x1C200] =	vst v63  }
0x86: {  	_ =	swait.ge [sflag:s8], $0x80  }
0x87: {  	[sflag:s8] =	ssyncset.done $0x0  }
0x88: {  	[sflag:s8] =	ssyncadd.s32 $0xFFFFFF80  }
0x89: {  	[tilespmem:s11], [sflag:$0x1] =	stream.indirect.gather [hbm4b:s5+s10], $0x80, s4, s10, $0xb8;
	[tilespmem:$0x1C200] =	vst v63  }
0x8a: {  	_ =	swait.ge [sflag:s14], $0x4000  }
0x8b: {  	s26 =	simm.s32 $0x40;
	[sflag:s14] =	ssyncset.done $0x0  }
0x8c: {  	s30 =	sadd.s32 $0x20, s23;
	s20 =	sand.u32 $0x60, s26;
	[sflag:s14] =	ssyncadd.s32 $0xFFFFC000  }
.LBB2_2:
0x8d: {  	[spmem:s2] =	stream.indirect.scatter.add.f32 [tilespmem:s13], [sflag:$0x4], $0x80, s16, s10, $0xb8;
	[tilespmem:$0x1C200] =	vst v63  }
0x8e: {  	s22 =	smov.u32 s26  }
0x8f: {  	s24 =	sand.u32 $0xFFFFF80, s30;
	s30 =	sadd.s32 s26, s23;
	_ =	swait.ge [sflag:s18], $0x4000  }
0x90: {  	s21 =	sadd.s32 $0x20, s26;
	s20 =	sor.u32 s24, s20;
	[sflag:s18] =	ssyncset.done $0x0  }
0x91: {  	p0 =	sne.s32 s26, $0x4A0;
	s20 =	sor.u32 $0x10, s20;
	[sflag:s18] =	ssyncadd.s32 $0xFFFFC000  }
0x92: {  	s24 =	sadd.s32 s6, s20  }
0x93: {  	[tilespmem:s15], [sflag:$0x5] =	stream.linear.gather [hbm4b:s24+s3], $0x80, $0x38;
	[tilespmem:$0x1C200] =	vst v63  }
0x94: {  	_ =	swait.ge [sflag:s8], $0x80  }
0x95: {  	[sflag:s8] =	ssyncset.done $0x0  }
0x96: {  	s20 =	sadd.s32 s1, s20;
	[sflag:s8] =	ssyncadd.s32 $0xFFFFFF80  }
0x97: {  	[tilespmem:s16], [sflag:$0x5] =	stream.linear.gather [hbm4b:s20+s3], $0x80, $0x38;
	[tilespmem:$0x1C200] =	vst v63  }
0x98: {  	_ =	swait.ge [sflag:s8], $0x80  }
0x99: {  	[sflag:s8] =	ssyncset.done $0x0  }
0x9a: {  	[sflag:s8] =	ssyncadd.s32 $0xFFFFFF80  }
0x9b: {  	[tilespmem:s13], [sflag:$0x2] =	stream.indirect.gather [hbm4b:s5+s10], $0x80, s15, s10, $0xb8;
	[tilespmem:$0x1C200] =	vst v63  }
0x9c: {  	_ =	swait.ge [sflag:s17], $0x4000  }
0x9d: {  	[sflag:s17] =	ssyncset.done $0x0  }
0x9e: {  	[sflag:s17] =	ssyncadd.s32 $0xFFFFC000  }
0x9f: {  	[spmem:s2] =	stream.indirect.scatter.add.f32 [tilespmem:s11], [sflag:$0x3], $0x80, s9, s10, $0xb8;
	[tilespmem:$0x1C200] =	vst v63  }
0xa0: {  	_ =	swait.ge [sflag:s12], $0x4000  }
0xa1: {  	[sflag:s12] =	ssyncset.done $0x0  }
0xa2: {  	s20 =	sadd.s32 s29, s31;
	[sflag:s12] =	ssyncadd.s32 $0xFFFFC000  }
0xa3: {  	[tilespmem:s4], [sflag:$0x5] =	stream.linear.gather [hbm4b:s20+s3], $0x80, $0x38;
	[tilespmem:$0x1C200] =	vst v63  }
0xa4: {  	_ =	swait.ge [sflag:s8], $0x80  }
0xa5: {  	[sflag:s8] =	ssyncset.done $0x0  }
0xa6: {  	s20 =	sadd.s32 s29, s0;
	s29 =	smov.u32 s22;
	[sflag:s8] =	ssyncadd.s32 $0xFFFFFF80  }
0xa7: {  	[tilespmem:s9], [sflag:$0x5] =	stream.linear.gather [hbm4b:s20+s3], $0x80, $0x38;
	[tilespmem:$0x1C200] =	vst v63  }
0xa8: {  	_ =	swait.ge [sflag:s8], $0x80  }
0xa9: {  	[sflag:s8] =	ssyncset.done $0x0  }
.Ltmp0:
0xaa: {  	[sflag:s8] =	ssyncadd.s32 $0xFFFFFF80;
	(pc) =	sbr.rel @p0 .LBB2_2-.Ltmp0, $4  }
0xab: {  	[tilespmem:s11], [sflag:$0x1] =	stream.indirect.gather [hbm4b:s5+s10], $0x80, s4, s10, $0xb8;
	[tilespmem:$0x1C200] =	vst v63  }
0xac: {  	_ =	swait.ge [sflag:s14], $0x4000  }
0xad: {  	[sflag:s14] =	ssyncset.done $0x0  }
0xae: {  	s26 =	smov.u32 s21;
	s20 =	sand.u32 $0x60, s21;
	[sflag:s14] =	ssyncadd.s32 $0xFFFFC000  }
0xaf: {  	[spmem:s2] =	stream.indirect.scatter.add.f32 [tilespmem:s13], [sflag:$0x4], $0x80, s16, s10, $0xb8;
	[tilespmem:$0x1C200] =	vst v63  }
0xb0: {  	s21 =	sand.u32 $0xFFFFF80, s30  }
0xb1: {  	_ =	swait.ge [sflag:s18], $0x4000;
	s20 =	sor.u32 s21, s20  }
0xb2: {  	[sflag:s18] =	ssyncset.done $0x0;
	s20 =	sor.u32 $0x10, s20  }
0xb3: {  	[sflag:s18] =	ssyncadd.s32 $0xFFFFC000;
	s26 =	sadd.s32 s6, s20  }
0xb4: {  	[tilespmem:s15], [sflag:$0x5] =	stream.linear.gather [hbm4b:s26+s3], $0x80, $0x38;
	[tilespmem:$0x1C200] =	vst v63  }
0xb5: {  	_ =	swait.ge [sflag:s8], $0x80  }
0xb6: {  	[sflag:s8] =	ssyncset.done $0x0  }
0xb7: {  	s20 =	sadd.s32 s1, s20;
	[sflag:s8] =	ssyncadd.s32 $0xFFFFFF80  }
0xb8: {  	[tilespmem:s16], [sflag:$0x5] =	stream.linear.gather [hbm4b:s20+s3], $0x80, $0x38;
	[tilespmem:$0x1C200] =	vst v63  }
0xb9: {  	_ =	swait.ge [sflag:s8], $0x80  }
0xba: {  	[sflag:s8] =	ssyncset.done $0x0  }
0xbb: {  	[sflag:s8] =	ssyncadd.s32 $0xFFFFFF80  }
0xbc: {  	[tilespmem:s13], [sflag:$0x2] =	stream.indirect.gather [hbm4b:s5+s10], $0x80, s15, s10, $0xb8;
	[tilespmem:$0x1C200] =	vst v63  }
0xbd: {  	_ =	swait.ge [sflag:s17], $0x4000  }
0xbe: {  	[sflag:s17] =	ssyncset.done $0x0  }
0xbf: {  	[sflag:s17] =	ssyncadd.s32 $0xFFFFC000  }
0xc0: {  	[spmem:s2] =	stream.indirect.scatter.add.f32 [tilespmem:s11], [sflag:$0x3], $0x80, s9, s10, $0xb8;
	[tilespmem:$0x1C200] =	vst v63  }
0xc1: {  	_ =	swait.ge [sflag:s12], $0x4000  }
0xc2: {  	[sflag:s12] =	ssyncset.done $0x0  }
0xc3: {  	s30 =	sadd.s32 s29, s31;
	[sflag:s12] =	ssyncadd.s32 $0xFFFFC000  }
0xc4: {  	[tilespmem:s4], [sflag:$0x5] =	stream.linear.gather [hbm4b:s30+s3], $0x80, $0x38;
	[tilespmem:$0x1C200] =	vst v63  }
0xc5: {  	_ =	swait.ge [sflag:s8], $0x80  }
0xc6: {  	[sflag:s8] =	ssyncset.done $0x0  }
0xc7: {  	s21 =	sadd.s32 s29, s0;
	[sflag:s8] =	ssyncadd.s32 $0xFFFFFF80  }
0xc8: {  	[tilespmem:s9], [sflag:$0x5] =	stream.linear.gather [hbm4b:s21+s3], $0x80, $0x38;
	[tilespmem:$0x1C200] =	vst v63  }
0xc9: {  	_ =	swait.ge [sflag:s8], $0x80  }
0xca: {  	[sflag:s8] =	ssyncset.done $0x0  }
0xcb: {  	[sflag:s8] =	ssyncadd.s32 $0xFFFFFF80  }
0xcc: {  	[tilespmem:s11], [sflag:$0x1] =	stream.indirect.gather [hbm4b:s5+s10], $0x80, s4, s10, $0xb8;
	[tilespmem:$0x1C200] =	vst v63  }
0xcd: {  	_ =	swait.ge [sflag:s14], $0x4000  }
0xce: {  	[sflag:s14] =	ssyncset.done $0x0  }
0xcf: {  	[sflag:s14] =	ssyncadd.s32 $0xFFFFC000  }
0xd0: {  	[spmem:s2] =	stream.indirect.scatter.add.f32 [tilespmem:s13], [sflag:$0x4], $0x80, s16, s10, $0xb8;
	[tilespmem:$0x1C200] =	vst v63  }
0xd1: {  	_ =	swait.ge [sflag:s18], $0x4000  }
0xd2: {  	[sflag:s18] =	ssyncset.done $0x0  }
0xd3: {  	s22 =	rddreg [dreg:$0x13];
	[sflag:s18] =	ssyncadd.s32 $0xFFFFC000  }
0xd4: {  	[tilespmem:s15], [sflag:$0x5] =	stream.linear.gather [hbm4b:s22+s3], $0x80, $0x38;
	[tilespmem:$0x1C200] =	vst v63  }
0xd5: {  	_ =	swait.ge [sflag:s8], $0x80  }
0xd6: {  	[sflag:s8] =	ssyncset.done $0x0  }
0xd7: {  	s24 =	rddreg [dreg:$0x14];
	[sflag:s8] =	ssyncadd.s32 $0xFFFFFF80  }
0xd8: {  	[tilespmem:s16], [sflag:$0x5] =	stream.linear.gather [hbm4b:s24+s3], $0x80, $0x38;
	[tilespmem:$0x1C200] =	vst v63  }
0xd9: {  	_ =	swait.ge [sflag:s8], $0x80  }
0xda: {  	[sflag:s8] =	ssyncset.done $0x0  }
0xdb: {  	[sflag:s8] =	ssyncadd.s32 $0xFFFFFF80  }
0xdc: {  	[tilespmem:s13], [sflag:$0x2] =	stream.indirect.gather [hbm4b:s5+s10], $0x80, s15, s10, $0xb8;
	[tilespmem:$0x1C200] =	vst v63  }
0xdd: {  	_ =	swait.ge [sflag:s17], $0x4000  }
0xde: {  	[sflag:s17] =	ssyncset.done $0x0  }
0xdf: {  	[sflag:s17] =	ssyncadd.s32 $0xFFFFC000  }
0xe0: {  	[spmem:s2] =	stream.indirect.scatter.add.f32 [tilespmem:s11], [sflag:$0x3], $0x80, s9, s10, $0xb8;
	[tilespmem:$0x1C200] =	vst v63  }
0xe1: {  	_ =	swait.ge [sflag:s12], $0x4000  }
0xe2: {  	[sflag:s12] =	ssyncset.done $0x0  }
0xe3: {  	[sflag:s12] =	ssyncadd.s32 $0xFFFFC000  }
0xe4: {  	_ =	swait.ge [sflag:s14], $0x4000  }
0xe5: {  	[sflag:s14] =	ssyncset.done $0x0  }
0xe6: {  	[sflag:s14] =	ssyncadd.s32 $0xFFFFC000  }
0xe7: {  	[spmem:s2] =	stream.indirect.scatter.add.f32 [tilespmem:s13], [sflag:$0x4], $0x80, s16, s10, $0xb8;
	[tilespmem:$0x1C200] =	vst v63  }
0xe8: {  	_ =	swait.ge [sflag:s18], $0x4000  }
0xe9: {  	[sflag:s18] =	ssyncset.done $0x0  }
0xea: {  	[sflag:s18] =	ssyncadd.s32 $0xFFFFC000  }
0xeb: {  	[bflag:$0x0] =	sbarrier.arrive $0xFFFF  }
0xec: {  	s26 =	rddreg [dreg:$0x15]  }
0xed: {  	s29 =	rddreg [dreg:$0xb]  }
0xee: {  	s22 =	rddreg [dreg:$0x18];
	s20 =	sor.u32 $0x1C01, s26  }
0xef: {  	[hbm:s29], [sflag:s20] =	dma.local [spmem:s22], $0x800  }
0xf0: {  	s21 =	rddreg [dreg:$0xc]  }
0xf1: {  	s22 =	rddreg [dreg:$0x19]  }
0xf2: {  	[hbm:s21], [sflag:s20] =	dma.local [spmem:s22], $0x800  }
0xf3: {  	s21 =	rddreg [dreg:$0xd]  }
0xf4: {  	s22 =	rddreg [dreg:$0x1a]  }
0xf5: {  	[hbm:s21], [sflag:s20] =	dma.local [spmem:s22], $0x800  }
0xf6: {  	s21 =	rddreg [dreg:$0xe]  }
0xf7: {  	s22 =	rddreg [dreg:$0x1b]  }
0xf8: {  	[hbm:s21], [sflag:s20] =	dma.local [spmem:s22], $0x800  }
0xf9: {  	s21 =	rddreg [dreg:$0xf]  }
0xfa: {  	[hbm:s21], [sflag:s20] =	dma.local [spmem:s25], $0x800  }
0xfb: {  	_ =	swait.ge [sflag:s17], $0x800  }
0xfc: {  	[sflag:s17] =	ssyncset.done $0x0  }
0xfd: {  	[sflag:s17] =	ssyncadd.s32 $0xFFFFF800  }
0xfe: {  	_ =	swait.ge [sflag:s17], $0x800  }
0xff: {  	[sflag:s17] =	ssyncset.done $0x0  }
0x100: {  	[sflag:s17] =	ssyncadd.s32 $0xFFFFF800  }
0x101: {  	_ =	swait.ge [sflag:s17], $0x800  }
0x102: {  	[sflag:s17] =	ssyncset.done $0x0  }
0x103: {  	[sflag:s17] =	ssyncadd.s32 $0xFFFFF800  }
0x104: {  	_ =	swait.ge [sflag:s17], $0x800  }
0x105: {  	[sflag:s17] =	ssyncset.done $0x0  }
0x106: {  	[sflag:s17] =	ssyncadd.s32 $0xFFFFF800  }
0x107: {  	_ =	swait.ge [sflag:s17], $0x800  }
0x108: {  	s19 =	sadd.s32 $0x1, s19;
	s30 =	rddreg [dreg:$0x10]  }
0x109: {  	p0 =	sne.s32 s19, s30  }
.Ltmp1:
0x10a: {  	_ = 	snop;
	(pc) =	sbr.rel @p0 .LBB2_1-.Ltmp1, $3  }
0x10b: {  	_ =	sdelay $0x1  }
0x10c: {  	[sflag:s17] =	ssyncset.done $0x0  }
0x10d: {  	[sflag:s17] =	ssyncadd.s32 $0xFFFFF800  }
0x10e: {  	_ =	sfence.sel $0x180000  }
0x10f: {  	[bflag:$0x0] =	sbarrier.arrive $0xFFFF  }
0x110: {  	_ =	strace $0x9000004D  }
0x111: {  	s0 =	stileid.u32;
	[bflag:$0x2] =	sbarrier.arrive $0xFFFF  }
0x112: {  	p0 =	sne.s32 s0, $0x0;
	s0 =	rddreg [dreg:$0x3]  }
0x113: {  	s0 =	sadd.s32 @!p0 $0x100000, s0  }
0x114: {  	[sflag:s0] =	ssyncadd.tile.s32 @!p0 $0x1;
	_ =	shalt  }
.Lfunc_end2:
_tile_overlayer_lowered:
.L_overlay_start_2:
0x115: {  	(tag) =	ssettag $0x2  }
0x116: {  	s0 =	rddreg [dreg:$0x0];
	s2 =	stileid.u32  }
0x117: {  	s1 =	rddreg [dreg:$0x1];
	p0 =	sne.s32 s2, $0x0  }
0x118: {  	s3 =	rddreg [dreg:$0x2];
	[bflag:$0x3] =	sbarrier.arrive $0xFFFF;
	s2 =	simm.s32 @!p0 $0x1C05  }
0x119: {  	[timem:s3], [sflag:s2] =	dma.local @!p0 [hbm:s0], s1  }
0x11a: {  	s0 =	simm.s32 @!p0 $0x5  }
0x11b: {  	_ =	swait.ge @!p0 [sflag:s0], s1  }
0x11c: {  	s1 =	ssub.s32 @!p0 $0x0, s1;
	[sflag:s0] =	ssyncset.done @!p0 $0x0  }
0x11d: {  	[sflag:s0] =	ssyncadd.s32 @!p0 s1  }
0x11e: {  	[bflag:$0x3] =	sbarrier.arrive $0xFFFF  }
0x11f: {  	_ =	shalt  }

// kernel: sage_sc_deg.3.cloned.1.call-start
scs
__scs_entry_jumppad:
0x0: {  	(pc) =	sbr.rel $0x88, $3  }
0x1: {  	(tag) =	ssettag $0x0;
	lr =	simm.s32 $0x1  }
0x2: {  	[smem:$0x3F99] =	sst lr;
	_ =	strace $0xD0000000  }
0x3: {  	_ = 	snop  }
0x4: {  	_ = 	snop  }
0x5: {  	_ = 	snop  }
0x6: {  	_ = 	snop  }
0x7: {  	_ = 	snop  }
__scs_overlays_trampoline_lowered:
0x8: {  	[smem:$0x3FA8] =	sst s0  }
0x9: {  	[smem:$0x3FA9] =	sst s1  }
0xa: {  	[smem:$0x3FAA] =	sst s2  }
0xb: {  	[smem:$0x3FAB] =	sst s3  }
0xc: {  	[smem:$0x3FAC] =	sst s4  }
0xd: {  	[smem:$0x3FAD] =	sst s5  }
0xe: {  	[smem:$0x3FAE] =	sst s6  }
0xf: {  	[smem:$0x3FAF] =	sst s7  }
0x10: {  	[smem:$0x3FB0] =	sst s8  }
0x11: {  	[smem:$0x3FB1] =	sst s9;
	s0 =	simm.s32 @!p0 $0x0  }
0x12: {  	s1 =	sld [smem:$0x3F97];
	s0 =	simm.s32 @p0 $0x1  }
0x13: {  	[smem:$0x3FB2] =	sst s0;
	s0 =	simm.s32 @!p1 $0x0  }
0x14: {  	s2 =	sld [smem:$0x3F96];
	s0 =	simm.s32 @p1 $0x1  }
0x15: {  	[smem:$0x3FB3] =	sst s0;
	s0 =	simm.s32 @!p2 $0x0  }
0x16: {  	s3 =	sld [smem:$0x3FDB];
	s0 =	simm.s32 @p2 $0x1  }
0x17: {  	s4 =	simm.s32 $0x1BF5;
	[smem:$0x3FB5] =	sst s0  }
0x18: {  	s0 =	sld [smem:$0x3F98];
	_ =	swait.ge [sflag:s4], $0x0  }
0x19: {  	s7 =	sld [smem:$0x3F99]  }
0x1a: {  	s8 =	sadd.s32 $0xFFFFE003, lr  }
0x1b: {  	s9 =	sadd.s32 $0xFFFFFEF7, lr;
	s5 =	simm.s32 $0xFFFFFFFF;
	p2 =	slt.u32 s8, $0xFFFFF086  }
0x1c: {  	p1 =	slt.u32 s9, $0xF7A;
	s5 =	simm.s32 @!p2 $0x0  }
0x1d: {  	s5 =	simm.s32 @p1 $0x1;
	p0 =	seq.s32 s7, s2  }
0x1e: {  	s7 =	smul.u32 @!p0 $0xF7A, s2;
	p2 =	seq.s32 @!p0 s5, $0x0  }
0x1f: {  	s9 =	smul.u32 $0xF7A, s1;
	s8 =	simm.s32 @!p0 $0x1BF5;
	p2 =	por !p2, p0  }
0x20: {  	[sflag:s8] =	ssyncset.s32 @!p0 $0xFFFFF086;
	s6 =	sadd.s32 @!p0 s3, s7;
	s7 =	simm.s32 @!p0 $0x108  }
0x21: {  	s3 =	sadd.s32 s3, s9;
	s6 =	sadd.s32 @!p0 $0x88, s6;
	s7 =	simm.s32 @p2 $0x1082  }
0x22: {  	[simem:s7], [sflag:s8] =	dma.local @!p0 [hbm:s6], $0xF7A  }
0x23: {  	s9 =	sor.u32 $0xD0000000, s2;
	s6 =	simm.s32 $0x108;
	_ =	swait.ge @!p0 [sflag:s8], $0x0  }
0x24: {  	s3 =	sadd.s32 $0x88, s3;
	s6 =	simm.s32 @!p1 $0x1082;
	[sflag:s4] =	ssyncset.s32 $0xFFFFF086  }
0x25: {  	[simem:s6], [sflag:s4] =	dma.local [hbm:s3], $0xF7A  }
0x26: {  	[smem:$0x3F99] =	sst s1;
	(tag) =	ssettag s2;
	_ =	strace s9  }
0x27: {  	s1 =	sld [smem:$0x3FA9]  }
0x28: {  	s2 =	sld [smem:$0x3FAA]  }
0x29: {  	s4 =	sld [smem:$0x3FAC]  }
0x2a: {  	p0 =	seq.s32 s5, $0x0;
	s5 =	sld [smem:$0x3FAD]  }
0x2b: {  	s6 =	sld [smem:$0x3FAE]  }
0x2c: {  	s7 =	sld [smem:$0x3FAF]  }
0x2d: {  	s3 =	simm.s32 $0x108;
	s8 =	sld [smem:$0x3FB0]  }
0x2e: {  	s3 =	simm.s32 @!p0 $0x1082;
	s9 =	sld [smem:$0x3FB1]  }
0x2f: {  	lr =	sadd.s32 s0, s3;
	s0 =	sld [smem:$0x3FA8]  }
0x30: {  	s3 =	sld [smem:$0x3FAB]  }
0x31: {  	[smem:$0x3FB4] =	sst s10  }
0x32: {  	s10 =	sld [smem:$0x3FB2];
	_ =	sdelay $0x3  }
0x33: {  	p0 =	seq.s32 s10, $0x1;
	s10 =	sld [smem:$0x3FB4];
	_ =	sdelay $0x3  }
0x34: {  	[smem:$0x3FB4] =	sst s10  }
0x35: {  	s10 =	sld [smem:$0x3FB3];
	_ =	sdelay $0x3  }
0x36: {  	p1 =	seq.s32 s10, $0x1;
	s10 =	sld [smem:$0x3FB4];
	_ =	sdelay $0x3  }
0x37: {  	[smem:$0x3FB4] =	sst s10  }
0x38: {  	s10 =	sld [smem:$0x3FB5]  }
0x39: {  	_ = 	snop;
	(pc) =	sbr.ind lr, $3  }
0x3a: {  	_ = 	snop  }
0x3b: {  	_ = 	snop  }
0x3c: {  	p2 =	seq.s32 s10, $0x1;
	s10 =	sld [smem:$0x3FB4]  }
0x3d: {  	_ =	shalt  }
0x3e: {  	_ =	shalt  }
0x3f: {  	_ =	shalt  }
0x40: {  	_ =	shalt  }
0x41: {  	_ =	shalt  }
0x42: {  	_ =	shalt  }
0x43: {  	_ =	shalt  }
0x44: {  	_ =	shalt  }
0x45: {  	_ =	shalt  }
0x46: {  	_ =	shalt  }
0x47: {  	_ =	shalt  }
0x48: {  	_ =	shalt  }
0x49: {  	_ =	shalt  }
0x4a: {  	_ =	shalt  }
0x4b: {  	_ =	shalt  }
0x4c: {  	_ =	shalt  }
0x4d: {  	_ =	shalt  }
0x4e: {  	_ =	shalt  }
0x4f: {  	_ =	shalt  }
0x50: {  	_ =	shalt  }
0x51: {  	_ =	shalt  }
0x52: {  	_ =	shalt  }
0x53: {  	_ =	shalt  }
0x54: {  	_ =	shalt  }
0x55: {  	_ =	shalt  }
0x56: {  	_ =	shalt  }
0x57: {  	_ =	shalt  }
0x58: {  	_ =	shalt  }
0x59: {  	_ =	shalt  }
0x5a: {  	_ =	shalt  }
0x5b: {  	_ =	shalt  }
0x5c: {  	_ =	shalt  }
0x5d: {  	_ =	shalt  }
0x5e: {  	_ =	shalt  }
0x5f: {  	_ =	shalt  }
0x60: {  	_ =	shalt  }
0x61: {  	_ =	shalt  }
0x62: {  	_ =	shalt  }
0x63: {  	_ =	shalt  }
0x64: {  	_ =	shalt  }
0x65: {  	_ =	shalt  }
0x66: {  	_ =	shalt  }
0x67: {  	_ =	shalt  }
0x68: {  	_ =	shalt  }
0x69: {  	_ =	shalt  }
0x6a: {  	_ =	shalt  }
0x6b: {  	_ =	shalt  }
0x6c: {  	_ =	shalt  }
0x6d: {  	_ =	shalt  }
0x6e: {  	_ =	shalt  }
0x6f: {  	_ =	shalt  }
0x70: {  	_ =	shalt  }
0x71: {  	_ =	shalt  }
0x72: {  	_ =	shalt  }
0x73: {  	_ =	shalt  }
0x74: {  	_ =	shalt  }
0x75: {  	_ =	shalt  }
0x76: {  	_ =	shalt  }
0x77: {  	_ =	shalt  }
0x78: {  	_ =	shalt  }
0x79: {  	_ =	shalt  }
0x7a: {  	_ =	shalt  }
0x7b: {  	_ =	shalt  }
0x7c: {  	_ =	shalt  }
0x7d: {  	_ =	shalt  }
0x7e: {  	_ =	shalt  }
0x7f: {  	_ =	shalt  }
0x80: {  	_ =	shalt  }
0x81: {  	_ =	shalt  }
0x82: {  	_ =	shalt  }
0x83: {  	_ =	shalt  }
0x84: {  	_ =	shalt  }
0x85: {  	_ =	shalt  }
0x86: {  	_ =	shalt  }
0x87: {  	_ =	shalt  }
.Lfunc_end0:
.L_simem_size_0:
called_computation_lowered:
.L_overlay_start_0:
0x88: {  	s2 =	sld [smem:$0x3FD9]  }
0x89: {  	s3 =	sld [smem:$0x3FFE];
	_ =	sdelay $0x1  }
0x8a: {  	s1 =	srdreg.scid  }
0x8b: {  	s0 =	sand.u32 $0x1, s1  }
0x8c: {  	s17 =	sshll.u32 s0, $0xA;
	s2 =	sadd.s32 s3, s2  }
0x8d: {  	s2 =	sadd.s32 s2, s17  }
0x8e: {  	[smem:$0x3FC0] =	sst s2  }
0x8f: {  	_ = 	snop  }
0x90: {  	s2 =	sld [smem:$0x3FD0];
	(tm) =	ssettm $0x1  }
0x91: {  	s18 =	sld [smem:$0x3FFB];
	_ =	sdelay $0x3  }
0x92: {  	_ =	strace s18  }
0x93: {  	s3 =	sld [smem:$0x3FFC];
	_ =	sdelay $0x3  }
0x94: {  	_ =	strace s3  }
0x95: {  	s3 =	sld [smem:$0x3FFD];
	_ =	sdelay $0x3  }
0x96: {  	_ =	strace s3  }
0x97: {  	_ =	strace $0x8FFFFFFF  }
0x98: {  	s19 =	sld [smem:$0x3FDB];
	_ =	sdelay $0x1  }
0x99: {  	s4 =	simm.s32 $_scs_section_size  }
0x9a: {  	s5 =	simm.s32 $_size__tile_overlayer_lowered;
	s6 =	simm.s32 $_tile_overlayer_lowered  }
0x9b: {  	s22 =	simm.s32 $0x1BFF;
	s21 =	sshll.u32 s6, $0x1;
	s3 =	sadd.s32 s4, s19  }
0x9c: {  	s7 =	simm.s32 $0x0;
	s20 =	sshll.u32 s5, $0x1;
	s5 =	sadd.s32 s21, s3  }
0x9d: {  	[timem:s7], [sflag:s22] =	dma.local [hbm:s5], s20  }
0x9e: {  	_ =	swait.ge [sflag:s22], s20  }
0x9f: {  	s4 =	ssub.s32 $0x0, s20;
	[sflag:s22] =	ssyncset.done $0x0  }
0xa0: {  	[sflag:s22] =	ssyncadd.s32 s4;
	_ =	sdelay $0x1  }
0xa1: {  	s23 =	simm.s32 $0x1B8B  }
0xa2: {  	_ =	swait.ge [sflag:s23], $0x1  }
0xa3: {  	[sflag:s23] =	ssyncset.done $0x0  }
0xa4: {  	s25 =	simm.s32 $0x1B8E;
	s24 =	sld [smem:$0x3FFE];
	[sflag:s23] =	ssyncadd.s32 $0xFFFFFFFF  }
0xa5: {  	s26 =	simm.s32 $execute0_lowered;
	[smem:$0x3FD2] =	sst s25  }
0xa6: {  	s5 =	sshll.u32 s26, $0x1;
	_ =	strace $0x80000046;
	[dreg:$0x1] =	wrdreg $0xFFFFFFFF  }
0xa7: {  	s28 =	simm.s32 $_size_execute0_lowered;
	s3 =	sadd.s32 s3, s5;
	[dreg:$0x0] =	wrdreg $0x0  }
0xa8: {  	s5 =	sshll.u32 s28, $0x1;
	[dreg:$0x2] =	wrdreg s3  }
0xa9: {  	[dreg:$0x3] =	wrdreg s5  }
0xaa: {  	[dreg:$0x4] =	wrdreg $0xC0  }
0xab: {  	_ =	task [dreg:s7], $0x5FFFF  }
0xac: {  	[dreg:$0x1] =	wrdreg $0xFFFFFFFF  }
0xad: {  	[dreg:$0x0] =	wrdreg $0x60  }
0xae: {  	[dreg:$0x2] =	wrdreg s2  }
0xaf: {  	[dreg:$0x3] =	wrdreg s24  }
0xb0: {  	[dreg:$0x4] =	wrdreg $0x0  }
0xb1: {  	[dreg:$0x5] =	wrdreg $0x9  }
0xb2: {  	_ =	task.clear_ibuf [dreg:s7], $0x6FFFF;
	_ =	strace $0x90000046  }
0xb3: {  	s29 =	simm.s32 $0x9;
	_ =	strace $0x80000048  }
0xb4: {  	_ =	swait.ge [sflag:s29], $0x1  }
0xb5: {  	[sflag:s29] =	ssyncadd.s32 $0xFFFFFFFF  }
0xb6: {  	_ =	strace $0x90000048  }
0xb7: {  	_ =	sfence  }
0xb8: {  	s30 =	sld [smem:$0x0];
	_ =	sdelay $0x2  }
0xb9: {  	s31 =	sshll.u32 s1, $0xD;
	s1 =	sshrl.u32 s1, $0x2  }
0xba: {  	s3 =	sand.u32 $0x4000, s31;
	s1 =	sadd.s32 s1, s30  }
0xbb: {  	s0 =	sor.u32 s3, s0;
	s1 =	sshll.u32 s1, $0x11  }
0xbc: {  	s0 =	sor.u32 s1, s0  }
0xbd: {  	s0 =	sadd.s32 $0x8F2B, s0  }
0xbe: {  	[sflag:s0] =	ssyncadd.remote.s32 $0x1  }
0xbf: {  	_ =	sfence.sel $0xFFFF  }
0xc0: {  	[dreg:$0x0] =	wrdreg $0xFFFFFFFF;
	(pc) =	sbr.abs _section_cstart, $3  }
0xc1: {  	[dreg:$0x1] =	wrdreg $0xFFFFFFFF  }
0xc2: {  	_ =	task.clear_ibuf [dreg:s7], $0x2FFFF;
	_ =	strace $0x9FFFFFFF  }
0xc3: {  	(tm) =	ssettm $0x7FFFFFFF  }
tec
execute0_lowered:
.L_overlay_start_1:
0x0: {  	(tag) =	ssettag $0x1  }
0x1: {  	s3 =	rddreg [dreg:$0x0]  }
0x2: {  	s4 =	rddreg [dreg:$0x1];
	s1 =	srdreg.scid  }
0x3: {  	s0 =	stileid.u32;
	s5 =	rddreg [dreg:$0x2]  }
0x4: {  	s2 =	simm.s32 $0x0;
	s11 =	simm.s32 $0x80;
	s12 =	simm.s32 $0x400  }
0x5: {  	s13 =	simm.s32 $0x1400;
	s14 =	simm.s32 $0x14000;
	s15 =	simm.s32 $0x7800  }
0x6: {  	s16 =	simm.s32 $0x100;
	s6 =	sand.u32 $0x1, s1;
	s1 =	rddreg [dreg:$0x3]  }
0x7: {  	s17 =	simm.s32 $0xA000;
	s7 =	smul.u32 $0x500, s0;
	[smem:$0x7FF] =	sst s2  }
0x8: {  	s28 =	sshrl.u32 s0, $0x3;
	s10 =	sshll.u32 s0, $0x1;
	s30 =	smul.u32 $0x5000, s0  }
0x9: {  	s31 =	sshll.u32 s0, $0x7;
	s8 =	sshll.u32 s6, $0x7;
	_ =	strace $0x80000047  }
0xa: {  	s26 =	ssub.s32 $0x2, s6;
	s29 =	sor.u32 s6, s10;
	s10 =	sand.u32 $0x380, s31  }
0xb: {  	s7 =	sor.u32 s8, s7;
	s9 =	sshrl.u32 s26, $0x1;
	s8 =	smul.u32 $0x50000, s28  }
0xc: {  	s6 =	sshrl.u32 s30, $0x2;
	s7 =	sshrl.u32 s7, $0x3;
	s9 =	ssub.s32 s26, s9  }
0xd: {  	s7 =	sadd.s32 s7, s4;
	s4 =	smul.u32 $0x500, s29;
	s8 =	sshrl.u32 s8, $0x2  }
0xe: {  	s8 =	sadd.s32 s8, s5;
	s5 =	sadd.s32 s6, s5;
	s6 =	sadd.s32 $0xD200, s7  }
0xf: {  	s7 =	smax.u32 s9, $0x1;
	s9 =	simm.s32 $0x1;
	s3 =	sadd.s32 s3, s4  }
0x10: {  	v0 =	vimm.f32 $0.0e+00;
	v1 =	vimm.f32 $1.000000000e+00;
	s4 =	sadd.s32 s10, s8;
	s8 =	simm.s32 $0x5000;
	s10 =	simm.s32 $0x2800  }
.LBB2_1:
0x11: {  	s18 =	simm.s32 $0x40;
	s19 =	simm.s32 $0x0  }
.LBB2_2:
0x12: {  	p0 =	sne.s32 s18, $0x9FC0;
	[tilespmem:s19+$0x2800] =	vst v0;
	s19 =	smov.u32 s18;
	s18 =	sadd.s32 $0x40, s18  }
.Ltmp0:
0x13: {  	(pc) =	sbr.rel @p0 .LBB2_2-.Ltmp0, $2  }
0x14: {  	_ =	sdelay $0x2  }
0x15: {  	s19 =	sshra.s32 s19, $0x2  }
0x16: {  	[tilespmem:s19+$0x2800] =	vst v0;
	s18 =	simm.s32 $0x0  }
0x17: {  	[tilespmem:s8], [sflag:$0x1] =	stream.linear.gather [hbm4b:s3+s18], $0x2800, $0x38;
	[tilespmem:$0xA280] =	vst v63  }
0x18: {  	s31 =	sand.u32 $0xFE00, s18;
	_ =	swait.ge [sflag:s9], $0x2800  }
0x19: {  	s18 =	sand.u32 $0x70, s18;
	s19 =	sshrl.u32 s31, $0x2;
	[sflag:s9] =	ssyncset.done $0x0  }
0x1a: {  	s18 =	sor.u32 s18, s19;
	[sflag:s9] =	ssyncadd.s32 $0xFFFFD800  }
0x1b: {  	v2 =	vld [tilespmem:s18+$0x5000];
	_ =	sdelay $0x4  }
0x1c: {  	s20 =	simm.s32 $0x40  }
0x1d: {  	s20 =	sand.u32 $0xFE00, s20;
	s19 =	simm.s32 $0x80;
	s18 =	simm.s32 $0x10  }
.LBB2_4:
0x1e: {  	p0 =	sne.s32 s19, $0x9FC0;
	s21 =	sand.u32 $0x70, s18;
	s20 =	sshrl.u32 s20, $0x2  }
0x1f: {  	s20 =	sor.u32 s21, s20;
	[tilespmem:v2+s10+$0x0] =	vst.idx.add.f32.msk $0xffff, v1  }
0x20: {  	v2 =	vld [tilespmem:s20+$0x5000];
	_ =	sdelay $0x1  }
.Ltmp1:
0x21: {  	(pc) =	sbr.rel @p0 .LBB2_4-.Ltmp1, $2  }
0x22: {  	_ =	sdelay $0x2  }
0x23: {  	s18 =	sadd.s32 $0x10, s18;
	s20 =	sand.u32 $0xFE00, s19;
	s19 =	sadd.s32 $0x40, s19  }
0x24: {  	_ =	sdelay $0x2  }
0x25: {  	s18 =	sand.u32 $0x70, s18;
	s19 =	sshrl.u32 s20, $0x2  }
0x26: {  	[tilespmem:v2+s10+$0x0] =	vst.idx.add.f32.msk $0xffff, v1;
	s18 =	sor.u32 s18, s19  }
0x27: {  	v2 =	vld [tilespmem:s18+$0x5000];
	_ =	sdelay $0x7  }
0x28: {  	[tilespmem:v2+s10+$0x0] =	vst.idx.add.f32.msk $0xffff, v1  }
0x29: {  	[spmem:s4] =	stream.strided.scatter [tilespmem:s10], [sflag:$0x1], $0x2800, s12, s11, $0x38;
	[tilespmem:$0xA280] =	vst v63  }
0x2a: {  	_ =	swait.ge [sflag:s9], $0x2800  }
0x2b: {  	[sflag:s9] =	ssyncset.done $0x0  }
0x2c: {  	[sflag:s9] =	ssyncadd.s32 $0xFFFFD800  }
0x2d: {  	[bflag:$0x0] =	sbarrier.arrive $0xFFFF  }
0x2e: {  	[tilespmem:s15], [sflag:$0x1] =	stream.strided.gather [spmem:s5], $0x2800, s14, s13, $0x38;
	[tilespmem:$0xA280] =	vst v63  }
0x2f: {  	s29 =	simm.s32 $0x0;
	_ =	swait.ge [sflag:s9], $0x2800  }
0x30: {  	s30 =	sand.u32 $0x70, s29;
	s18 =	sand.u32 $0x1C00, s29;
	[sflag:s9] =	ssyncset.done $0x0  }
0x31: {  	s18 =	sor.u32 s30, s18;
	[sflag:s9] =	ssyncadd.s32 $0xFFFFD800  }
0x32: {  	v2 =	vld [tilespmem:s18+$0x7880]  }
0x33: {  	v3 =	vld [tilespmem:s18+$0x7800];
	_ =	sdelay $0x1  }
0x34: {  	v4 =	vld [tilespmem:s18+$0x7900];
	_ =	sdelay $0x1  }
0x35: {  	v5 =	vld [tilespmem:s18+$0x7980]  }
0x36: {  	v2 =	vadd.f32 v2, v3  }
0x37: {  	v3 =	vld [tilespmem:s18+$0x7A00]  }
0x38: {  	v2 =	vadd.f32 v4, v2  }
0x39: {  	v56 =	vld [tilespmem:s18+$0x7A80]  }
0x3a: {  	v2 =	vadd.f32 v5, v2  }
0x3b: {  	v57 =	vld [tilespmem:s18+$0x7B00]  }
0x3c: {  	v2 =	vadd.f32 v3, v2  }
0x3d: {  	v3 =	vld [tilespmem:s18+$0x7B80]  }
0x3e: {  	v2 =	vadd.f32 v56, v2  }
0x3f: {  	v58 =	vld [tilespmem:s18+$0x8C00]  }
0x40: {  	v2 =	vadd.f32 v57, v2  }
0x41: {  	v59 =	vld [tilespmem:s18+$0x8C80]  }
0x42: {  	v2 =	vadd.f32 v3, v2  }
0x43: {  	v3 =	vld [tilespmem:s18+$0x8D00]  }
0x44: {  	v2 =	vadd.f32 v58, v2  }
0x45: {  	v60 =	vld [tilespmem:s18+$0x8D80]  }
0x46: {  	v2 =	vadd.f32 v59, v2  }
0x47: {  	v61 =	vld [tilespmem:s18+$0x8E00]  }
0x48: {  	v2 =	vadd.f32 v3, v2  }
0x49: {  	v3 =	vld [tilespmem:s18+$0x8E80]  }
0x4a: {  	v2 =	vadd.f32 v60, v2  }
0x4b: {  	v62 =	vld [tilespmem:s18+$0x8F00]  }
0x4c: {  	v2 =	vadd.f32 v61, v2  }
0x4d: {  	v63 =	vld [tilespmem:s18+$0x8F80]  }
0x4e: {  	v2 =	vadd.f32 v3, v2;
	_ =	sdelay $0x1  }
0x4f: {  	v2 =	vadd.f32 v62, v2;
	_ =	sdelay $0x1  }
0x50: {  	s31 =	simm.s32 $0x10;
	s20 =	simm.s32 $0x80;
	v2 =	vadd.f32 v63, v2  }
0x51: {  	s19 =	sand.u32 $0x70, s31;
	s21 =	sand.u32 $0x1C00, s20;
	s18 =	simm.s32 $0xA000  }
0x52: {  	s19 =	sor.u32 s19, s21;
	s21 =	simm.s32 $0x20;
	[tilespmem:s18+$0x0] =	vst v2  }
.LBB2_6:
0x53: {  	p0 =	sne.s32 s21, $0x270;
	v2 =	vld [tilespmem:s19+$0x7880]  }
0x54: {  	v3 =	vld [tilespmem:s19+$0x7800];
	_ =	sdelay $0x1  }
0x55: {  	v4 =	vld [tilespmem:s19+$0x7900];
	_ =	sdelay $0x1  }
0x56: {  	v5 =	vld [tilespmem:s19+$0x7980]  }
0x57: {  	v2 =	vadd.f32 v2, v3  }
0x58: {  	v3 =	vld [tilespmem:s19+$0x7A00]  }
0x59: {  	v2 =	vadd.f32 v4, v2  }
0x5a: {  	v4 =	vld [tilespmem:s19+$0x7A80]  }
0x5b: {  	v2 =	vadd.f32 v5, v2  }
0x5c: {  	v5 =	vld [tilespmem:s19+$0x7B00]  }
0x5d: {  	v2 =	vadd.f32 v3, v2  }
0x5e: {  	v3 =	vld [tilespmem:s19+$0x7B80]  }
0x5f: {  	v2 =	vadd.f32 v4, v2  }
0x60: {  	v4 =	vld [tilespmem:s19+$0x8C00]  }
0x61: {  	v2 =	vadd.f32 v5, v2  }
0x62: {  	v5 =	vld [tilespmem:s19+$0x8C80]  }
0x63: {  	v2 =	vadd.f32 v3, v2  }
0x64: {  	v3 =	vld [tilespmem:s19+$0x8D00]  }
0x65: {  	v2 =	vadd.f32 v4, v2  }
0x66: {  	v4 =	vld [tilespmem:s19+$0x8D80]  }
0x67: {  	v2 =	vadd.f32 v5, v2  }
0x68: {  	v5 =	vld [tilespmem:s19+$0x8E00]  }
0x69: {  	v2 =	vadd.f32 v3, v2  }
0x6a: {  	v3 =	vld [tilespmem:s19+$0x8E80]  }
0x6b: {  	v2 =	vadd.f32 v4, v2  }
0x6c: {  	v4 =	vld [tilespmem:s19+$0x8F00]  }
0x6d: {  	v2 =	vadd.f32 v5, v2  }
0x6e: {  	v5 =	vld [tilespmem:s19+$0x8F80]  }
0x6f: {  	v2 =	vadd.f32 v3, v2;
	_ =	sdelay $0x1  }
.Ltmp2:
0x70: {  	v2 =	vadd.f32 v4, v2;
	(pc) =	sbr.rel @p0 .LBB2_6-.Ltmp2, $4  }
0x71: {  	_ = 	snop  }
0x72: {  	s20 =	sadd.s32 $0x80, s20;
	v2 =	vadd.f32 v5, v2  }
0x73: {  	s18 =	sadd.s32 $0x10, s18;
	s22 =	sand.u32 $0x1C00, s20;
	s19 =	sand.u32 $0x70, s21  }
0x74: {  	s21 =	sadd.s32 $0x10, s21;
	s19 =	sor.u32 s19, s22;
	[tilespmem:s18+$0x0] =	vst v2  }
0x75: {  	v2 =	vld [tilespmem:s19+$0x7880]  }
0x76: {  	v3 =	vld [tilespmem:s19+$0x7800];
	_ =	sdelay $0x1  }
0x77: {  	v4 =	vld [tilespmem:s19+$0x7900];
	_ =	sdelay $0x1  }
0x78: {  	v5 =	vld [tilespmem:s19+$0x7980]  }
0x79: {  	v2 =	vadd.f32 v2, v3  }
0x7a: {  	v3 =	vld [tilespmem:s19+$0x7A00]  }
0x7b: {  	v2 =	vadd.f32 v4, v2  }
0x7c: {  	v56 =	vld [tilespmem:s19+$0x7A80]  }
0x7d: {  	v2 =	vadd.f32 v5, v2  }
0x7e: {  	v57 =	vld [tilespmem:s19+$0x7B00]  }
0x7f: {  	v2 =	vadd.f32 v3, v2  }
0x80: {  	v3 =	vld [tilespmem:s19+$0x7B80]  }
0x81: {  	v2 =	vadd.f32 v56, v2  }
0x82: {  	v58 =	vld [tilespmem:s19+$0x8C00]  }
0x83: {  	v2 =	vadd.f32 v57, v2  }
0x84: {  	v59 =	vld [tilespmem:s19+$0x8C80]  }
0x85: {  	v2 =	vadd.f32 v3, v2  }
0x86: {  	v3 =	vld [tilespmem:s19+$0x8D00]  }
0x87: {  	v2 =	vadd.f32 v58, v2  }
0x88: {  	v60 =	vld [tilespmem:s19+$0x8D80]  }
0x89: {  	v2 =	vadd.f32 v59, v2  }
0x8a: {  	v61 =	vld [tilespmem:s19+$0x8E00]  }
0x8b: {  	v2 =	vadd.f32 v3, v2  }
0x8c: {  	v3 =	vld [tilespmem:s19+$0x8E80]  }
0x8d: {  	v2 =	vadd.f32 v60, v2  }
0x8e: {  	v62 =	vld [tilespmem:s19+$0x8F00]  }
0x8f: {  	v2 =	vadd.f32 v61, v2  }
0x90: {  	v63 =	vld [tilespmem:s19+$0x8F80]  }
0x91: {  	v2 =	vadd.f32 v3, v2;
	_ =	sdelay $0x1  }
0x92: {  	v2 =	vadd.f32 v62, v2;
	_ =	sdelay $0x1  }
0x93: {  	s2 =	sadd.s32 $0x1, s2;
	v2 =	vadd.f32 v63, v2  }
0x94: {  	s18 =	sadd.s32 $0x10, s18;
	p0 =	sne.s32 s2, s7  }
.Ltmp3:
0x95: {  	[tilespmem:s18+$0x0] =	vst v2;
	(pc) =	sbr.rel @p0 .LBB2_1-.Ltmp3, $4  }
0x96: {  	[hbm4b:s6+s11] =	stream.strided.scatter [tilespmem:s17], [sflag:$0x1], $0x280, s16, s11, $0x38;
	[tilespmem:$0xA280] =	vst v63  }
0x97: {  	_ =	swait.ge [sflag:s9], $0x280  }
0x98: {  	[sflag:s9] =	ssyncset.done $0x0  }
0x99: {  	[sflag:s9] =	ssyncadd.s32 $0xFFFFFD80  }
0x9a: {  	_ =	sfence.sel $0x180000  }
0x9b: {  	[bflag:$0x0] =	sbarrier.arrive $0xFFFF  }
0x9c: {  	p0 =	sne.s32 s0, $0x0;
	_ =	strace $0x90000047  }
0x9d: {  	s0 =	sadd.s32 @!p0 $0x100000, s1;
	[bflag:$0x2] =	sbarrier.arrive $0xFFFF  }
0x9e: {  	[sflag:s0] =	ssyncadd.tile.s32 @!p0 $0x1;
	_ =	shalt  }
.Lfunc_end2:
_tile_overlayer_lowered:
.L_overlay_start_2:
0x9f: {  	(tag) =	ssettag $0x2  }
0xa0: {  	s0 =	rddreg [dreg:$0x0];
	s2 =	stileid.u32  }
0xa1: {  	s1 =	rddreg [dreg:$0x1];
	p0 =	sne.s32 s2, $0x0  }
0xa2: {  	s3 =	rddreg [dreg:$0x2];
	[bflag:$0x3] =	sbarrier.arrive $0xFFFF;
	s2 =	simm.s32 @!p0 $0x1C01  }
0xa3: {  	[timem:s3], [sflag:s2] =	dma.local @!p0 [hbm:s0], s1  }
0xa4: {  	s0 =	simm.s32 @!p0 $0x1  }
0xa5: {  	_ =	swait.ge @!p0 [sflag:s0], s1  }
0xa6: {  	s1 =	ssub.s32 @!p0 $0x0, s1;
	[sflag:s0] =	ssyncset.done @!p0 $0x0  }
0xa7: {  	[sflag:s0] =	ssyncadd.s32 @!p0 s1  }
0xa8: {  	[bflag:$0x3] =	sbarrier.arrive $0xFFFF  }
0xa9: {  	_ =	shalt  }

</sc_bundles>
